<compile_context>
chip_gen: v7x
topology: tpu7x:2x2x1
jax: 0.10.2.dev20260603
libtpu: 0.0.44.dev20260713+nightly
codegen_flags: <defaults>
</compile_context>

<pallas_src>
import jax
import jax.numpy as jnp
from jax import lax
from jax.experimental import pallas as pl
from jax.experimental.pallas import tpu as pltpu
from jax.experimental.pallas import tpu_sc as plsc

N_NODES = 10000
N_PAD = 10240
NC, NS = 2, 16
NW = NC * NS
CHUNK = 128
NCH = 80
E_PAD = NW * NCH * CHUNK
IDXG = 8
RPT = N_PAD // NS
D = 128
DP = 48


def _make_sc_agg():
  mesh = plsc.VectorSubcoreMesh(core_axis_name="c", subcore_axis_name="s")
  scratch = [
      pltpu.VMEM((IDXG, CHUNK), jnp.int32),
      pltpu.VMEM((IDXG, CHUNK), jnp.int32),
      pltpu.VMEM((CHUNK, D), jnp.float32),
      pltpu.VMEM_SHARED((N_PAD, D), jnp.float32),
      pltpu.SemaphoreType.DMA,
  ]

  def body(table, srcb, dstb, zrows, agg_out, src_v, dst_v, rows_v, acc_sh,
           sem):
    c = lax.axis_index("c")
    s = lax.axis_index("s")
    wid = s * NC + c
    base = s * RPT
    pltpu.sync_copy(zrows, rows_v)
    for k in range(RPT // CHUNK):
      pltpu.sync_copy(rows_v, acc_sh.at[pl.ds(base + k * CHUNK, CHUNK)])
    plsc.subcore_barrier()

    def group(g, carry):
      pltpu.sync_copy(srcb.at[wid, pl.ds(g * IDXG, IDXG)], src_v)
      pltpu.sync_copy(dstb.at[wid, pl.ds(g * IDXG, IDXG)], dst_v)

      def step(j, carry2):
        pltpu.async_copy(table.at[src_v.at[j]], rows_v, sem).wait()
        pltpu.sync_copy(rows_v, acc_sh.at[dst_v.at[j]], add=True)
        return carry2

      lax.fori_loop(0, IDXG, step, 0)
      return carry

    lax.fori_loop(0, NCH // IDXG, group, 0)
    plsc.subcore_barrier()
    for k in range(RPT // CHUNK):
      off = base + k * CHUNK
      pltpu.sync_copy(acc_sh.at[pl.ds(off, CHUNK)], rows_v)
      pltpu.sync_copy(rows_v, agg_out.at[c, pl.ds(off, CHUNK)])

  return pl.kernel(
      body,
      out_type=jax.ShapeDtypeStruct((NC, N_PAD, D), jnp.float32),
      mesh=mesh, scratch_types=scratch)


def _make_sc_deg():
  mesh = plsc.VectorSubcoreMesh(core_axis_name="c", subcore_axis_name="s")
  scratch = [
      pltpu.VMEM((IDXG, CHUNK), jnp.int32),
      pltpu.VMEM((CHUNK, D), jnp.float32),
      pltpu.VMEM_SHARED((N_PAD, D), jnp.float32),
  ]

  def body(dstb, zrows, ones, deg_out, dst_v, ones_v, deg_sh):
    c = lax.axis_index("c")
    s = lax.axis_index("s")
    wid = s * NC + c
    base = s * RPT
    pltpu.sync_copy(zrows, ones_v)
    for k in range(RPT // CHUNK):
      pltpu.sync_copy(ones_v, deg_sh.at[pl.ds(base + k * CHUNK, CHUNK)])
    pltpu.sync_copy(ones, ones_v)
    plsc.subcore_barrier()

    def group(g, carry):
      pltpu.sync_copy(dstb.at[wid, pl.ds(g * IDXG, IDXG)], dst_v)

      def step(j, carry2):
        pltpu.sync_copy(ones_v, deg_sh.at[dst_v.at[j]], add=True)
        return carry2

      lax.fori_loop(0, IDXG, step, 0)
      return carry

    lax.fori_loop(0, NCH // IDXG, group, 0)
    plsc.subcore_barrier()
    for k in range(RPT // CHUNK):
      off = base + k * CHUNK
      pltpu.sync_copy(deg_sh.at[pl.ds(off, CHUNK)], ones_v)
      pltpu.sync_copy(ones_v, deg_out.at[c, pl.ds(off, CHUNK)])

  return pl.kernel(
      body,
      out_type=jax.ShapeDtypeStruct((NC, N_PAD, D), jnp.float32),
      mesh=mesh, scratch_types=scratch)


_sc_agg = _make_sc_agg()
_sc_deg = _make_sc_deg()


def _tc_layer(x, a, dg, ws1, wn1, b1r, ws2, wn2, b2r):
  BR = 256

  def body(x_ref, a_ref, dg_ref, ws1_r, wn1_r, b1_ref, ws2_r, wn2_r, b2_ref,
           p_ref, os_ref):
    deg = dg_ref[0] + dg_ref[1]
    inv = 1.0 / jnp.maximum(deg, 1.0)
    mean = (a_ref[0] + a_ref[1]) * inv[:, 0:1]
    h = jnp.dot(x_ref[...], ws1_r[...], preferred_element_type=jnp.float32)
    h = h + jnp.dot(mean, wn1_r[...], preferred_element_type=jnp.float32)
    h = jnp.maximum(h + b1_ref[...], 0.0)
    p_ref[...] = jnp.dot(h, wn2_r[...], preferred_element_type=jnp.float32)
    os_ref[...] = (jnp.dot(h, ws2_r[...], preferred_element_type=jnp.float32)
                   + b2_ref[...])

  return pl.pallas_call(
      body,
      grid=(N_PAD // BR,),
      in_specs=[
          pl.BlockSpec((BR, 128), lambda i: (i, 0)),
          pl.BlockSpec((NC, BR, 128), lambda i: (0, i, 0)),
          pl.BlockSpec((NC, BR, 128), lambda i: (0, i, 0)),
          pl.BlockSpec((128, 256), lambda i: (0, 0)),
          pl.BlockSpec((128, 256), lambda i: (0, 0)),
          pl.BlockSpec((1, 256), lambda i: (0, 0)),
          pl.BlockSpec((256, DP), lambda i: (0, 0)),
          pl.BlockSpec((256, 128), lambda i: (0, 0)),
          pl.BlockSpec((1, DP), lambda i: (0, 0)),
      ],
      out_specs=[
          pl.BlockSpec((BR, 128), lambda i: (i, 0)),
          pl.BlockSpec((BR, DP), lambda i: (i, 0)),
      ],
      out_shape=[
          jax.ShapeDtypeStruct((N_PAD, 128), jnp.float32),
          jax.ShapeDtypeStruct((N_PAD, DP), jnp.float32),
      ],
  )(x, a, dg, ws1, wn1, b1r, ws2, wn2, b2r)


def _tc_combine(oself, q, dg):
  BR = 1024

  def body(os_ref, q_ref, dg_ref, out_ref):
    deg = dg_ref[0] + dg_ref[1]
    inv = 1.0 / jnp.maximum(deg, 1.0)
    qs = q_ref[0] + q_ref[1]
    out_ref[...] = os_ref[...] + qs[:, :DP] * inv[:, 0:1]

  return pl.pallas_call(
      body,
      grid=(N_PAD // BR,),
      in_specs=[
          pl.BlockSpec((BR, DP), lambda i: (i, 0)),
          pl.BlockSpec((NC, BR, 128), lambda i: (0, i, 0)),
          pl.BlockSpec((NC, BR, 128), lambda i: (0, i, 0)),
      ],
      out_specs=pl.BlockSpec((BR, DP), lambda i: (i, 0)),
      out_shape=jax.ShapeDtypeStruct((N_PAD, DP), jnp.float32),
  )(oself, q, dg)


def kernel(features, edge_index, W_self1, W_neigh1, b1, W_self2, W_neigh2,
           b2):
  f32 = jnp.float32
  x = jnp.pad(features, ((0, N_PAD - N_NODES), (0, 0)))
  src = edge_index[0]
  dst = edge_index[1]
  pad_e = E_PAD - src.shape[0]
  srcb = jnp.concatenate(
      [src, jnp.zeros((pad_e,), jnp.int32)]).reshape(NW, NCH, CHUNK)
  dstb = jnp.concatenate(
      [dst, jnp.full((pad_e,), N_PAD - 1, jnp.int32)]).reshape(NW, NCH, CHUNK)
  zrows = jnp.zeros((CHUNK, 128), f32)
  ones = jnp.ones((CHUNK, 128), f32)

  degp = _sc_deg(dstb, zrows, ones)
  zrows2, degp = lax.optimization_barrier((zrows, degp))
  agg1 = _sc_agg(x, srcb, dstb, zrows2)

  w2s = jnp.pad(W_self2, ((0, 0), (0, DP - W_self2.shape[1])))
  w2n = jnp.pad(W_neigh2, ((0, 0), (0, 128 - W_neigh2.shape[1])))
  b2r = jnp.pad(b2, (0, DP - b2.shape[0])).reshape(1, DP)
  b1r = b1.reshape(1, 256)
  p, oself = _tc_layer(x, agg1, degp, W_self1, W_neigh1, b1r, w2s, w2n, b2r)

  q = _sc_agg(p, srcb, dstb, zrows)

  out = _tc_combine(oself, q, degp)
  return out[:N_NODES, :W_self2.shape[1]]

# --- scband reference (transcript-rebuilt; emitter-appended) ---
"""Pipeline reference for scband-sage-delta-7146825581285 (READ-ONLY COPY).

The authoritative reference and input builder live on the scoring server;
editing this copy changes nothing except your own understanding.
"""

import jax, jax.numpy as jnp
import numpy as np

N_NODES = 10000
N_EDGES = 320000
IN_FEATS = 128
N_HIDDEN = 256
N_CLASSES = 47


def setup_inputs(seed: int = 0) -> dict:
    key = jax.random.key(seed)
    ks = jax.random.split(key, 8)
    features = jax.random.normal(ks[0], (N_NODES, IN_FEATS), dtype=jnp.float32)
    edge_index = jax.random.randint(ks[1], (2, N_EDGES), 0, N_NODES, dtype=jnp.int32)
    s1 = 1.0 / np.sqrt(IN_FEATS)
    s2 = 1.0 / np.sqrt(N_HIDDEN)
    W_self1 = jax.random.normal(ks[2], (IN_FEATS, N_HIDDEN), dtype=jnp.float32) * s1
    W_neigh1 = jax.random.normal(ks[3], (IN_FEATS, N_HIDDEN), dtype=jnp.float32) * s1
    b1 = jnp.zeros((N_HIDDEN,), dtype=jnp.float32)
    W_self2 = jax.random.normal(ks[4], (N_HIDDEN, N_CLASSES), dtype=jnp.float32) * s2
    W_neigh2 = jax.random.normal(ks[5], (N_HIDDEN, N_CLASSES), dtype=jnp.float32) * s2
    b2 = jnp.zeros((N_CLASSES,), dtype=jnp.float32)
    return {
        "features": features,
        "edge_index": edge_index,
        "W_self1": W_self1,
        "W_neigh1": W_neigh1,
        "b1": b1,
        "W_self2": W_self2,
        "W_neigh2": W_neigh2,
        "b2": b2,
    }


def _sage_mean_layer(h, src, dst, n_nodes, W_self, W_neigh, b):
    # DGL SAGEConv 'mean': fc_self(h) + fc_neigh(mean_{u in N(v)} h_u) + bias
    msg = jnp.take(h, src, axis=0)
    agg = jax.ops.segment_sum(msg, dst, num_segments=n_nodes)
    deg = jax.ops.segment_sum(jnp.ones((src.shape[0],), dtype=h.dtype), dst, num_segments=n_nodes)
    mean_neigh = agg / jnp.clip(deg, 1.0)[:, None]
    return h @ W_self + mean_neigh @ W_neigh + b


def reference(features, edge_index, W_self1, W_neigh1, b1, W_self2, W_neigh2, b2):
    # SAGE_delta forward with n_layers=2, ngh_high_deg=None, ngh_low_deg=None,
    # dropout p=0.0 (identity), activation=relu.
    src = edge_index[0]
    dst = edge_index[1]
    n_nodes = features.shape[0]
    h = _sage_mean_layer(features, src, dst, n_nodes, W_self1, W_neigh1, b1)
    h = jax.nn.relu(h)
    h = _sage_mean_layer(h, src, dst, n_nodes, W_self2, W_neigh2, b2)
    return h

if __name__ == "__main__":
    import jax
    _d = setup_inputs()
    print(jax.jit(kernel)(*tuple(_d.values())))

</pallas_src>

<mosaic_0001>
#map = affine_map<(d0, d1) -> (0, 0)>
#map1 = affine_map<(d0, d1) -> (0, 0, 0)>
module attributes {stable_mosaic.version = 14 : i64} {
  func.func @body(%arg0: i32, %arg1: i32, %arg2: memref<10240x128xf32, #tpu.memory_space<hbm>>, %arg3: memref<32x80x128xi32, #tpu.memory_space<hbm>>, %arg4: memref<32x80x128xi32, #tpu.memory_space<hbm>>, %arg5: memref<128x128xf32, #tpu.memory_space<hbm>>, %arg6: memref<2x10240x128xf32, #tpu.memory_space<hbm>>, %arg7: memref<8x128xi32, #tpu.memory_space<vmem>>, %arg8: memref<8x128xi32, #tpu.memory_space<vmem>>, %arg9: memref<128x128xf32, #tpu.memory_space<vmem>>, %arg10: memref<10240x128xf32, #tpu.memory_space<vmem_shared>>, %arg11: memref<!tpu.dma_semaphore, #tpu.memory_space<semaphore_mem>>) attributes {dimension_semantics = [#tpu.dimension_semantics<core_parallel>, #tpu.dimension_semantics<subcore_parallel>], iteration_bounds = array<i64: 2, 16>, scalar_prefetch = 0 : i64, scratch_operands = 5 : i64, tpu.core_type = #tpu.core_type<sc_vector_subcore>, window_params = [{transform_indices = #map}, {transform_indices = #map1}, {transform_indices = #map1}, {transform_indices = #map}, {transform_indices = #map1}]} {
    %mul3A = arith.constant 2 : i32
    %mul3A_0 = arith.muli %arg1, %mul3A : i32
    %add3A = arith.addi %mul3A_0, %arg0 : i32
    %mul3A_1 = arith.constant 640 : i32
    %mul3A_2 = arith.muli %arg1, %mul3A_1 : i32
    "tpu.region"() ({
      %run_scoped3A = tpu.sem_alloc : memref<!tpu.dma_semaphore, #tpu.memory_space<semaphore_mem>>
      tpu.enqueue_dma source(%arg5 : memref<128x128xf32, #tpu.memory_space<hbm>>) target(%arg9 : memref<128x128xf32, #tpu.memory_space<vmem>>) target_semaphore(%run_scoped3A : memref<!tpu.dma_semaphore, #tpu.memory_space<semaphore_mem>>)
      tpu.wait_dma2 semaphore(%run_scoped3A : memref<!tpu.dma_semaphore, #tpu.memory_space<semaphore_mem>>) src(%arg5 : memref<128x128xf32, #tpu.memory_space<hbm>>) dst(%arg9 : memref<128x128xf32, #tpu.memory_space<vmem>>)
      tpu.yield
    }) : () -> ()
    %add3A_3 = arith.constant 0 : i32
    %add3A_4 = arith.addi %mul3A_2, %add3A_3 : i32
    "tpu.region"() ({
      %run_scoped3A = tpu.sem_alloc : memref<!tpu.dma_semaphore, #tpu.memory_space<semaphore_mem>>
      %dma_start3A = arith.constant 0 : i32
      %dma_start3A_29 = tpu.memref_slice %arg10[%add3A_4, %dma_start3A] : memref<10240x128xf32, #tpu.memory_space<vmem_shared>> -> memref<128x128xf32, #tpu.memory_space<vmem_shared>>
      %dma_start3A_30 = arith.constant 0 : i32
      %dma_start3A_31 = tpu.memref_slice %arg10[%add3A_4, %dma_start3A_30] : memref<10240x128xf32, #tpu.memory_space<vmem_shared>> -> memref<128x128xf32, #tpu.memory_space<vmem_shared>>
      tpu.enqueue_dma source(%arg9 : memref<128x128xf32, #tpu.memory_space<vmem>>) target(%dma_start3A_31 : memref<128x128xf32, #tpu.memory_space<vmem_shared>>) target_semaphore(%run_scoped3A : memref<!tpu.dma_semaphore, #tpu.memory_space<semaphore_mem>>)
      %dma_wait3A = arith.constant 0 : i32
      %dma_wait3A_32 = tpu.memref_slice %arg10[%add3A_4, %dma_wait3A] : memref<10240x128xf32, #tpu.memory_space<vmem_shared>> -> memref<128x128xf32, #tpu.memory_space<vmem_shared>>
      %dma_wait3A_33 = arith.constant 0 : i32
      %dma_wait3A_34 = tpu.memref_slice %arg10[%add3A_4, %dma_wait3A_33] : memref<10240x128xf32, #tpu.memory_space<vmem_shared>> -> memref<128x128xf32, #tpu.memory_space<vmem_shared>>
      tpu.wait_dma2 semaphore(%run_scoped3A : memref<!tpu.dma_semaphore, #tpu.memory_space<semaphore_mem>>) src(%arg9 : memref<128x128xf32, #tpu.memory_space<vmem>>) dst(%dma_wait3A_34 : memref<128x128xf32, #tpu.memory_space<vmem_shared>>)
      tpu.yield
    }) : () -> ()
    %add3A_5 = arith.constant 128 : i32
    %add3A_6 = arith.addi %mul3A_2, %add3A_5 : i32
    "tpu.region"() ({
      %run_scoped3A = tpu.sem_alloc : memref<!tpu.dma_semaphore, #tpu.memory_space<semaphore_mem>>
      %dma_start3A = arith.constant 0 : i32
      %dma_start3A_29 = tpu.memref_slice %arg10[%add3A_6, %dma_start3A] : memref<10240x128xf32, #tpu.memory_space<vmem_shared>> -> memref<128x128xf32, #tpu.memory_space<vmem_shared>>
      %dma_start3A_30 = arith.constant 0 : i32
      %dma_start3A_31 = tpu.memref_slice %arg10[%add3A_6, %dma_start3A_30] : memref<10240x128xf32, #tpu.memory_space<vmem_shared>> -> memref<128x128xf32, #tpu.memory_space<vmem_shared>>
      tpu.enqueue_dma source(%arg9 : memref<128x128xf32, #tpu.memory_space<vmem>>) target(%dma_start3A_31 : memref<128x128xf32, #tpu.memory_space<vmem_shared>>) target_semaphore(%run_scoped3A : memref<!tpu.dma_semaphore, #tpu.memory_space<semaphore_mem>>)
      %dma_wait3A = arith.constant 0 : i32
      %dma_wait3A_32 = tpu.memref_slice %arg10[%add3A_6, %dma_wait3A] : memref<10240x128xf32, #tpu.memory_space<vmem_shared>> -> memref<128x128xf32, #tpu.memory_space<vmem_shared>>
      %dma_wait3A_33 = arith.constant 0 : i32
      %dma_wait3A_34 = tpu.memref_slice %arg10[%add3A_6, %dma_wait3A_33] : memref<10240x128xf32, #tpu.memory_space<vmem_shared>> -> memref<128x128xf32, #tpu.memory_space<vmem_shared>>
      tpu.wait_dma2 semaphore(%run_scoped3A : memref<!tpu.dma_semaphore, #tpu.memory_space<semaphore_mem>>) src(%arg9 : memref<128x128xf32, #tpu.memory_space<vmem>>) dst(%dma_wait3A_34 : memref<128x128xf32, #tpu.memory_space<vmem_shared>>)
      tpu.yield
    }) : () -> ()
    %add3A_7 = arith.constant 256 : i32
    %add3A_8 = arith.addi %mul3A_2, %add3A_7 : i32
    "tpu.region"() ({
      %run_scoped3A = tpu.sem_alloc : memref<!tpu.dma_semaphore, #tpu.memory_space<semaphore_mem>>
      %dma_start3A = arith.constant 0 : i32
      %dma_start3A_29 = tpu.memref_slice %arg10[%add3A_8, %dma_start3A] : memref<10240x128xf32, #tpu.memory_space<vmem_shared>> -> memref<128x128xf32, #tpu.memory_space<vmem_shared>>
      %dma_start3A_30 = arith.constant 0 : i32
      %dma_start3A_31 = tpu.memref_slice %arg10[%add3A_8, %dma_start3A_30] : memref<10240x128xf32, #tpu.memory_space<vmem_shared>> -> memref<128x128xf32, #tpu.memory_space<vmem_shared>>
      tpu.enqueue_dma source(%arg9 : memref<128x128xf32, #tpu.memory_space<vmem>>) target(%dma_start3A_31 : memref<128x128xf32, #tpu.memory_space<vmem_shared>>) target_semaphore(%run_scoped3A : memref<!tpu.dma_semaphore, #tpu.memory_space<semaphore_mem>>)
      %dma_wait3A = arith.constant 0 : i32
      %dma_wait3A_32 = tpu.memref_slice %arg10[%add3A_8, %dma_wait3A] : memref<10240x128xf32, #tpu.memory_space<vmem_shared>> -> memref<128x128xf32, #tpu.memory_space<vmem_shared>>
      %dma_wait3A_33 = arith.constant 0 : i32
      %dma_wait3A_34 = tpu.memref_slice %arg10[%add3A_8, %dma_wait3A_33] : memref<10240x128xf32, #tpu.memory_space<vmem_shared>> -> memref<128x128xf32, #tpu.memory_space<vmem_shared>>
      tpu.wait_dma2 semaphore(%run_scoped3A : memref<!tpu.dma_semaphore, #tpu.memory_space<semaphore_mem>>) src(%arg9 : memref<128x128xf32, #tpu.memory_space<vmem>>) dst(%dma_wait3A_34 : memref<128x128xf32, #tpu.memory_space<vmem_shared>>)
      tpu.yield
    }) : () -> ()
    %add3A_9 = arith.constant 384 : i32
    %add3A_10 = arith.addi %mul3A_2, %add3A_9 : i32
    "tpu.region"() ({
      %run_scoped3A = tpu.sem_alloc : memref<!tpu.dma_semaphore, #tpu.memory_space<semaphore_mem>>
      %dma_start3A = arith.constant 0 : i32
      %dma_start3A_29 = tpu.memref_slice %arg10[%add3A_10, %dma_start3A] : memref<10240x128xf32, #tpu.memory_space<vmem_shared>> -> memref<128x128xf32, #tpu.memory_space<vmem_shared>>
      %dma_start3A_30 = arith.constant 0 : i32
      %dma_start3A_31 = tpu.memref_slice %arg10[%add3A_10, %dma_start3A_30] : memref<10240x128xf32, #tpu.memory_space<vmem_shared>> -> memref<128x128xf32, #tpu.memory_space<vmem_shared>>
      tpu.enqueue_dma source(%arg9 : memref<128x128xf32, #tpu.memory_space<vmem>>) target(%dma_start3A_31 : memref<128x128xf32, #tpu.memory_space<vmem_shared>>) target_semaphore(%run_scoped3A : memref<!tpu.dma_semaphore, #tpu.memory_space<semaphore_mem>>)
      %dma_wait3A = arith.constant 0 : i32
      %dma_wait3A_32 = tpu.memref_slice %arg10[%add3A_10, %dma_wait3A] : memref<10240x128xf32, #tpu.memory_space<vmem_shared>> -> memref<128x128xf32, #tpu.memory_space<vmem_shared>>
      %dma_wait3A_33 = arith.constant 0 : i32
      %dma_wait3A_34 = tpu.memref_slice %arg10[%add3A_10, %dma_wait3A_33] : memref<10240x128xf32, #tpu.memory_space<vmem_shared>> -> memref<128x128xf32, #tpu.memory_space<vmem_shared>>
      tpu.wait_dma2 semaphore(%run_scoped3A : memref<!tpu.dma_semaphore, #tpu.memory_space<semaphore_mem>>) src(%arg9 : memref<128x128xf32, #tpu.memory_space<vmem>>) dst(%dma_wait3A_34 : memref<128x128xf32, #tpu.memory_space<vmem_shared>>)
      tpu.yield
    }) : () -> ()
    %add3A_11 = arith.constant 512 : i32
    %add3A_12 = arith.addi %mul3A_2, %add3A_11 : i32
    "tpu.region"() ({
      %run_scoped3A = tpu.sem_alloc : memref<!tpu.dma_semaphore, #tpu.memory_space<semaphore_mem>>
      %dma_start3A = arith.constant 0 : i32
      %dma_start3A_29 = tpu.memref_slice %arg10[%add3A_12, %dma_start3A] : memref<10240x128xf32, #tpu.memory_space<vmem_shared>> -> memref<128x128xf32, #tpu.memory_space<vmem_shared>>
      %dma_start3A_30 = arith.constant 0 : i32
      %dma_start3A_31 = tpu.memref_slice %arg10[%add3A_12, %dma_start3A_30] : memref<10240x128xf32, #tpu.memory_space<vmem_shared>> -> memref<128x128xf32, #tpu.memory_space<vmem_shared>>
      tpu.enqueue_dma source(%arg9 : memref<128x128xf32, #tpu.memory_space<vmem>>) target(%dma_start3A_31 : memref<128x128xf32, #tpu.memory_space<vmem_shared>>) target_semaphore(%run_scoped3A : memref<!tpu.dma_semaphore, #tpu.memory_space<semaphore_mem>>)
      %dma_wait3A = arith.constant 0 : i32
      %dma_wait3A_32 = tpu.memref_slice %arg10[%add3A_12, %dma_wait3A] : memref<10240x128xf32, #tpu.memory_space<vmem_shared>> -> memref<128x128xf32, #tpu.memory_space<vmem_shared>>
      %dma_wait3A_33 = arith.constant 0 : i32
      %dma_wait3A_34 = tpu.memref_slice %arg10[%add3A_12, %dma_wait3A_33] : memref<10240x128xf32, #tpu.memory_space<vmem_shared>> -> memref<128x128xf32, #tpu.memory_space<vmem_shared>>
      tpu.wait_dma2 semaphore(%run_scoped3A : memref<!tpu.dma_semaphore, #tpu.memory_space<semaphore_mem>>) src(%arg9 : memref<128x128xf32, #tpu.memory_space<vmem>>) dst(%dma_wait3A_34 : memref<128x128xf32, #tpu.memory_space<vmem_shared>>)
      tpu.yield
    }) : () -> ()
    %barrier3A = arith.constant 0 : index
    tpu.barrier barrier_id(%barrier3A)
    %scan3A = arith.constant 0 : i32
    %scan3A_13 = arith.constant 0 : i32
    %scan3A_14 = arith.constant 10 : i32
    %scan3A_15 = arith.addi %scan3A_13, %scan3A_14 : i32
    %scan3A_16 = arith.constant 1 : i32
    scf.for %scan3A_29 = %scan3A_13 to %scan3A_15 step %scan3A_16  : i32 {
      %mul3A_30 = arith.constant 8 : i32
      %mul3A_31 = arith.muli %scan3A_29, %mul3A_30 : i32
      "tpu.region"() ({
        %run_scoped3A = tpu.sem_alloc : memref<!tpu.dma_semaphore, #tpu.memory_space<semaphore_mem>>
        %dma_start3A = arith.constant 0 : i32
        %dma_start3A_40 = tpu.memref_slice %arg3[%add3A, %mul3A_31, %dma_start3A] : memref<32x80x128xi32, #tpu.memory_space<hbm>> -> memref<1x8x128xi32, #tpu.memory_space<hbm>>
        %dma_start3A_41 = tpu.memref_squeeze %dma_start3A_40 : memref<1x8x128xi32, #tpu.memory_space<hbm>> -> memref<8x128xi32, #tpu.memory_space<hbm>>
        %dma_start3A_42 = arith.constant 0 : i32
        %dma_start3A_43 = tpu.memref_slice %arg3[%add3A, %mul3A_31, %dma_start3A_42] : memref<32x80x128xi32, #tpu.memory_space<hbm>> -> memref<1x8x128xi32, #tpu.memory_space<hbm>>
        %dma_start3A_44 = tpu.memref_squeeze %dma_start3A_43 : memref<1x8x128xi32, #tpu.memory_space<hbm>> -> memref<8x128xi32, #tpu.memory_space<hbm>>
        tpu.enqueue_dma source(%dma_start3A_44 : memref<8x128xi32, #tpu.memory_space<hbm>>) target(%arg7 : memref<8x128xi32, #tpu.memory_space<vmem>>) target_semaphore(%run_scoped3A : memref<!tpu.dma_semaphore, #tpu.memory_space<semaphore_mem>>)
        %dma_wait3A = arith.constant 0 : i32
        %dma_wait3A_45 = tpu.memref_slice %arg3[%add3A, %mul3A_31, %dma_wait3A] : memref<32x80x128xi32, #tpu.memory_space<hbm>> -> memref<1x8x128xi32, #tpu.memory_space<hbm>>
        %dma_wait3A_46 = tpu.memref_squeeze %dma_wait3A_45 : memref<1x8x128xi32, #tpu.memory_space<hbm>> -> memref<8x128xi32, #tpu.memory_space<hbm>>
        %dma_wait3A_47 = arith.constant 0 : i32
        %dma_wait3A_48 = tpu.memref_slice %arg3[%add3A, %mul3A_31, %dma_wait3A_47] : memref<32x80x128xi32, #tpu.memory_space<hbm>> -> memref<1x8x128xi32, #tpu.memory_space<hbm>>
        %dma_wait3A_49 = tpu.memref_squeeze %dma_wait3A_48 : memref<1x8x128xi32, #tpu.memory_space<hbm>> -> memref<8x128xi32, #tpu.memory_space<hbm>>
        tpu.wait_dma2 semaphore(%run_scoped3A : memref<!tpu.dma_semaphore, #tpu.memory_space<semaphore_mem>>) src(%dma_wait3A_49 : memref<8x128xi32, #tpu.memory_space<hbm>>) dst(%arg7 : memref<8x128xi32, #tpu.memory_space<vmem>>)
        tpu.yield
      }) : () -> ()
      %mul3A_32 = arith.constant 8 : i32
      %mul3A_33 = arith.muli %scan3A_29, %mul3A_32 : i32
      "tpu.region"() ({
        %run_scoped3A = tpu.sem_alloc : memref<!tpu.dma_semaphore, #tpu.memory_space<semaphore_mem>>
        %dma_start3A = arith.constant 0 : i32
        %dma_start3A_40 = tpu.memref_slice %arg4[%add3A, %mul3A_33, %dma_start3A] : memref<32x80x128xi32, #tpu.memory_space<hbm>> -> memref<1x8x128xi32, #tpu.memory_space<hbm>>
        %dma_start3A_41 = tpu.memref_squeeze %dma_start3A_40 : memref<1x8x128xi32, #tpu.memory_space<hbm>> -> memref<8x128xi32, #tpu.memory_space<hbm>>
        %dma_start3A_42 = arith.constant 0 : i32
        %dma_start3A_43 = tpu.memref_slice %arg4[%add3A, %mul3A_33, %dma_start3A_42] : memref<32x80x128xi32, #tpu.memory_space<hbm>> -> memref<1x8x128xi32, #tpu.memory_space<hbm>>
        %dma_start3A_44 = tpu.memref_squeeze %dma_start3A_43 : memref<1x8x128xi32, #tpu.memory_space<hbm>> -> memref<8x128xi32, #tpu.memory_space<hbm>>
        tpu.enqueue_dma source(%dma_start3A_44 : memref<8x128xi32, #tpu.memory_space<hbm>>) target(%arg8 : memref<8x128xi32, #tpu.memory_space<vmem>>) target_semaphore(%run_scoped3A : memref<!tpu.dma_semaphore, #tpu.memory_space<semaphore_mem>>)
        %dma_wait3A = arith.constant 0 : i32
        %dma_wait3A_45 = tpu.memref_slice %arg4[%add3A, %mul3A_33, %dma_wait3A] : memref<32x80x128xi32, #tpu.memory_space<hbm>> -> memref<1x8x128xi32, #tpu.memory_space<hbm>>
        %dma_wait3A_46 = tpu.memref_squeeze %dma_wait3A_45 : memref<1x8x128xi32, #tpu.memory_space<hbm>> -> memref<8x128xi32, #tpu.memory_space<hbm>>
        %dma_wait3A_47 = arith.constant 0 : i32
        %dma_wait3A_48 = tpu.memref_slice %arg4[%add3A, %mul3A_33, %dma_wait3A_47] : memref<32x80x128xi32, #tpu.memory_space<hbm>> -> memref<1x8x128xi32, #tpu.memory_space<hbm>>
        %dma_wait3A_49 = tpu.memref_squeeze %dma_wait3A_48 : memref<1x8x128xi32, #tpu.memory_space<hbm>> -> memref<8x128xi32, #tpu.memory_space<hbm>>
        tpu.wait_dma2 semaphore(%run_scoped3A : memref<!tpu.dma_semaphore, #tpu.memory_space<semaphore_mem>>) src(%dma_wait3A_49 : memref<8x128xi32, #tpu.memory_space<hbm>>) dst(%arg8 : memref<8x128xi32, #tpu.memory_space<vmem>>)
        tpu.yield
      }) : () -> ()
      %scan3A_34 = arith.constant 0 : i32
      %scan3A_35 = arith.constant 0 : i32
      %scan3A_36 = arith.constant 8 : i32
      %scan3A_37 = arith.addi %scan3A_35, %scan3A_36 : i32
      %scan3A_38 = arith.constant 1 : i32
      scf.for %scan3A_40 = %scan3A_35 to %scan3A_37 step %scan3A_38  : i32 {
        %dma_start3A = arith.constant 0 : i32
        %dma_start3A_41 = tpu.memref_slice %arg7[%scan3A_40, %dma_start3A] : memref<8x128xi32, #tpu.memory_space<vmem>> -> memref<1x128xi32, #tpu.memory_space<vmem>>
        %dma_start3A_42 = tpu.memref_squeeze %dma_start3A_41 : memref<1x128xi32, #tpu.memory_space<vmem>> -> memref<128xi32, #tpu.memory_space<vmem>>
        %dma_start3A_43 = arith.constant 0 : i32
        %dma_start3A_44 = arith.constant 0 : i32
        %dma_start3A_45 = tpu.memref_slice %arg2[%dma_start3A_43, %dma_start3A_44] : memref<10240x128xf32, #tpu.memory_space<hbm>> -> memref<10240x128xf32, #tpu.memory_space<hbm>>
        tpu.enqueue_indirect_dma source(%dma_start3A_45 : memref<10240x128xf32, #tpu.memory_space<hbm>>) target(%arg9 : memref<128x128xf32, #tpu.memory_space<vmem>>) offsets(%dma_start3A_42 : memref<128xi32, #tpu.memory_space<vmem>>) semaphore(%arg11 : memref<!tpu.dma_semaphore, #tpu.memory_space<semaphore_mem>>)
        %dma_wait3A = arith.constant 0 : i32
        %dma_wait3A_46 = tpu.memref_slice %arg7[%scan3A_40, %dma_wait3A] : memref<8x128xi32, #tpu.memory_space<vmem>> -> memref<1x128xi32, #tpu.memory_space<vmem>>
        %dma_wait3A_47 = tpu.memref_squeeze %dma_wait3A_46 : memref<1x128xi32, #tpu.memory_space<vmem>> -> memref<128xi32, #tpu.memory_space<vmem>>
        %dma_wait3A_48 = arith.constant 0 : i32
        %dma_wait3A_49 = arith.constant 0 : i32
        %dma_wait3A_50 = tpu.memref_slice %arg2[%dma_wait3A_48, %dma_wait3A_49] : memref<10240x128xf32, #tpu.memory_space<hbm>> -> memref<10240x128xf32, #tpu.memory_space<hbm>>
        tpu.wait_indirect_dma semaphore(%arg11 : memref<!tpu.dma_semaphore, #tpu.memory_space<semaphore_mem>>) src(%dma_wait3A_50 : memref<10240x128xf32, #tpu.memory_space<hbm>>) dst(%arg9 : memref<128x128xf32, #tpu.memory_space<vmem>>)
        "tpu.region"() ({
          %run_scoped3A = tpu.sem_alloc : memref<!tpu.dma_semaphore, #tpu.memory_space<semaphore_mem>>
          %dma_start3A_51 = arith.constant 0 : i32
          %dma_start3A_52 = tpu.memref_slice %arg8[%scan3A_40, %dma_start3A_51] : memref<8x128xi32, #tpu.memory_space<vmem>> -> memref<1x128xi32, #tpu.memory_space<vmem>>
          %dma_start3A_53 = tpu.memref_squeeze %dma_start3A_52 : memref<1x128xi32, #tpu.memory_space<vmem>> -> memref<128xi32, #tpu.memory_space<vmem>>
          %dma_start3A_54 = arith.constant 0 : i32
          %dma_start3A_55 = arith.constant 0 : i32
          %dma_start3A_56 = tpu.memref_slice %arg10[%dma_start3A_54, %dma_start3A_55] : memref<10240x128xf32, #tpu.memory_space<vmem_shared>> -> memref<10240x128xf32, #tpu.memory_space<vmem_shared>>
          tpu.enqueue_indirect_dma source(%arg9 : memref<128x128xf32, #tpu.memory_space<vmem>>) target(%dma_start3A_56 : memref<10240x128xf32, #tpu.memory_space<vmem_shared>>) offsets(%dma_start3A_53 : memref<128xi32, #tpu.memory_space<vmem>>) semaphore(%run_scoped3A : memref<!tpu.dma_semaphore, #tpu.memory_space<semaphore_mem>>) {add = true}
          %dma_wait3A_57 = arith.constant 0 : i32
          %dma_wait3A_58 = tpu.memref_slice %arg8[%scan3A_40, %dma_wait3A_57] : memref<8x128xi32, #tpu.memory_space<vmem>> -> memref<1x128xi32, #tpu.memory_space<vmem>>
          %dma_wait3A_59 = tpu.memref_squeeze %dma_wait3A_58 : memref<1x128xi32, #tpu.memory_space<vmem>> -> memref<128xi32, #tpu.memory_space<vmem>>
          %dma_wait3A_60 = arith.constant 0 : i32
          %dma_wait3A_61 = arith.constant 0 : i32
          %dma_wait3A_62 = tpu.memref_slice %arg10[%dma_wait3A_60, %dma_wait3A_61] : memref<10240x128xf32, #tpu.memory_space<vmem_shared>> -> memref<10240x128xf32, #tpu.memory_space<vmem_shared>>
          tpu.wait_indirect_dma semaphore(%run_scoped3A : memref<!tpu.dma_semaphore, #tpu.memory_space<semaphore_mem>>) src(%arg9 : memref<128x128xf32, #tpu.memory_space<vmem>>) dst(%dma_wait3A_62 : memref<10240x128xf32, #tpu.memory_space<vmem_shared>>)
          tpu.yield
        }) : () -> ()
      }
      %scan3A_39 = arith.constant 8 : i32
    }
    %scan3A_17 = arith.constant 10 : i32
    %barrier3A_18 = arith.constant 0 : index
    tpu.barrier barrier_id(%barrier3A_18)
    %add3A_19 = arith.constant 0 : i32
    %add3A_20 = arith.addi %mul3A_2, %add3A_19 : i32
    "tpu.region"() ({
      %run_scoped3A = tpu.sem_alloc : memref<!tpu.dma_semaphore, #tpu.memory_space<semaphore_mem>>
      %dma_start3A = arith.constant 0 : i32
      %dma_start3A_29 = tpu.memref_slice %arg10[%add3A_20, %dma_start3A] : memref<10240x128xf32, #tpu.memory_space<vmem_shared>> -> memref<128x128xf32, #tpu.memory_space<vmem_shared>>
      %dma_start3A_30 = arith.constant 0 : i32
      %dma_start3A_31 = tpu.memref_slice %arg10[%add3A_20, %dma_start3A_30] : memref<10240x128xf32, #tpu.memory_space<vmem_shared>> -> memref<128x128xf32, #tpu.memory_space<vmem_shared>>
      tpu.enqueue_dma source(%dma_start3A_31 : memref<128x128xf32, #tpu.memory_space<vmem_shared>>) target(%arg9 : memref<128x128xf32, #tpu.memory_space<vmem>>) target_semaphore(%run_scoped3A : memref<!tpu.dma_semaphore, #tpu.memory_space<semaphore_mem>>)
      %dma_wait3A = arith.constant 0 : i32
      %dma_wait3A_32 = tpu.memref_slice %arg10[%add3A_20, %dma_wait3A] : memref<10240x128xf32, #tpu.memory_space<vmem_shared>> -> memref<128x128xf32, #tpu.memory_space<vmem_shared>>
      %dma_wait3A_33 = arith.constant 0 : i32
      %dma_wait3A_34 = tpu.memref_slice %arg10[%add3A_20, %dma_wait3A_33] : memref<10240x128xf32, #tpu.memory_space<vmem_shared>> -> memref<128x128xf32, #tpu.memory_space<vmem_shared>>
      tpu.wait_dma2 semaphore(%run_scoped3A : memref<!tpu.dma_semaphore, #tpu.memory_space<semaphore_mem>>) src(%dma_wait3A_34 : memref<128x128xf32, #tpu.memory_space<vmem_shared>>) dst(%arg9 : memref<128x128xf32, #tpu.memory_space<vmem>>)
      tpu.yield
    }) : () -> ()
    "tpu.region"() ({
      %run_scoped3A = tpu.sem_alloc : memref<!tpu.dma_semaphore, #tpu.memory_space<semaphore_mem>>
      %dma_start3A = arith.constant 0 : i32
      %dma_start3A_29 = tpu.memref_slice %arg6[%arg0, %add3A_20, %dma_start3A] : memref<2x10240x128xf32, #tpu.memory_space<hbm>> -> memref<1x128x128xf32, #tpu.memory_space<hbm>>
      %dma_start3A_30 = tpu.memref_squeeze %dma_start3A_29 : memref<1x128x128xf32, #tpu.memory_space<hbm>> -> memref<128x128xf32, #tpu.memory_space<hbm>>
      %dma_start3A_31 = arith.constant 0 : i32
      %dma_start3A_32 = tpu.memref_slice %arg6[%arg0, %add3A_20, %dma_start3A_31] : memref<2x10240x128xf32, #tpu.memory_space<hbm>> -> memref<1x128x128xf32, #tpu.memory_space<hbm>>
      %dma_start3A_33 = tpu.memref_squeeze %dma_start3A_32 : memref<1x128x128xf32, #tpu.memory_space<hbm>> -> memref<128x128xf32, #tpu.memory_space<hbm>>
      tpu.enqueue_dma source(%arg9 : memref<128x128xf32, #tpu.memory_space<vmem>>) target(%dma_start3A_33 : memref<128x128xf32, #tpu.memory_space<hbm>>) target_semaphore(%run_scoped3A : memref<!tpu.dma_semaphore, #tpu.memory_space<semaphore_mem>>)
      %dma_wait3A = arith.constant 0 : i32
      %dma_wait3A_34 = tpu.memref_slice %arg6[%arg0, %add3A_20, %dma_wait3A] : memref<2x10240x128xf32, #tpu.memory_space<hbm>> -> memref<1x128x128xf32, #tpu.memory_space<hbm>>
      %dma_wait3A_35 = tpu.memref_squeeze %dma_wait3A_34 : memref<1x128x128xf32, #tpu.memory_space<hbm>> -> memref<128x128xf32, #tpu.memory_space<hbm>>
      %dma_wait3A_36 = arith.constant 0 : i32
      %dma_wait3A_37 = tpu.memref_slice %arg6[%arg0, %add3A_20, %dma_wait3A_36] : memref<2x10240x128xf32, #tpu.memory_space<hbm>> -> memref<1x128x128xf32, #tpu.memory_space<hbm>>
      %dma_wait3A_38 = tpu.memref_squeeze %dma_wait3A_37 : memref<1x128x128xf32, #tpu.memory_space<hbm>> -> memref<128x128xf32, #tpu.memory_space<hbm>>
      tpu.wait_dma2 semaphore(%run_scoped3A : memref<!tpu.dma_semaphore, #tpu.memory_space<semaphore_mem>>) src(%arg9 : memref<128x128xf32, #tpu.memory_space<vmem>>) dst(%dma_wait3A_38 : memref<128x128xf32, #tpu.memory_space<hbm>>)
      tpu.yield
    }) : () -> ()
    %add3A_21 = arith.constant 128 : i32
    %add3A_22 = arith.addi %mul3A_2, %add3A_21 : i32
    "tpu.region"() ({
      %run_scoped3A = tpu.sem_alloc : memref<!tpu.dma_semaphore, #tpu.memory_space<semaphore_mem>>
      %dma_start3A = arith.constant 0 : i32
      %dma_start3A_29 = tpu.memref_slice %arg10[%add3A_22, %dma_start3A] : memref<10240x128xf32, #tpu.memory_space<vmem_shared>> -> memref<128x128xf32, #tpu.memory_space<vmem_shared>>
      %dma_start3A_30 = arith.constant 0 : i32
      %dma_start3A_31 = tpu.memref_slice %arg10[%add3A_22, %dma_start3A_30] : memref<10240x128xf32, #tpu.memory_space<vmem_shared>> -> memref<128x128xf32, #tpu.memory_space<vmem_shared>>
      tpu.enqueue_dma source(%dma_start3A_31 : memref<128x128xf32, #tpu.memory_space<vmem_shared>>) target(%arg9 : memref<128x128xf32, #tpu.memory_space<vmem>>) target_semaphore(%run_scoped3A : memref<!tpu.dma_semaphore, #tpu.memory_space<semaphore_mem>>)
      %dma_wait3A = arith.constant 0 : i32
      %dma_wait3A_32 = tpu.memref_slice %arg10[%add3A_22, %dma_wait3A] : memref<10240x128xf32, #tpu.memory_space<vmem_shared>> -> memref<128x128xf32, #tpu.memory_space<vmem_shared>>
      %dma_wait3A_33 = arith.constant 0 : i32
      %dma_wait3A_34 = tpu.memref_slice %arg10[%add3A_22, %dma_wait3A_33] : memref<10240x128xf32, #tpu.memory_space<vmem_shared>> -> memref<128x128xf32, #tpu.memory_space<vmem_shared>>
      tpu.wait_dma2 semaphore(%run_scoped3A : memref<!tpu.dma_semaphore, #tpu.memory_space<semaphore_mem>>) src(%dma_wait3A_34 : memref<128x128xf32, #tpu.memory_space<vmem_shared>>) dst(%arg9 : memref<128x128xf32, #tpu.memory_space<vmem>>)
      tpu.yield
    }) : () -> ()
    "tpu.region"() ({
      %run_scoped3A = tpu.sem_alloc : memref<!tpu.dma_semaphore, #tpu.memory_space<semaphore_mem>>
      %dma_start3A = arith.constant 0 : i32
      %dma_start3A_29 = tpu.memref_slice %arg6[%arg0, %add3A_22, %dma_start3A] : memref<2x10240x128xf32, #tpu.memory_space<hbm>> -> memref<1x128x128xf32, #tpu.memory_space<hbm>>
      %dma_start3A_30 = tpu.memref_squeeze %dma_start3A_29 : memref<1x128x128xf32, #tpu.memory_space<hbm>> -> memref<128x128xf32, #tpu.memory_space<hbm>>
      %dma_start3A_31 = arith.constant 0 : i32
      %dma_start3A_32 = tpu.memref_slice %arg6[%arg0, %add3A_22, %dma_start3A_31] : memref<2x10240x128xf32, #tpu.memory_space<hbm>> -> memref<1x128x128xf32, #tpu.memory_space<hbm>>
      %dma_start3A_33 = tpu.memref_squeeze %dma_start3A_32 : memref<1x128x128xf32, #tpu.memory_space<hbm>> -> memref<128x128xf32, #tpu.memory_space<hbm>>
      tpu.enqueue_dma source(%arg9 : memref<128x128xf32, #tpu.memory_space<vmem>>) target(%dma_start3A_33 : memref<128x128xf32, #tpu.memory_space<hbm>>) target_semaphore(%run_scoped3A : memref<!tpu.dma_semaphore, #tpu.memory_space<semaphore_mem>>)
      %dma_wait3A = arith.constant 0 : i32
      %dma_wait3A_34 = tpu.memref_slice %arg6[%arg0, %add3A_22, %dma_wait3A] : memref<2x10240x128xf32, #tpu.memory_space<hbm>> -> memref<1x128x128xf32, #tpu.memory_space<hbm>>
      %dma_wait3A_35 = tpu.memref_squeeze %dma_wait3A_34 : memref<1x128x128xf32, #tpu.memory_space<hbm>> -> memref<128x128xf32, #tpu.memory_space<hbm>>
      %dma_wait3A_36 = arith.constant 0 : i32
      %dma_wait3A_37 = tpu.memref_slice %arg6[%arg0, %add3A_22, %dma_wait3A_36] : memref<2x10240x128xf32, #tpu.memory_space<hbm>> -> memref<1x128x128xf32, #tpu.memory_space<hbm>>
      %dma_wait3A_38 = tpu.memref_squeeze %dma_wait3A_37 : memref<1x128x128xf32, #tpu.memory_space<hbm>> -> memref<128x128xf32, #tpu.memory_space<hbm>>
      tpu.wait_dma2 semaphore(%run_scoped3A : memref<!tpu.dma_semaphore, #tpu.memory_space<semaphore_mem>>) src(%arg9 : memref<128x128xf32, #tpu.memory_space<vmem>>) dst(%dma_wait3A_38 : memref<128x128xf32, #tpu.memory_space<hbm>>)
      tpu.yield
    }) : () -> ()
    %add3A_23 = arith.constant 256 : i32
    %add3A_24 = arith.addi %mul3A_2, %add3A_23 : i32
    "tpu.region"() ({
      %run_scoped3A = tpu.sem_alloc : memref<!tpu.dma_semaphore, #tpu.memory_space<semaphore_mem>>
      %dma_start3A = arith.constant 0 : i32
      %dma_start3A_29 = tpu.memref_slice %arg10[%add3A_24, %dma_start3A] : memref<10240x128xf32, #tpu.memory_space<vmem_shared>> -> memref<128x128xf32, #tpu.memory_space<vmem_shared>>
      %dma_start3A_30 = arith.constant 0 : i32
      %dma_start3A_31 = tpu.memref_slice %arg10[%add3A_24, %dma_start3A_30] : memref<10240x128xf32, #tpu.memory_space<vmem_shared>> -> memref<128x128xf32, #tpu.memory_space<vmem_shared>>
      tpu.enqueue_dma source(%dma_start3A_31 : memref<128x128xf32, #tpu.memory_space<vmem_shared>>) target(%arg9 : memref<128x128xf32, #tpu.memory_space<vmem>>) target_semaphore(%run_scoped3A : memref<!tpu.dma_semaphore, #tpu.memory_space<semaphore_mem>>)
      %dma_wait3A = arith.constant 0 : i32
      %dma_wait3A_32 = tpu.memref_slice %arg10[%add3A_24, %dma_wait3A] : memref<10240x128xf32, #tpu.memory_space<vmem_shared>> -> memref<128x128xf32, #tpu.memory_space<vmem_shared>>
      %dma_wait3A_33 = arith.constant 0 : i32
      %dma_wait3A_34 = tpu.memref_slice %arg10[%add3A_24, %dma_wait3A_33] : memref<10240x128xf32, #tpu.memory_space<vmem_shared>> -> memref<128x128xf32, #tpu.memory_space<vmem_shared>>
      tpu.wait_dma2 semaphore(%run_scoped3A : memref<!tpu.dma_semaphore, #tpu.memory_space<semaphore_mem>>) src(%dma_wait3A_34 : memref<128x128xf32, #tpu.memory_space<vmem_shared>>) dst(%arg9 : memref<128x128xf32, #tpu.memory_space<vmem>>)
      tpu.yield
    }) : () -> ()
    "tpu.region"() ({
      %run_scoped3A = tpu.sem_alloc : memref<!tpu.dma_semaphore, #tpu.memory_space<semaphore_mem>>
      %dma_start3A = arith.constant 0 : i32
      %dma_start3A_29 = tpu.memref_slice %arg6[%arg0, %add3A_24, %dma_start3A] : memref<2x10240x128xf32, #tpu.memory_space<hbm>> -> memref<1x128x128xf32, #tpu.memory_space<hbm>>
      %dma_start3A_30 = tpu.memref_squeeze %dma_start3A_29 : memref<1x128x128xf32, #tpu.memory_space<hbm>> -> memref<128x128xf32, #tpu.memory_space<hbm>>
      %dma_start3A_31 = arith.constant 0 : i32
      %dma_start3A_32 = tpu.memref_slice %arg6[%arg0, %add3A_24, %dma_start3A_31] : memref<2x10240x128xf32, #tpu.memory_space<hbm>> -> memref<1x128x128xf32, #tpu.memory_space<hbm>>
      %dma_start3A_33 = tpu.memref_squeeze %dma_start3A_32 : memref<1x128x128xf32, #tpu.memory_space<hbm>> -> memref<128x128xf32, #tpu.memory_space<hbm>>
      tpu.enqueue_dma source(%arg9 : memref<128x128xf32, #tpu.memory_space<vmem>>) target(%dma_start3A_33 : memref<128x128xf32, #tpu.memory_space<hbm>>) target_semaphore(%run_scoped3A : memref<!tpu.dma_semaphore, #tpu.memory_space<semaphore_mem>>)
      %dma_wait3A = arith.constant 0 : i32
      %dma_wait3A_34 = tpu.memref_slice %arg6[%arg0, %add3A_24, %dma_wait3A] : memref<2x10240x128xf32, #tpu.memory_space<hbm>> -> memref<1x128x128xf32, #tpu.memory_space<hbm>>
      %dma_wait3A_35 = tpu.memref_squeeze %dma_wait3A_34 : memref<1x128x128xf32, #tpu.memory_space<hbm>> -> memref<128x128xf32, #tpu.memory_space<hbm>>
      %dma_wait3A_36 = arith.constant 0 : i32
      %dma_wait3A_37 = tpu.memref_slice %arg6[%arg0, %add3A_24, %dma_wait3A_36] : memref<2x10240x128xf32, #tpu.memory_space<hbm>> -> memref<1x128x128xf32, #tpu.memory_space<hbm>>
      %dma_wait3A_38 = tpu.memref_squeeze %dma_wait3A_37 : memref<1x128x128xf32, #tpu.memory_space<hbm>> -> memref<128x128xf32, #tpu.memory_space<hbm>>
      tpu.wait_dma2 semaphore(%run_scoped3A : memref<!tpu.dma_semaphore, #tpu.memory_space<semaphore_mem>>) src(%arg9 : memref<128x128xf32, #tpu.memory_space<vmem>>) dst(%dma_wait3A_38 : memref<128x128xf32, #tpu.memory_space<hbm>>)
      tpu.yield
    }) : () -> ()
    %add3A_25 = arith.constant 384 : i32
    %add3A_26 = arith.addi %mul3A_2, %add3A_25 : i32
    "tpu.region"() ({
      %run_scoped3A = tpu.sem_alloc : memref<!tpu.dma_semaphore, #tpu.memory_space<semaphore_mem>>
      %dma_start3A = arith.constant 0 : i32
      %dma_start3A_29 = tpu.memref_slice %arg10[%add3A_26, %dma_start3A] : memref<10240x128xf32, #tpu.memory_space<vmem_shared>> -> memref<128x128xf32, #tpu.memory_space<vmem_shared>>
      %dma_start3A_30 = arith.constant 0 : i32
      %dma_start3A_31 = tpu.memref_slice %arg10[%add3A_26, %dma_start3A_30] : memref<10240x128xf32, #tpu.memory_space<vmem_shared>> -> memref<128x128xf32, #tpu.memory_space<vmem_shared>>
      tpu.enqueue_dma source(%dma_start3A_31 : memref<128x128xf32, #tpu.memory_space<vmem_shared>>) target(%arg9 : memref<128x128xf32, #tpu.memory_space<vmem>>) target_semaphore(%run_scoped3A : memref<!tpu.dma_semaphore, #tpu.memory_space<semaphore_mem>>)
      %dma_wait3A = arith.constant 0 : i32
      %dma_wait3A_32 = tpu.memref_slice %arg10[%add3A_26, %dma_wait3A] : memref<10240x128xf32, #tpu.memory_space<vmem_shared>> -> memref<128x128xf32, #tpu.memory_space<vmem_shared>>
      %dma_wait3A_33 = arith.constant 0 : i32
      %dma_wait3A_34 = tpu.memref_slice %arg10[%add3A_26, %dma_wait3A_33] : memref<10240x128xf32, #tpu.memory_space<vmem_shared>> -> memref<128x128xf32, #tpu.memory_space<vmem_shared>>
      tpu.wait_dma2 semaphore(%run_scoped3A : memref<!tpu.dma_semaphore, #tpu.memory_space<semaphore_mem>>) src(%dma_wait3A_34 : memref<128x128xf32, #tpu.memory_space<vmem_shared>>) dst(%arg9 : memref<128x128xf32, #tpu.memory_space<vmem>>)
      tpu.yield
    }) : () -> ()
    "tpu.region"() ({
      %run_scoped3A = tpu.sem_alloc : memref<!tpu.dma_semaphore, #tpu.memory_space<semaphore_mem>>
      %dma_start3A = arith.constant 0 : i32
      %dma_start3A_29 = tpu.memref_slice %arg6[%arg0, %add3A_26, %dma_start3A] : memref<2x10240x128xf32, #tpu.memory_space<hbm>> -> memref<1x128x128xf32, #tpu.memory_space<hbm>>
      %dma_start3A_30 = tpu.memref_squeeze %dma_start3A_29 : memref<1x128x128xf32, #tpu.memory_space<hbm>> -> memref<128x128xf32, #tpu.memory_space<hbm>>
      %dma_start3A_31 = arith.constant 0 : i32
      %dma_start3A_32 = tpu.memref_slice %arg6[%arg0, %add3A_26, %dma_start3A_31] : memref<2x10240x128xf32, #tpu.memory_space<hbm>> -> memref<1x128x128xf32, #tpu.memory_space<hbm>>
      %dma_start3A_33 = tpu.memref_squeeze %dma_start3A_32 : memref<1x128x128xf32, #tpu.memory_space<hbm>> -> memref<128x128xf32, #tpu.memory_space<hbm>>
      tpu.enqueue_dma source(%arg9 : memref<128x128xf32, #tpu.memory_space<vmem>>) target(%dma_start3A_33 : memref<128x128xf32, #tpu.memory_space<hbm>>) target_semaphore(%run_scoped3A : memref<!tpu.dma_semaphore, #tpu.memory_space<semaphore_mem>>)
      %dma_wait3A = arith.constant 0 : i32
      %dma_wait3A_34 = tpu.memref_slice %arg6[%arg0, %add3A_26, %dma_wait3A] : memref<2x10240x128xf32, #tpu.memory_space<hbm>> -> memref<1x128x128xf32, #tpu.memory_space<hbm>>
      %dma_wait3A_35 = tpu.memref_squeeze %dma_wait3A_34 : memref<1x128x128xf32, #tpu.memory_space<hbm>> -> memref<128x128xf32, #tpu.memory_space<hbm>>
      %dma_wait3A_36 = arith.constant 0 : i32
      %dma_wait3A_37 = tpu.memref_slice %arg6[%arg0, %add3A_26, %dma_wait3A_36] : memref<2x10240x128xf32, #tpu.memory_space<hbm>> -> memref<1x128x128xf32, #tpu.memory_space<hbm>>
      %dma_wait3A_38 = tpu.memref_squeeze %dma_wait3A_37 : memref<1x128x128xf32, #tpu.memory_space<hbm>> -> memref<128x128xf32, #tpu.memory_space<hbm>>
      tpu.wait_dma2 semaphore(%run_scoped3A : memref<!tpu.dma_semaphore, #tpu.memory_space<semaphore_mem>>) src(%arg9 : memref<128x128xf32, #tpu.memory_space<vmem>>) dst(%dma_wait3A_38 : memref<128x128xf32, #tpu.memory_space<hbm>>)
      tpu.yield
    }) : () -> ()
    %add3A_27 = arith.constant 512 : i32
    %add3A_28 = arith.addi %mul3A_2, %add3A_27 : i32
    "tpu.region"() ({
      %run_scoped3A = tpu.sem_alloc : memref<!tpu.dma_semaphore, #tpu.memory_space<semaphore_mem>>
      %dma_start3A = arith.constant 0 : i32
      %dma_start3A_29 = tpu.memref_slice %arg10[%add3A_28, %dma_start3A] : memref<10240x128xf32, #tpu.memory_space<vmem_shared>> -> memref<128x128xf32, #tpu.memory_space<vmem_shared>>
      %dma_start3A_30 = arith.constant 0 : i32
      %dma_start3A_31 = tpu.memref_slice %arg10[%add3A_28, %dma_start3A_30] : memref<10240x128xf32, #tpu.memory_space<vmem_shared>> -> memref<128x128xf32, #tpu.memory_space<vmem_shared>>
      tpu.enqueue_dma source(%dma_start3A_31 : memref<128x128xf32, #tpu.memory_space<vmem_shared>>) target(%arg9 : memref<128x128xf32, #tpu.memory_space<vmem>>) target_semaphore(%run_scoped3A : memref<!tpu.dma_semaphore, #tpu.memory_space<semaphore_mem>>)
      %dma_wait3A = arith.constant 0 : i32
      %dma_wait3A_32 = tpu.memref_slice %arg10[%add3A_28, %dma_wait3A] : memref<10240x128xf32, #tpu.memory_space<vmem_shared>> -> memref<128x128xf32, #tpu.memory_space<vmem_shared>>
      %dma_wait3A_33 = arith.constant 0 : i32
      %dma_wait3A_34 = tpu.memref_slice %arg10[%add3A_28, %dma_wait3A_33] : memref<10240x128xf32, #tpu.memory_space<vmem_shared>> -> memref<128x128xf32, #tpu.memory_space<vmem_shared>>
      tpu.wait_dma2 semaphore(%run_scoped3A : memref<!tpu.dma_semaphore, #tpu.memory_space<semaphore_mem>>) src(%dma_wait3A_34 : memref<128x128xf32, #tpu.memory_space<vmem_shared>>) dst(%arg9 : memref<128x128xf32, #tpu.memory_space<vmem>>)
      tpu.yield
    }) : () -> ()
    "tpu.region"() ({
      %run_scoped3A = tpu.sem_alloc : memref<!tpu.dma_semaphore, #tpu.memory_space<semaphore_mem>>
      %dma_start3A = arith.constant 0 : i32
      %dma_start3A_29 = tpu.memref_slice %arg6[%arg0, %add3A_28, %dma_start3A] : memref<2x10240x128xf32, #tpu.memory_space<hbm>> -> memref<1x128x128xf32, #tpu.memory_space<hbm>>
      %dma_start3A_30 = tpu.memref_squeeze %dma_start3A_29 : memref<1x128x128xf32, #tpu.memory_space<hbm>> -> memref<128x128xf32, #tpu.memory_space<hbm>>
      %dma_start3A_31 = arith.constant 0 : i32
      %dma_start3A_32 = tpu.memref_slice %arg6[%arg0, %add3A_28, %dma_start3A_31] : memref<2x10240x128xf32, #tpu.memory_space<hbm>> -> memref<1x128x128xf32, #tpu.memory_space<hbm>>
      %dma_start3A_33 = tpu.memref_squeeze %dma_start3A_32 : memref<1x128x128xf32, #tpu.memory_space<hbm>> -> memref<128x128xf32, #tpu.memory_space<hbm>>
      tpu.enqueue_dma source(%arg9 : memref<128x128xf32, #tpu.memory_space<vmem>>) target(%dma_start3A_33 : memref<128x128xf32, #tpu.memory_space<hbm>>) target_semaphore(%run_scoped3A : memref<!tpu.dma_semaphore, #tpu.memory_space<semaphore_mem>>)
      %dma_wait3A = arith.constant 0 : i32
      %dma_wait3A_34 = tpu.memref_slice %arg6[%arg0, %add3A_28, %dma_wait3A] : memref<2x10240x128xf32, #tpu.memory_space<hbm>> -> memref<1x128x128xf32, #tpu.memory_space<hbm>>
      %dma_wait3A_35 = tpu.memref_squeeze %dma_wait3A_34 : memref<1x128x128xf32, #tpu.memory_space<hbm>> -> memref<128x128xf32, #tpu.memory_space<hbm>>
      %dma_wait3A_36 = arith.constant 0 : i32
      %dma_wait3A_37 = tpu.memref_slice %arg6[%arg0, %add3A_28, %dma_wait3A_36] : memref<2x10240x128xf32, #tpu.memory_space<hbm>> -> memref<1x128x128xf32, #tpu.memory_space<hbm>>
      %dma_wait3A_38 = tpu.memref_squeeze %dma_wait3A_37 : memref<1x128x128xf32, #tpu.memory_space<hbm>> -> memref<128x128xf32, #tpu.memory_space<hbm>>
      tpu.wait_dma2 semaphore(%run_scoped3A : memref<!tpu.dma_semaphore, #tpu.memory_space<semaphore_mem>>) src(%arg9 : memref<128x128xf32, #tpu.memory_space<vmem>>) dst(%dma_wait3A_38 : memref<128x128xf32, #tpu.memory_space<hbm>>)
      tpu.yield
    }) : () -> ()
    return
  }
}

#map = affine_map<(d0, d1) -> (0, 0, 0)>
#map1 = affine_map<(d0, d1) -> (0, 0)>
module attributes {stable_mosaic.version = 14 : i64} {
  func.func @body(%arg0: i32, %arg1: i32, %arg2: memref<32x80x128xi32, #tpu.memory_space<hbm>>, %arg3: memref<128x128xf32, #tpu.memory_space<hbm>>, %arg4: memref<128x128xf32, #tpu.memory_space<hbm>>, %arg5: memref<2x10240x128xf32, #tpu.memory_space<hbm>>, %arg6: memref<8x128xi32, #tpu.memory_space<vmem>>, %arg7: memref<128x128xf32, #tpu.memory_space<vmem>>, %arg8: memref<10240x128xf32, #tpu.memory_space<vmem_shared>>) attributes {dimension_semantics = [#tpu.dimension_semantics<core_parallel>, #tpu.dimension_semantics<subcore_parallel>], iteration_bounds = array<i64: 2, 16>, scalar_prefetch = 0 : i64, scratch_operands = 3 : i64, tpu.core_type = #tpu.core_type<sc_vector_subcore>, window_params = [{transform_indices = #map}, {transform_indices = #map1}, {transform_indices = #map1}, {transform_indices = #map}]} {
    %mul3A = arith.constant 2 : i32
    %mul3A_0 = arith.muli %arg1, %mul3A : i32
    %add3A = arith.addi %mul3A_0, %arg0 : i32
    %mul3A_1 = arith.constant 640 : i32
    %mul3A_2 = arith.muli %arg1, %mul3A_1 : i32
    "tpu.region"() ({
      %run_scoped3A = tpu.sem_alloc : memref<!tpu.dma_semaphore, #tpu.memory_space<semaphore_mem>>
      tpu.enqueue_dma source(%arg3 : memref<128x128xf32, #tpu.memory_space<hbm>>) target(%arg7 : memref<128x128xf32, #tpu.memory_space<vmem>>) target_semaphore(%run_scoped3A : memref<!tpu.dma_semaphore, #tpu.memory_space<semaphore_mem>>)
      tpu.wait_dma2 semaphore(%run_scoped3A : memref<!tpu.dma_semaphore, #tpu.memory_space<semaphore_mem>>) src(%arg3 : memref<128x128xf32, #tpu.memory_space<hbm>>) dst(%arg7 : memref<128x128xf32, #tpu.memory_space<vmem>>)
      tpu.yield
    }) : () -> ()
    %add3A_3 = arith.constant 0 : i32
    %add3A_4 = arith.addi %mul3A_2, %add3A_3 : i32
    "tpu.region"() ({
      %run_scoped3A = tpu.sem_alloc : memref<!tpu.dma_semaphore, #tpu.memory_space<semaphore_mem>>
      %dma_start3A = arith.constant 0 : i32
      %dma_start3A_29 = tpu.memref_slice %arg8[%add3A_4, %dma_start3A] : memref<10240x128xf32, #tpu.memory_space<vmem_shared>> -> memref<128x128xf32, #tpu.memory_space<vmem_shared>>
      %dma_start3A_30 = arith.constant 0 : i32
      %dma_start3A_31 = tpu.memref_slice %arg8[%add3A_4, %dma_start3A_30] : memref<10240x128xf32, #tpu.memory_space<vmem_shared>> -> memref<128x128xf32, #tpu.memory_space<vmem_shared>>
      tpu.enqueue_dma source(%arg7 : memref<128x128xf32, #tpu.memory_space<vmem>>) target(%dma_start3A_31 : memref<128x128xf32, #tpu.memory_space<vmem_shared>>) target_semaphore(%run_scoped3A : memref<!tpu.dma_semaphore, #tpu.memory_space<semaphore_mem>>)
      %dma_wait3A = arith.constant 0 : i32
      %dma_wait3A_32 = tpu.memref_slice %arg8[%add3A_4, %dma_wait3A] : memref<10240x128xf32, #tpu.memory_space<vmem_shared>> -> memref<128x128xf32, #tpu.memory_space<vmem_shared>>
      %dma_wait3A_33 = arith.constant 0 : i32
      %dma_wait3A_34 = tpu.memref_slice %arg8[%add3A_4, %dma_wait3A_33] : memref<10240x128xf32, #tpu.memory_space<vmem_shared>> -> memref<128x128xf32, #tpu.memory_space<vmem_shared>>
      tpu.wait_dma2 semaphore(%run_scoped3A : memref<!tpu.dma_semaphore, #tpu.memory_space<semaphore_mem>>) src(%arg7 : memref<128x128xf32, #tpu.memory_space<vmem>>) dst(%dma_wait3A_34 : memref<128x128xf32, #tpu.memory_space<vmem_shared>>)
      tpu.yield
    }) : () -> ()
    %add3A_5 = arith.constant 128 : i32
    %add3A_6 = arith.addi %mul3A_2, %add3A_5 : i32
    "tpu.region"() ({
      %run_scoped3A = tpu.sem_alloc : memref<!tpu.dma_semaphore, #tpu.memory_space<semaphore_mem>>
      %dma_start3A = arith.constant 0 : i32
      %dma_start3A_29 = tpu.memref_slice %arg8[%add3A_6, %dma_start3A] : memref<10240x128xf32, #tpu.memory_space<vmem_shared>> -> memref<128x128xf32, #tpu.memory_space<vmem_shared>>
      %dma_start3A_30 = arith.constant 0 : i32
      %dma_start3A_31 = tpu.memref_slice %arg8[%add3A_6, %dma_start3A_30] : memref<10240x128xf32, #tpu.memory_space<vmem_shared>> -> memref<128x128xf32, #tpu.memory_space<vmem_shared>>
      tpu.enqueue_dma source(%arg7 : memref<128x128xf32, #tpu.memory_space<vmem>>) target(%dma_start3A_31 : memref<128x128xf32, #tpu.memory_space<vmem_shared>>) target_semaphore(%run_scoped3A : memref<!tpu.dma_semaphore, #tpu.memory_space<semaphore_mem>>)
      %dma_wait3A = arith.constant 0 : i32
      %dma_wait3A_32 = tpu.memref_slice %arg8[%add3A_6, %dma_wait3A] : memref<10240x128xf32, #tpu.memory_space<vmem_shared>> -> memref<128x128xf32, #tpu.memory_space<vmem_shared>>
      %dma_wait3A_33 = arith.constant 0 : i32
      %dma_wait3A_34 = tpu.memref_slice %arg8[%add3A_6, %dma_wait3A_33] : memref<10240x128xf32, #tpu.memory_space<vmem_shared>> -> memref<128x128xf32, #tpu.memory_space<vmem_shared>>
      tpu.wait_dma2 semaphore(%run_scoped3A : memref<!tpu.dma_semaphore, #tpu.memory_space<semaphore_mem>>) src(%arg7 : memref<128x128xf32, #tpu.memory_space<vmem>>) dst(%dma_wait3A_34 : memref<128x128xf32, #tpu.memory_space<vmem_shared>>)
      tpu.yield
    }) : () -> ()
    %add3A_7 = arith.constant 256 : i32
    %add3A_8 = arith.addi %mul3A_2, %add3A_7 : i32
    "tpu.region"() ({
      %run_scoped3A = tpu.sem_alloc : memref<!tpu.dma_semaphore, #tpu.memory_space<semaphore_mem>>
      %dma_start3A = arith.constant 0 : i32
      %dma_start3A_29 = tpu.memref_slice %arg8[%add3A_8, %dma_start3A] : memref<10240x128xf32, #tpu.memory_space<vmem_shared>> -> memref<128x128xf32, #tpu.memory_space<vmem_shared>>
      %dma_start3A_30 = arith.constant 0 : i32
      %dma_start3A_31 = tpu.memref_slice %arg8[%add3A_8, %dma_start3A_30] : memref<10240x128xf32, #tpu.memory_space<vmem_shared>> -> memref<128x128xf32, #tpu.memory_space<vmem_shared>>
      tpu.enqueue_dma source(%arg7 : memref<128x128xf32, #tpu.memory_space<vmem>>) target(%dma_start3A_31 : memref<128x128xf32, #tpu.memory_space<vmem_shared>>) target_semaphore(%run_scoped3A : memref<!tpu.dma_semaphore, #tpu.memory_space<semaphore_mem>>)
      %dma_wait3A = arith.constant 0 : i32
      %dma_wait3A_32 = tpu.memref_slice %arg8[%add3A_8, %dma_wait3A] : memref<10240x128xf32, #tpu.memory_space<vmem_shared>> -> memref<128x128xf32, #tpu.memory_space<vmem_shared>>
      %dma_wait3A_33 = arith.constant 0 : i32
      %dma_wait3A_34 = tpu.memref_slice %arg8[%add3A_8, %dma_wait3A_33] : memref<10240x128xf32, #tpu.memory_space<vmem_shared>> -> memref<128x128xf32, #tpu.memory_space<vmem_shared>>
      tpu.wait_dma2 semaphore(%run_scoped3A : memref<!tpu.dma_semaphore, #tpu.memory_space<semaphore_mem>>) src(%arg7 : memref<128x128xf32, #tpu.memory_space<vmem>>) dst(%dma_wait3A_34 : memref<128x128xf32, #tpu.memory_space<vmem_shared>>)
      tpu.yield
    }) : () -> ()
    %add3A_9 = arith.constant 384 : i32
    %add3A_10 = arith.addi %mul3A_2, %add3A_9 : i32
    "tpu.region"() ({
      %run_scoped3A = tpu.sem_alloc : memref<!tpu.dma_semaphore, #tpu.memory_space<semaphore_mem>>
      %dma_start3A = arith.constant 0 : i32
      %dma_start3A_29 = tpu.memref_slice %arg8[%add3A_10, %dma_start3A] : memref<10240x128xf32, #tpu.memory_space<vmem_shared>> -> memref<128x128xf32, #tpu.memory_space<vmem_shared>>
      %dma_start3A_30 = arith.constant 0 : i32
      %dma_start3A_31 = tpu.memref_slice %arg8[%add3A_10, %dma_start3A_30] : memref<10240x128xf32, #tpu.memory_space<vmem_shared>> -> memref<128x128xf32, #tpu.memory_space<vmem_shared>>
      tpu.enqueue_dma source(%arg7 : memref<128x128xf32, #tpu.memory_space<vmem>>) target(%dma_start3A_31 : memref<128x128xf32, #tpu.memory_space<vmem_shared>>) target_semaphore(%run_scoped3A : memref<!tpu.dma_semaphore, #tpu.memory_space<semaphore_mem>>)
      %dma_wait3A = arith.constant 0 : i32
      %dma_wait3A_32 = tpu.memref_slice %arg8[%add3A_10, %dma_wait3A] : memref<10240x128xf32, #tpu.memory_space<vmem_shared>> -> memref<128x128xf32, #tpu.memory_space<vmem_shared>>
      %dma_wait3A_33 = arith.constant 0 : i32
      %dma_wait3A_34 = tpu.memref_slice %arg8[%add3A_10, %dma_wait3A_33] : memref<10240x128xf32, #tpu.memory_space<vmem_shared>> -> memref<128x128xf32, #tpu.memory_space<vmem_shared>>
      tpu.wait_dma2 semaphore(%run_scoped3A : memref<!tpu.dma_semaphore, #tpu.memory_space<semaphore_mem>>) src(%arg7 : memref<128x128xf32, #tpu.memory_space<vmem>>) dst(%dma_wait3A_34 : memref<128x128xf32, #tpu.memory_space<vmem_shared>>)
      tpu.yield
    }) : () -> ()
    %add3A_11 = arith.constant 512 : i32
    %add3A_12 = arith.addi %mul3A_2, %add3A_11 : i32
    "tpu.region"() ({
      %run_scoped3A = tpu.sem_alloc : memref<!tpu.dma_semaphore, #tpu.memory_space<semaphore_mem>>
      %dma_start3A = arith.constant 0 : i32
      %dma_start3A_29 = tpu.memref_slice %arg8[%add3A_12, %dma_start3A] : memref<10240x128xf32, #tpu.memory_space<vmem_shared>> -> memref<128x128xf32, #tpu.memory_space<vmem_shared>>
      %dma_start3A_30 = arith.constant 0 : i32
      %dma_start3A_31 = tpu.memref_slice %arg8[%add3A_12, %dma_start3A_30] : memref<10240x128xf32, #tpu.memory_space<vmem_shared>> -> memref<128x128xf32, #tpu.memory_space<vmem_shared>>
      tpu.enqueue_dma source(%arg7 : memref<128x128xf32, #tpu.memory_space<vmem>>) target(%dma_start3A_31 : memref<128x128xf32, #tpu.memory_space<vmem_shared>>) target_semaphore(%run_scoped3A : memref<!tpu.dma_semaphore, #tpu.memory_space<semaphore_mem>>)
      %dma_wait3A = arith.constant 0 : i32
      %dma_wait3A_32 = tpu.memref_slice %arg8[%add3A_12, %dma_wait3A] : memref<10240x128xf32, #tpu.memory_space<vmem_shared>> -> memref<128x128xf32, #tpu.memory_space<vmem_shared>>
      %dma_wait3A_33 = arith.constant 0 : i32
      %dma_wait3A_34 = tpu.memref_slice %arg8[%add3A_12, %dma_wait3A_33] : memref<10240x128xf32, #tpu.memory_space<vmem_shared>> -> memref<128x128xf32, #tpu.memory_space<vmem_shared>>
      tpu.wait_dma2 semaphore(%run_scoped3A : memref<!tpu.dma_semaphore, #tpu.memory_space<semaphore_mem>>) src(%arg7 : memref<128x128xf32, #tpu.memory_space<vmem>>) dst(%dma_wait3A_34 : memref<128x128xf32, #tpu.memory_space<vmem_shared>>)
      tpu.yield
    }) : () -> ()
    "tpu.region"() ({
      %run_scoped3A = tpu.sem_alloc : memref<!tpu.dma_semaphore, #tpu.memory_space<semaphore_mem>>
      tpu.enqueue_dma source(%arg4 : memref<128x128xf32, #tpu.memory_space<hbm>>) target(%arg7 : memref<128x128xf32, #tpu.memory_space<vmem>>) target_semaphore(%run_scoped3A : memref<!tpu.dma_semaphore, #tpu.memory_space<semaphore_mem>>)
      tpu.wait_dma2 semaphore(%run_scoped3A : memref<!tpu.dma_semaphore, #tpu.memory_space<semaphore_mem>>) src(%arg4 : memref<128x128xf32, #tpu.memory_space<hbm>>) dst(%arg7 : memref<128x128xf32, #tpu.memory_space<vmem>>)
      tpu.yield
    }) : () -> ()
    %barrier3A = arith.constant 0 : index
    tpu.barrier barrier_id(%barrier3A)
    %scan3A = arith.constant 0 : i32
    %scan3A_13 = arith.constant 0 : i32
    %scan3A_14 = arith.constant 10 : i32
    %scan3A_15 = arith.addi %scan3A_13, %scan3A_14 : i32
    %scan3A_16 = arith.constant 1 : i32
    scf.for %scan3A_29 = %scan3A_13 to %scan3A_15 step %scan3A_16  : i32 {
      %mul3A_30 = arith.constant 8 : i32
      %mul3A_31 = arith.muli %scan3A_29, %mul3A_30 : i32
      "tpu.region"() ({
        %run_scoped3A = tpu.sem_alloc : memref<!tpu.dma_semaphore, #tpu.memory_space<semaphore_mem>>
        %dma_start3A = arith.constant 0 : i32
        %dma_start3A_38 = tpu.memref_slice %arg2[%add3A, %mul3A_31, %dma_start3A] : memref<32x80x128xi32, #tpu.memory_space<hbm>> -> memref<1x8x128xi32, #tpu.memory_space<hbm>>
        %dma_start3A_39 = tpu.memref_squeeze %dma_start3A_38 : memref<1x8x128xi32, #tpu.memory_space<hbm>> -> memref<8x128xi32, #tpu.memory_space<hbm>>
        %dma_start3A_40 = arith.constant 0 : i32
        %dma_start3A_41 = tpu.memref_slice %arg2[%add3A, %mul3A_31, %dma_start3A_40] : memref<32x80x128xi32, #tpu.memory_space<hbm>> -> memref<1x8x128xi32, #tpu.memory_space<hbm>>
        %dma_start3A_42 = tpu.memref_squeeze %dma_start3A_41 : memref<1x8x128xi32, #tpu.memory_space<hbm>> -> memref<8x128xi32, #tpu.memory_space<hbm>>
        tpu.enqueue_dma source(%dma_start3A_42 : memref<8x128xi32, #tpu.memory_space<hbm>>) target(%arg6 : memref<8x128xi32, #tpu.memory_space<vmem>>) target_semaphore(%run_scoped3A : memref<!tpu.dma_semaphore, #tpu.memory_space<semaphore_mem>>)
        %dma_wait3A = arith.constant 0 : i32
        %dma_wait3A_43 = tpu.memref_slice %arg2[%add3A, %mul3A_31, %dma_wait3A] : memref<32x80x128xi32, #tpu.memory_space<hbm>> -> memref<1x8x128xi32, #tpu.memory_space<hbm>>
        %dma_wait3A_44 = tpu.memref_squeeze %dma_wait3A_43 : memref<1x8x128xi32, #tpu.memory_space<hbm>> -> memref<8x128xi32, #tpu.memory_space<hbm>>
        %dma_wait3A_45 = arith.constant 0 : i32
        %dma_wait3A_46 = tpu.memref_slice %arg2[%add3A, %mul3A_31, %dma_wait3A_45] : memref<32x80x128xi32, #tpu.memory_space<hbm>> -> memref<1x8x128xi32, #tpu.memory_space<hbm>>
        %dma_wait3A_47 = tpu.memref_squeeze %dma_wait3A_46 : memref<1x8x128xi32, #tpu.memory_space<hbm>> -> memref<8x128xi32, #tpu.memory_space<hbm>>
        tpu.wait_dma2 semaphore(%run_scoped3A : memref<!tpu.dma_semaphore, #tpu.memory_space<semaphore_mem>>) src(%dma_wait3A_47 : memref<8x128xi32, #tpu.memory_space<hbm>>) dst(%arg6 : memref<8x128xi32, #tpu.memory_space<vmem>>)
        tpu.yield
      }) : () -> ()
      %scan3A_32 = arith.constant 0 : i32
      %scan3A_33 = arith.constant 0 : i32
      %scan3A_34 = arith.constant 8 : i32
      %scan3A_35 = arith.addi %scan3A_33, %scan3A_34 : i32
      %scan3A_36 = arith.constant 1 : i32
      scf.for %scan3A_38 = %scan3A_33 to %scan3A_35 step %scan3A_36  : i32 {
        "tpu.region"() ({
          %run_scoped3A = tpu.sem_alloc : memref<!tpu.dma_semaphore, #tpu.memory_space<semaphore_mem>>
          %dma_start3A = arith.constant 0 : i32
          %dma_start3A_39 = tpu.memref_slice %arg6[%scan3A_38, %dma_start3A] : memref<8x128xi32, #tpu.memory_space<vmem>> -> memref<1x128xi32, #tpu.memory_space<vmem>>
          %dma_start3A_40 = tpu.memref_squeeze %dma_start3A_39 : memref<1x128xi32, #tpu.memory_space<vmem>> -> memref<128xi32, #tpu.memory_space<vmem>>
          %dma_start3A_41 = arith.constant 0 : i32
          %dma_start3A_42 = arith.constant 0 : i32
          %dma_start3A_43 = tpu.memref_slice %arg8[%dma_start3A_41, %dma_start3A_42] : memref<10240x128xf32, #tpu.memory_space<vmem_shared>> -> memref<10240x128xf32, #tpu.memory_space<vmem_shared>>
          tpu.enqueue_indirect_dma source(%arg7 : memref<128x128xf32, #tpu.memory_space<vmem>>) target(%dma_start3A_43 : memref<10240x128xf32, #tpu.memory_space<vmem_shared>>) offsets(%dma_start3A_40 : memref<128xi32, #tpu.memory_space<vmem>>) semaphore(%run_scoped3A : memref<!tpu.dma_semaphore, #tpu.memory_space<semaphore_mem>>) {add = true}
          %dma_wait3A = arith.constant 0 : i32
          %dma_wait3A_44 = tpu.memref_slice %arg6[%scan3A_38, %dma_wait3A] : memref<8x128xi32, #tpu.memory_space<vmem>> -> memref<1x128xi32, #tpu.memory_space<vmem>>
          %dma_wait3A_45 = tpu.memref_squeeze %dma_wait3A_44 : memref<1x128xi32, #tpu.memory_space<vmem>> -> memref<128xi32, #tpu.memory_space<vmem>>
          %dma_wait3A_46 = arith.constant 0 : i32
          %dma_wait3A_47 = arith.constant 0 : i32
          %dma_wait3A_48 = tpu.memref_slice %arg8[%dma_wait3A_46, %dma_wait3A_47] : memref<10240x128xf32, #tpu.memory_space<vmem_shared>> -> memref<10240x128xf32, #tpu.memory_space<vmem_shared>>
          tpu.wait_indirect_dma semaphore(%run_scoped3A : memref<!tpu.dma_semaphore, #tpu.memory_space<semaphore_mem>>) src(%arg7 : memref<128x128xf32, #tpu.memory_space<vmem>>) dst(%dma_wait3A_48 : memref<10240x128xf32, #tpu.memory_space<vmem_shared>>)
          tpu.yield
        }) : () -> ()
      }
      %scan3A_37 = arith.constant 8 : i32
    }
    %scan3A_17 = arith.constant 10 : i32
    %barrier3A_18 = arith.constant 0 : index
    tpu.barrier barrier_id(%barrier3A_18)
    %add3A_19 = arith.constant 0 : i32
    %add3A_20 = arith.addi %mul3A_2, %add3A_19 : i32
    "tpu.region"() ({
      %run_scoped3A = tpu.sem_alloc : memref<!tpu.dma_semaphore, #tpu.memory_space<semaphore_mem>>
      %dma_start3A = arith.constant 0 : i32
      %dma_start3A_29 = tpu.memref_slice %arg8[%add3A_20, %dma_start3A] : memref<10240x128xf32, #tpu.memory_space<vmem_shared>> -> memref<128x128xf32, #tpu.memory_space<vmem_shared>>
      %dma_start3A_30 = arith.constant 0 : i32
      %dma_start3A_31 = tpu.memref_slice %arg8[%add3A_20, %dma_start3A_30] : memref<10240x128xf32, #tpu.memory_space<vmem_shared>> -> memref<128x128xf32, #tpu.memory_space<vmem_shared>>
      tpu.enqueue_dma source(%dma_start3A_31 : memref<128x128xf32, #tpu.memory_space<vmem_shared>>) target(%arg7 : memref<128x128xf32, #tpu.memory_space<vmem>>) target_semaphore(%run_scoped3A : memref<!tpu.dma_semaphore, #tpu.memory_space<semaphore_mem>>)
      %dma_wait3A = arith.constant 0 : i32
      %dma_wait3A_32 = tpu.memref_slice %arg8[%add3A_20, %dma_wait3A] : memref<10240x128xf32, #tpu.memory_space<vmem_shared>> -> memref<128x128xf32, #tpu.memory_space<vmem_shared>>
      %dma_wait3A_33 = arith.constant 0 : i32
      %dma_wait3A_34 = tpu.memref_slice %arg8[%add3A_20, %dma_wait3A_33] : memref<10240x128xf32, #tpu.memory_space<vmem_shared>> -> memref<128x128xf32, #tpu.memory_space<vmem_shared>>
      tpu.wait_dma2 semaphore(%run_scoped3A : memref<!tpu.dma_semaphore, #tpu.memory_space<semaphore_mem>>) src(%dma_wait3A_34 : memref<128x128xf32, #tpu.memory_space<vmem_shared>>) dst(%arg7 : memref<128x128xf32, #tpu.memory_space<vmem>>)
      tpu.yield
    }) : () -> ()
    "tpu.region"() ({
      %run_scoped3A = tpu.sem_alloc : memref<!tpu.dma_semaphore, #tpu.memory_space<semaphore_mem>>
      %dma_start3A = arith.constant 0 : i32
      %dma_start3A_29 = tpu.memref_slice %arg5[%arg0, %add3A_20, %dma_start3A] : memref<2x10240x128xf32, #tpu.memory_space<hbm>> -> memref<1x128x128xf32, #tpu.memory_space<hbm>>
      %dma_start3A_30 = tpu.memref_squeeze %dma_start3A_29 : memref<1x128x128xf32, #tpu.memory_space<hbm>> -> memref<128x128xf32, #tpu.memory_space<hbm>>
      %dma_start3A_31 = arith.constant 0 : i32
      %dma_start3A_32 = tpu.memref_slice %arg5[%arg0, %add3A_20, %dma_start3A_31] : memref<2x10240x128xf32, #tpu.memory_space<hbm>> -> memref<1x128x128xf32, #tpu.memory_space<hbm>>
      %dma_start3A_33 = tpu.memref_squeeze %dma_start3A_32 : memref<1x128x128xf32, #tpu.memory_space<hbm>> -> memref<128x128xf32, #tpu.memory_space<hbm>>
      tpu.enqueue_dma source(%arg7 : memref<128x128xf32, #tpu.memory_space<vmem>>) target(%dma_start3A_33 : memref<128x128xf32, #tpu.memory_space<hbm>>) target_semaphore(%run_scoped3A : memref<!tpu.dma_semaphore, #tpu.memory_space<semaphore_mem>>)
      %dma_wait3A = arith.constant 0 : i32
      %dma_wait3A_34 = tpu.memref_slice %arg5[%arg0, %add3A_20, %dma_wait3A] : memref<2x10240x128xf32, #tpu.memory_space<hbm>> -> memref<1x128x128xf32, #tpu.memory_space<hbm>>
      %dma_wait3A_35 = tpu.memref_squeeze %dma_wait3A_34 : memref<1x128x128xf32, #tpu.memory_space<hbm>> -> memref<128x128xf32, #tpu.memory_space<hbm>>
      %dma_wait3A_36 = arith.constant 0 : i32
      %dma_wait3A_37 = tpu.memref_slice %arg5[%arg0, %add3A_20, %dma_wait3A_36] : memref<2x10240x128xf32, #tpu.memory_space<hbm>> -> memref<1x128x128xf32, #tpu.memory_space<hbm>>
      %dma_wait3A_38 = tpu.memref_squeeze %dma_wait3A_37 : memref<1x128x128xf32, #tpu.memory_space<hbm>> -> memref<128x128xf32, #tpu.memory_space<hbm>>
      tpu.wait_dma2 semaphore(%run_scoped3A : memref<!tpu.dma_semaphore, #tpu.memory_space<semaphore_mem>>) src(%arg7 : memref<128x128xf32, #tpu.memory_space<vmem>>) dst(%dma_wait3A_38 : memref<128x128xf32, #tpu.memory_space<hbm>>)
      tpu.yield
    }) : () -> ()
    %add3A_21 = arith.constant 128 : i32
    %add3A_22 = arith.addi %mul3A_2, %add3A_21 : i32
    "tpu.region"() ({
      %run_scoped3A = tpu.sem_alloc : memref<!tpu.dma_semaphore, #tpu.memory_space<semaphore_mem>>
      %dma_start3A = arith.constant 0 : i32
      %dma_start3A_29 = tpu.memref_slice %arg8[%add3A_22, %dma_start3A] : memref<10240x128xf32, #tpu.memory_space<vmem_shared>> -> memref<128x128xf32, #tpu.memory_space<vmem_shared>>
      %dma_start3A_30 = arith.constant 0 : i32
      %dma_start3A_31 = tpu.memref_slice %arg8[%add3A_22, %dma_start3A_30] : memref<10240x128xf32, #tpu.memory_space<vmem_shared>> -> memref<128x128xf32, #tpu.memory_space<vmem_shared>>
      tpu.enqueue_dma source(%dma_start3A_31 : memref<128x128xf32, #tpu.memory_space<vmem_shared>>) target(%arg7 : memref<128x128xf32, #tpu.memory_space<vmem>>) target_semaphore(%run_scoped3A : memref<!tpu.dma_semaphore, #tpu.memory_space<semaphore_mem>>)
      %dma_wait3A = arith.constant 0 : i32
      %dma_wait3A_32 = tpu.memref_slice %arg8[%add3A_22, %dma_wait3A] : memref<10240x128xf32, #tpu.memory_space<vmem_shared>> -> memref<128x128xf32, #tpu.memory_space<vmem_shared>>
      %dma_wait3A_33 = arith.constant 0 : i32
      %dma_wait3A_34 = tpu.memref_slice %arg8[%add3A_22, %dma_wait3A_33] : memref<10240x128xf32, #tpu.memory_space<vmem_shared>> -> memref<128x128xf32, #tpu.memory_space<vmem_shared>>
      tpu.wait_dma2 semaphore(%run_scoped3A : memref<!tpu.dma_semaphore, #tpu.memory_space<semaphore_mem>>) src(%dma_wait3A_34 : memref<128x128xf32, #tpu.memory_space<vmem_shared>>) dst(%arg7 : memref<128x128xf32, #tpu.memory_space<vmem>>)
      tpu.yield
    }) : () -> ()
    "tpu.region"() ({
      %run_scoped3A = tpu.sem_alloc : memref<!tpu.dma_semaphore, #tpu.memory_space<semaphore_mem>>
      %dma_start3A = arith.constant 0 : i32
      %dma_start3A_29 = tpu.memref_slice %arg5[%arg0, %add3A_22, %dma_start3A] : memref<2x10240x128xf32, #tpu.memory_space<hbm>> -> memref<1x128x128xf32, #tpu.memory_space<hbm>>
      %dma_start3A_30 = tpu.memref_squeeze %dma_start3A_29 : memref<1x128x128xf32, #tpu.memory_space<hbm>> -> memref<128x128xf32, #tpu.memory_space<hbm>>
      %dma_start3A_31 = arith.constant 0 : i32
      %dma_start3A_32 = tpu.memref_slice %arg5[%arg0, %add3A_22, %dma_start3A_31] : memref<2x10240x128xf32, #tpu.memory_space<hbm>> -> memref<1x128x128xf32, #tpu.memory_space<hbm>>
      %dma_start3A_33 = tpu.memref_squeeze %dma_start3A_32 : memref<1x128x128xf32, #tpu.memory_space<hbm>> -> memref<128x128xf32, #tpu.memory_space<hbm>>
      tpu.enqueue_dma source(%arg7 : memref<128x128xf32, #tpu.memory_space<vmem>>) target(%dma_start3A_33 : memref<128x128xf32, #tpu.memory_space<hbm>>) target_semaphore(%run_scoped3A : memref<!tpu.dma_semaphore, #tpu.memory_space<semaphore_mem>>)
      %dma_wait3A = arith.constant 0 : i32
      %dma_wait3A_34 = tpu.memref_slice %arg5[%arg0, %add3A_22, %dma_wait3A] : memref<2x10240x128xf32, #tpu.memory_space<hbm>> -> memref<1x128x128xf32, #tpu.memory_space<hbm>>
      %dma_wait3A_35 = tpu.memref_squeeze %dma_wait3A_34 : memref<1x128x128xf32, #tpu.memory_space<hbm>> -> memref<128x128xf32, #tpu.memory_space<hbm>>
      %dma_wait3A_36 = arith.constant 0 : i32
      %dma_wait3A_37 = tpu.memref_slice %arg5[%arg0, %add3A_22, %dma_wait3A_36] : memref<2x10240x128xf32, #tpu.memory_space<hbm>> -> memref<1x128x128xf32, #tpu.memory_space<hbm>>
      %dma_wait3A_38 = tpu.memref_squeeze %dma_wait3A_37 : memref<1x128x128xf32, #tpu.memory_space<hbm>> -> memref<128x128xf32, #tpu.memory_space<hbm>>
      tpu.wait_dma2 semaphore(%run_scoped3A : memref<!tpu.dma_semaphore, #tpu.memory_space<semaphore_mem>>) src(%arg7 : memref<128x128xf32, #tpu.memory_space<vmem>>) dst(%dma_wait3A_38 : memref<128x128xf32, #tpu.memory_space<hbm>>)
      tpu.yield
    }) : () -> ()
    %add3A_23 = arith.constant 256 : i32
    %add3A_24 = arith.addi %mul3A_2, %add3A_23 : i32
    "tpu.region"() ({
      %run_scoped3A = tpu.sem_alloc : memref<!tpu.dma_semaphore, #tpu.memory_space<semaphore_mem>>
      %dma_start3A = arith.constant 0 : i32
      %dma_start3A_29 = tpu.memref_slice %arg8[%add3A_24, %dma_start3A] : memref<10240x128xf32, #tpu.memory_space<vmem_shared>> -> memref<128x128xf32, #tpu.memory_space<vmem_shared>>
      %dma_start3A_30 = arith.constant 0 : i32
      %dma_start3A_31 = tpu.memref_slice %arg8[%add3A_24, %dma_start3A_30] : memref<10240x128xf32, #tpu.memory_space<vmem_shared>> -> memref<128x128xf32, #tpu.memory_space<vmem_shared>>
      tpu.enqueue_dma source(%dma_start3A_31 : memref<128x128xf32, #tpu.memory_space<vmem_shared>>) target(%arg7 : memref<128x128xf32, #tpu.memory_space<vmem>>) target_semaphore(%run_scoped3A : memref<!tpu.dma_semaphore, #tpu.memory_space<semaphore_mem>>)
      %dma_wait3A = arith.constant 0 : i32
      %dma_wait3A_32 = tpu.memref_slice %arg8[%add3A_24, %dma_wait3A] : memref<10240x128xf32, #tpu.memory_space<vmem_shared>> -> memref<128x128xf32, #tpu.memory_space<vmem_shared>>
      %dma_wait3A_33 = arith.constant 0 : i32
      %dma_wait3A_34 = tpu.memref_slice %arg8[%add3A_24, %dma_wait3A_33] : memref<10240x128xf32, #tpu.memory_space<vmem_shared>> -> memref<128x128xf32, #tpu.memory_space<vmem_shared>>
      tpu.wait_dma2 semaphore(%run_scoped3A : memref<!tpu.dma_semaphore, #tpu.memory_space<semaphore_mem>>) src(%dma_wait3A_34 : memref<128x128xf32, #tpu.memory_space<vmem_shared>>) dst(%arg7 : memref<128x128xf32, #tpu.memory_space<vmem>>)
      tpu.yield
    }) : () -> ()
    "tpu.region"() ({
      %run_scoped3A = tpu.sem_alloc : memref<!tpu.dma_semaphore, #tpu.memory_space<semaphore_mem>>
      %dma_start3A = arith.constant 0 : i32
      %dma_start3A_29 = tpu.memref_slice %arg5[%arg0, %add3A_24, %dma_start3A] : memref<2x10240x128xf32, #tpu.memory_space<hbm>> -> memref<1x128x128xf32, #tpu.memory_space<hbm>>
      %dma_start3A_30 = tpu.memref_squeeze %dma_start3A_29 : memref<1x128x128xf32, #tpu.memory_space<hbm>> -> memref<128x128xf32, #tpu.memory_space<hbm>>
      %dma_start3A_31 = arith.constant 0 : i32
      %dma_start3A_32 = tpu.memref_slice %arg5[%arg0, %add3A_24, %dma_start3A_31] : memref<2x10240x128xf32, #tpu.memory_space<hbm>> -> memref<1x128x128xf32, #tpu.memory_space<hbm>>
      %dma_start3A_33 = tpu.memref_squeeze %dma_start3A_32 : memref<1x128x128xf32, #tpu.memory_space<hbm>> -> memref<128x128xf32, #tpu.memory_space<hbm>>
      tpu.enqueue_dma source(%arg7 : memref<128x128xf32, #tpu.memory_space<vmem>>) target(%dma_start3A_33 : memref<128x128xf32, #tpu.memory_space<hbm>>) target_semaphore(%run_scoped3A : memref<!tpu.dma_semaphore, #tpu.memory_space<semaphore_mem>>)
      %dma_wait3A = arith.constant 0 : i32
      %dma_wait3A_34 = tpu.memref_slice %arg5[%arg0, %add3A_24, %dma_wait3A] : memref<2x10240x128xf32, #tpu.memory_space<hbm>> -> memref<1x128x128xf32, #tpu.memory_space<hbm>>
      %dma_wait3A_35 = tpu.memref_squeeze %dma_wait3A_34 : memref<1x128x128xf32, #tpu.memory_space<hbm>> -> memref<128x128xf32, #tpu.memory_space<hbm>>
      %dma_wait3A_36 = arith.constant 0 : i32
      %dma_wait3A_37 = tpu.memref_slice %arg5[%arg0, %add3A_24, %dma_wait3A_36] : memref<2x10240x128xf32, #tpu.memory_space<hbm>> -> memref<1x128x128xf32, #tpu.memory_space<hbm>>
      %dma_wait3A_38 = tpu.memref_squeeze %dma_wait3A_37 : memref<1x128x128xf32, #tpu.memory_space<hbm>> -> memref<128x128xf32, #tpu.memory_space<hbm>>
      tpu.wait_dma2 semaphore(%run_scoped3A : memref<!tpu.dma_semaphore, #tpu.memory_space<semaphore_mem>>) src(%arg7 : memref<128x128xf32, #tpu.memory_space<vmem>>) dst(%dma_wait3A_38 : memref<128x128xf32, #tpu.memory_space<hbm>>)
      tpu.yield
    }) : () -> ()
    %add3A_25 = arith.constant 384 : i32
    %add3A_26 = arith.addi %mul3A_2, %add3A_25 : i32
    "tpu.region"() ({
      %run_scoped3A = tpu.sem_alloc : memref<!tpu.dma_semaphore, #tpu.memory_space<semaphore_mem>>
      %dma_start3A = arith.constant 0 : i32
      %dma_start3A_29 = tpu.memref_slice %arg8[%add3A_26, %dma_start3A] : memref<10240x128xf32, #tpu.memory_space<vmem_shared>> -> memref<128x128xf32, #tpu.memory_space<vmem_shared>>
      %dma_start3A_30 = arith.constant 0 : i32
      %dma_start3A_31 = tpu.memref_slice %arg8[%add3A_26, %dma_start3A_30] : memref<10240x128xf32, #tpu.memory_space<vmem_shared>> -> memref<128x128xf32, #tpu.memory_space<vmem_shared>>
      tpu.enqueue_dma source(%dma_start3A_31 : memref<128x128xf32, #tpu.memory_space<vmem_shared>>) target(%arg7 : memref<128x128xf32, #tpu.memory_space<vmem>>) target_semaphore(%run_scoped3A : memref<!tpu.dma_semaphore, #tpu.memory_space<semaphore_mem>>)
      %dma_wait3A = arith.constant 0 : i32
      %dma_wait3A_32 = tpu.memref_slice %arg8[%add3A_26, %dma_wait3A] : memref<10240x128xf32, #tpu.memory_space<vmem_shared>> -> memref<128x128xf32, #tpu.memory_space<vmem_shared>>
      %dma_wait3A_33 = arith.constant 0 : i32
      %dma_wait3A_34 = tpu.memref_slice %arg8[%add3A_26, %dma_wait3A_33] : memref<10240x128xf32, #tpu.memory_space<vmem_shared>> -> memref<128x128xf32, #tpu.memory_space<vmem_shared>>
      tpu.wait_dma2 semaphore(%run_scoped3A : memref<!tpu.dma_semaphore, #tpu.memory_space<semaphore_mem>>) src(%dma_wait3A_34 : memref<128x128xf32, #tpu.memory_space<vmem_shared>>) dst(%arg7 : memref<128x128xf32, #tpu.memory_space<vmem>>)
      tpu.yield
    }) : () -> ()
    "tpu.region"() ({
      %run_scoped3A = tpu.sem_alloc : memref<!tpu.dma_semaphore, #tpu.memory_space<semaphore_mem>>
      %dma_start3A = arith.constant 0 : i32
      %dma_start3A_29 = tpu.memref_slice %arg5[%arg0, %add3A_26, %dma_start3A] : memref<2x10240x128xf32, #tpu.memory_space<hbm>> -> memref<1x128x128xf32, #tpu.memory_space<hbm>>
      %dma_start3A_30 = tpu.memref_squeeze %dma_start3A_29 : memref<1x128x128xf32, #tpu.memory_space<hbm>> -> memref<128x128xf32, #tpu.memory_space<hbm>>
      %dma_start3A_31 = arith.constant 0 : i32
      %dma_start3A_32 = tpu.memref_slice %arg5[%arg0, %add3A_26, %dma_start3A_31] : memref<2x10240x128xf32, #tpu.memory_space<hbm>> -> memref<1x128x128xf32, #tpu.memory_space<hbm>>
      %dma_start3A_33 = tpu.memref_squeeze %dma_start3A_32 : memref<1x128x128xf32, #tpu.memory_space<hbm>> -> memref<128x128xf32, #tpu.memory_space<hbm>>
      tpu.enqueue_dma source(%arg7 : memref<128x128xf32, #tpu.memory_space<vmem>>) target(%dma_start3A_33 : memref<128x128xf32, #tpu.memory_space<hbm>>) target_semaphore(%run_scoped3A : memref<!tpu.dma_semaphore, #tpu.memory_space<semaphore_mem>>)
      %dma_wait3A = arith.constant 0 : i32
      %dma_wait3A_34 = tpu.memref_slice %arg5[%arg0, %add3A_26, %dma_wait3A] : memref<2x10240x128xf32, #tpu.memory_space<hbm>> -> memref<1x128x128xf32, #tpu.memory_space<hbm>>
      %dma_wait3A_35 = tpu.memref_squeeze %dma_wait3A_34 : memref<1x128x128xf32, #tpu.memory_space<hbm>> -> memref<128x128xf32, #tpu.memory_space<hbm>>
      %dma_wait3A_36 = arith.constant 0 : i32
      %dma_wait3A_37 = tpu.memref_slice %arg5[%arg0, %add3A_26, %dma_wait3A_36] : memref<2x10240x128xf32, #tpu.memory_space<hbm>> -> memref<1x128x128xf32, #tpu.memory_space<hbm>>
      %dma_wait3A_38 = tpu.memref_squeeze %dma_wait3A_37 : memref<1x128x128xf32, #tpu.memory_space<hbm>> -> memref<128x128xf32, #tpu.memory_space<hbm>>
      tpu.wait_dma2 semaphore(%run_scoped3A : memref<!tpu.dma_semaphore, #tpu.memory_space<semaphore_mem>>) src(%arg7 : memref<128x128xf32, #tpu.memory_space<vmem>>) dst(%dma_wait3A_38 : memref<128x128xf32, #tpu.memory_space<hbm>>)
      tpu.yield
    }) : () -> ()
    %add3A_27 = arith.constant 512 : i32
    %add3A_28 = arith.addi %mul3A_2, %add3A_27 : i32
    "tpu.region"() ({
      %run_scoped3A = tpu.sem_alloc : memref<!tpu.dma_semaphore, #tpu.memory_space<semaphore_mem>>
      %dma_start3A = arith.constant 0 : i32
      %dma_start3A_29 = tpu.memref_slice %arg8[%add3A_28, %dma_start3A] : memref<10240x128xf32, #tpu.memory_space<vmem_shared>> -> memref<128x128xf32, #tpu.memory_space<vmem_shared>>
      %dma_start3A_30 = arith.constant 0 : i32
      %dma_start3A_31 = tpu.memref_slice %arg8[%add3A_28, %dma_start3A_30] : memref<10240x128xf32, #tpu.memory_space<vmem_shared>> -> memref<128x128xf32, #tpu.memory_space<vmem_shared>>
      tpu.enqueue_dma source(%dma_start3A_31 : memref<128x128xf32, #tpu.memory_space<vmem_shared>>) target(%arg7 : memref<128x128xf32, #tpu.memory_space<vmem>>) target_semaphore(%run_scoped3A : memref<!tpu.dma_semaphore, #tpu.memory_space<semaphore_mem>>)
      %dma_wait3A = arith.constant 0 : i32
      %dma_wait3A_32 = tpu.memref_slice %arg8[%add3A_28, %dma_wait3A] : memref<10240x128xf32, #tpu.memory_space<vmem_shared>> -> memref<128x128xf32, #tpu.memory_space<vmem_shared>>
      %dma_wait3A_33 = arith.constant 0 : i32
      %dma_wait3A_34 = tpu.memref_slice %arg8[%add3A_28, %dma_wait3A_33] : memref<10240x128xf32, #tpu.memory_space<vmem_shared>> -> memref<128x128xf32, #tpu.memory_space<vmem_shared>>
      tpu.wait_dma2 semaphore(%run_scoped3A : memref<!tpu.dma_semaphore, #tpu.memory_space<semaphore_mem>>) src(%dma_wait3A_34 : memref<128x128xf32, #tpu.memory_space<vmem_shared>>) dst(%arg7 : memref<128x128xf32, #tpu.memory_space<vmem>>)
      tpu.yield
    }) : () -> ()
    "tpu.region"() ({
      %run_scoped3A = tpu.sem_alloc : memref<!tpu.dma_semaphore, #tpu.memory_space<semaphore_mem>>
      %dma_start3A = arith.constant 0 : i32
      %dma_start3A_29 = tpu.memref_slice %arg5[%arg0, %add3A_28, %dma_start3A] : memref<2x10240x128xf32, #tpu.memory_space<hbm>> -> memref<1x128x128xf32, #tpu.memory_space<hbm>>
      %dma_start3A_30 = tpu.memref_squeeze %dma_start3A_29 : memref<1x128x128xf32, #tpu.memory_space<hbm>> -> memref<128x128xf32, #tpu.memory_space<hbm>>
      %dma_start3A_31 = arith.constant 0 : i32
      %dma_start3A_32 = tpu.memref_slice %arg5[%arg0, %add3A_28, %dma_start3A_31] : memref<2x10240x128xf32, #tpu.memory_space<hbm>> -> memref<1x128x128xf32, #tpu.memory_space<hbm>>
      %dma_start3A_33 = tpu.memref_squeeze %dma_start3A_32 : memref<1x128x128xf32, #tpu.memory_space<hbm>> -> memref<128x128xf32, #tpu.memory_space<hbm>>
      tpu.enqueue_dma source(%arg7 : memref<128x128xf32, #tpu.memory_space<vmem>>) target(%dma_start3A_33 : memref<128x128xf32, #tpu.memory_space<hbm>>) target_semaphore(%run_scoped3A : memref<!tpu.dma_semaphore, #tpu.memory_space<semaphore_mem>>)
      %dma_wait3A = arith.constant 0 : i32
      %dma_wait3A_34 = tpu.memref_slice %arg5[%arg0, %add3A_28, %dma_wait3A] : memref<2x10240x128xf32, #tpu.memory_space<hbm>> -> memref<1x128x128xf32, #tpu.memory_space<hbm>>
      %dma_wait3A_35 = tpu.memref_squeeze %dma_wait3A_34 : memref<1x128x128xf32, #tpu.memory_space<hbm>> -> memref<128x128xf32, #tpu.memory_space<hbm>>
      %dma_wait3A_36 = arith.constant 0 : i32
      %dma_wait3A_37 = tpu.memref_slice %arg5[%arg0, %add3A_28, %dma_wait3A_36] : memref<2x10240x128xf32, #tpu.memory_space<hbm>> -> memref<1x128x128xf32, #tpu.memory_space<hbm>>
      %dma_wait3A_38 = tpu.memref_squeeze %dma_wait3A_37 : memref<1x128x128xf32, #tpu.memory_space<hbm>> -> memref<128x128xf32, #tpu.memory_space<hbm>>
      tpu.wait_dma2 semaphore(%run_scoped3A : memref<!tpu.dma_semaphore, #tpu.memory_space<semaphore_mem>>) src(%arg7 : memref<128x128xf32, #tpu.memory_space<vmem>>) dst(%dma_wait3A_38 : memref<128x128xf32, #tpu.memory_space<hbm>>)
      tpu.yield
    }) : () -> ()
    return
  }
}

#map = affine_map<(d0, d1) -> (0, 0)>
#map1 = affine_map<(d0, d1) -> (0, 0, 0)>
module attributes {stable_mosaic.version = 14 : i64} {
  func.func @body(%arg0: i32, %arg1: i32, %arg2: memref<10240x128xf32, #tpu.memory_space<hbm>>, %arg3: memref<32x80x128xi32, #tpu.memory_space<hbm>>, %arg4: memref<32x80x128xi32, #tpu.memory_space<hbm>>, %arg5: memref<128x128xf32, #tpu.memory_space<hbm>>, %arg6: memref<2x10240x128xf32, #tpu.memory_space<hbm>>, %arg7: memref<8x128xi32, #tpu.memory_space<vmem>>, %arg8: memref<8x128xi32, #tpu.memory_space<vmem>>, %arg9: memref<128x128xf32, #tpu.memory_space<vmem>>, %arg10: memref<10240x128xf32, #tpu.memory_space<vmem_shared>>, %arg11: memref<!tpu.dma_semaphore, #tpu.memory_space<semaphore_mem>>) attributes {dimension_semantics = [#tpu.dimension_semantics<core_parallel>, #tpu.dimension_semantics<subcore_parallel>], iteration_bounds = array<i64: 2, 16>, scalar_prefetch = 0 : i64, scratch_operands = 5 : i64, tpu.core_type = #tpu.core_type<sc_vector_subcore>, window_params = [{transform_indices = #map}, {transform_indices = #map1}, {transform_indices = #map1}, {transform_indices = #map}, {transform_indices = #map1}]} {
    %mul3A = arith.constant 2 : i32
    %mul3A_0 = arith.muli %arg1, %mul3A : i32
    %add3A = arith.addi %mul3A_0, %arg0 : i32
    %mul3A_1 = arith.constant 640 : i32
    %mul3A_2 = arith.muli %arg1, %mul3A_1 : i32
    "tpu.region"() ({
      %run_scoped3A = tpu.sem_alloc : memref<!tpu.dma_semaphore, #tpu.memory_space<semaphore_mem>>
      tpu.enqueue_dma source(%arg5 : memref<128x128xf32, #tpu.memory_space<hbm>>) target(%arg9 : memref<128x128xf32, #tpu.memory_space<vmem>>) target_semaphore(%run_scoped3A : memref<!tpu.dma_semaphore, #tpu.memory_space<semaphore_mem>>)
      tpu.wait_dma2 semaphore(%run_scoped3A : memref<!tpu.dma_semaphore, #tpu.memory_space<semaphore_mem>>) src(%arg5 : memref<128x128xf32, #tpu.memory_space<hbm>>) dst(%arg9 : memref<128x128xf32, #tpu.memory_space<vmem>>)
      tpu.yield
    }) : () -> ()
    %add3A_3 = arith.constant 0 : i32
    %add3A_4 = arith.addi %mul3A_2, %add3A_3 : i32
    "tpu.region"() ({
      %run_scoped3A = tpu.sem_alloc : memref<!tpu.dma_semaphore, #tpu.memory_space<semaphore_mem>>
      %dma_start3A = arith.constant 0 : i32
      %dma_start3A_29 = tpu.memref_slice %arg10[%add3A_4, %dma_start3A] : memref<10240x128xf32, #tpu.memory_space<vmem_shared>> -> memref<128x128xf32, #tpu.memory_space<vmem_shared>>
      %dma_start3A_30 = arith.constant 0 : i32
      %dma_start3A_31 = tpu.memref_slice %arg10[%add3A_4, %dma_start3A_30] : memref<10240x128xf32, #tpu.memory_space<vmem_shared>> -> memref<128x128xf32, #tpu.memory_space<vmem_shared>>
      tpu.enqueue_dma source(%arg9 : memref<128x128xf32, #tpu.memory_space<vmem>>) target(%dma_start3A_31 : memref<128x128xf32, #tpu.memory_space<vmem_shared>>) target_semaphore(%run_scoped3A : memref<!tpu.dma_semaphore, #tpu.memory_space<semaphore_mem>>)
      %dma_wait3A = arith.constant 0 : i32
      %dma_wait3A_32 = tpu.memref_slice %arg10[%add3A_4, %dma_wait3A] : memref<10240x128xf32, #tpu.memory_space<vmem_shared>> -> memref<128x128xf32, #tpu.memory_space<vmem_shared>>
      %dma_wait3A_33 = arith.constant 0 : i32
      %dma_wait3A_34 = tpu.memref_slice %arg10[%add3A_4, %dma_wait3A_33] : memref<10240x128xf32, #tpu.memory_space<vmem_shared>> -> memref<128x128xf32, #tpu.memory_space<vmem_shared>>
      tpu.wait_dma2 semaphore(%run_scoped3A : memref<!tpu.dma_semaphore, #tpu.memory_space<semaphore_mem>>) src(%arg9 : memref<128x128xf32, #tpu.memory_space<vmem>>) dst(%dma_wait3A_34 : memref<128x128xf32, #tpu.memory_space<vmem_shared>>)
      tpu.yield
    }) : () -> ()
    %add3A_5 = arith.constant 128 : i32
    %add3A_6 = arith.addi %mul3A_2, %add3A_5 : i32
    "tpu.region"() ({
      %run_scoped3A = tpu.sem_alloc : memref<!tpu.dma_semaphore, #tpu.memory_space<semaphore_mem>>
      %dma_start3A = arith.constant 0 : i32
      %dma_start3A_29 = tpu.memref_slice %arg10[%add3A_6, %dma_start3A] : memref<10240x128xf32, #tpu.memory_space<vmem_shared>> -> memref<128x128xf32, #tpu.memory_space<vmem_shared>>
      %dma_start3A_30 = arith.constant 0 : i32
      %dma_start3A_31 = tpu.memref_slice %arg10[%add3A_6, %dma_start3A_30] : memref<10240x128xf32, #tpu.memory_space<vmem_shared>> -> memref<128x128xf32, #tpu.memory_space<vmem_shared>>
      tpu.enqueue_dma source(%arg9 : memref<128x128xf32, #tpu.memory_space<vmem>>) target(%dma_start3A_31 : memref<128x128xf32, #tpu.memory_space<vmem_shared>>) target_semaphore(%run_scoped3A : memref<!tpu.dma_semaphore, #tpu.memory_space<semaphore_mem>>)
      %dma_wait3A = arith.constant 0 : i32
      %dma_wait3A_32 = tpu.memref_slice %arg10[%add3A_6, %dma_wait3A] : memref<10240x128xf32, #tpu.memory_space<vmem_shared>> -> memref<128x128xf32, #tpu.memory_space<vmem_shared>>
      %dma_wait3A_33 = arith.constant 0 : i32
      %dma_wait3A_34 = tpu.memref_slice %arg10[%add3A_6, %dma_wait3A_33] : memref<10240x128xf32, #tpu.memory_space<vmem_shared>> -> memref<128x128xf32, #tpu.memory_space<vmem_shared>>
      tpu.wait_dma2 semaphore(%run_scoped3A : memref<!tpu.dma_semaphore, #tpu.memory_space<semaphore_mem>>) src(%arg9 : memref<128x128xf32, #tpu.memory_space<vmem>>) dst(%dma_wait3A_34 : memref<128x128xf32, #tpu.memory_space<vmem_shared>>)
      tpu.yield
    }) : () -> ()
    %add3A_7 = arith.constant 256 : i32
    %add3A_8 = arith.addi %mul3A_2, %add3A_7 : i32
    "tpu.region"() ({
      %run_scoped3A = tpu.sem_alloc : memref<!tpu.dma_semaphore, #tpu.memory_space<semaphore_mem>>
      %dma_start3A = arith.constant 0 : i32
      %dma_start3A_29 = tpu.memref_slice %arg10[%add3A_8, %dma_start3A] : memref<10240x128xf32, #tpu.memory_space<vmem_shared>> -> memref<128x128xf32, #tpu.memory_space<vmem_shared>>
      %dma_start3A_30 = arith.constant 0 : i32
      %dma_start3A_31 = tpu.memref_slice %arg10[%add3A_8, %dma_start3A_30] : memref<10240x128xf32, #tpu.memory_space<vmem_shared>> -> memref<128x128xf32, #tpu.memory_space<vmem_shared>>
      tpu.enqueue_dma source(%arg9 : memref<128x128xf32, #tpu.memory_space<vmem>>) target(%dma_start3A_31 : memref<128x128xf32, #tpu.memory_space<vmem_shared>>) target_semaphore(%run_scoped3A : memref<!tpu.dma_semaphore, #tpu.memory_space<semaphore_mem>>)
      %dma_wait3A = arith.constant 0 : i32
      %dma_wait3A_32 = tpu.memref_slice %arg10[%add3A_8, %dma_wait3A] : memref<10240x128xf32, #tpu.memory_space<vmem_shared>> -> memref<128x128xf32, #tpu.memory_space<vmem_shared>>
      %dma_wait3A_33 = arith.constant 0 : i32
      %dma_wait3A_34 = tpu.memref_slice %arg10[%add3A_8, %dma_wait3A_33] : memref<10240x128xf32, #tpu.memory_space<vmem_shared>> -> memref<128x128xf32, #tpu.memory_space<vmem_shared>>
      tpu.wait_dma2 semaphore(%run_scoped3A : memref<!tpu.dma_semaphore, #tpu.memory_space<semaphore_mem>>) src(%arg9 : memref<128x128xf32, #tpu.memory_space<vmem>>) dst(%dma_wait3A_34 : memref<128x128xf32, #tpu.memory_space<vmem_shared>>)
      tpu.yield
    }) : () -> ()
    %add3A_9 = arith.constant 384 : i32
    %add3A_10 = arith.addi %mul3A_2, %add3A_9 : i32
    "tpu.region"() ({
      %run_scoped3A = tpu.sem_alloc : memref<!tpu.dma_semaphore, #tpu.memory_space<semaphore_mem>>
      %dma_start3A = arith.constant 0 : i32
      %dma_start3A_29 = tpu.memref_slice %arg10[%add3A_10, %dma_start3A] : memref<10240x128xf32, #tpu.memory_space<vmem_shared>> -> memref<128x128xf32, #tpu.memory_space<vmem_shared>>
      %dma_start3A_30 = arith.constant 0 : i32
      %dma_start3A_31 = tpu.memref_slice %arg10[%add3A_10, %dma_start3A_30] : memref<10240x128xf32, #tpu.memory_space<vmem_shared>> -> memref<128x128xf32, #tpu.memory_space<vmem_shared>>
      tpu.enqueue_dma source(%arg9 : memref<128x128xf32, #tpu.memory_space<vmem>>) target(%dma_start3A_31 : memref<128x128xf32, #tpu.memory_space<vmem_shared>>) target_semaphore(%run_scoped3A : memref<!tpu.dma_semaphore, #tpu.memory_space<semaphore_mem>>)
      %dma_wait3A = arith.constant 0 : i32
      %dma_wait3A_32 = tpu.memref_slice %arg10[%add3A_10, %dma_wait3A] : memref<10240x128xf32, #tpu.memory_space<vmem_shared>> -> memref<128x128xf32, #tpu.memory_space<vmem_shared>>
      %dma_wait3A_33 = arith.constant 0 : i32
      %dma_wait3A_34 = tpu.memref_slice %arg10[%add3A_10, %dma_wait3A_33] : memref<10240x128xf32, #tpu.memory_space<vmem_shared>> -> memref<128x128xf32, #tpu.memory_space<vmem_shared>>
      tpu.wait_dma2 semaphore(%run_scoped3A : memref<!tpu.dma_semaphore, #tpu.memory_space<semaphore_mem>>) src(%arg9 : memref<128x128xf32, #tpu.memory_space<vmem>>) dst(%dma_wait3A_34 : memref<128x128xf32, #tpu.memory_space<vmem_shared>>)
      tpu.yield
    }) : () -> ()
    %add3A_11 = arith.constant 512 : i32
    %add3A_12 = arith.addi %mul3A_2, %add3A_11 : i32
    "tpu.region"() ({
      %run_scoped3A = tpu.sem_alloc : memref<!tpu.dma_semaphore, #tpu.memory_space<semaphore_mem>>
      %dma_start3A = arith.constant 0 : i32
      %dma_start3A_29 = tpu.memref_slice %arg10[%add3A_12, %dma_start3A] : memref<10240x128xf32, #tpu.memory_space<vmem_shared>> -> memref<128x128xf32, #tpu.memory_space<vmem_shared>>
      %dma_start3A_30 = arith.constant 0 : i32
      %dma_start3A_31 = tpu.memref_slice %arg10[%add3A_12, %dma_start3A_30] : memref<10240x128xf32, #tpu.memory_space<vmem_shared>> -> memref<128x128xf32, #tpu.memory_space<vmem_shared>>
      tpu.enqueue_dma source(%arg9 : memref<128x128xf32, #tpu.memory_space<vmem>>) target(%dma_start3A_31 : memref<128x128xf32, #tpu.memory_space<vmem_shared>>) target_semaphore(%run_scoped3A : memref<!tpu.dma_semaphore, #tpu.memory_space<semaphore_mem>>)
      %dma_wait3A = arith.constant 0 : i32
      %dma_wait3A_32 = tpu.memref_slice %arg10[%add3A_12, %dma_wait3A] : memref<10240x128xf32, #tpu.memory_space<vmem_shared>> -> memref<128x128xf32, #tpu.memory_space<vmem_shared>>
      %dma_wait3A_33 = arith.constant 0 : i32
      %dma_wait3A_34 = tpu.memref_slice %arg10[%add3A_12, %dma_wait3A_33] : memref<10240x128xf32, #tpu.memory_space<vmem_shared>> -> memref<128x128xf32, #tpu.memory_space<vmem_shared>>
      tpu.wait_dma2 semaphore(%run_scoped3A : memref<!tpu.dma_semaphore, #tpu.memory_space<semaphore_mem>>) src(%arg9 : memref<128x128xf32, #tpu.memory_space<vmem>>) dst(%dma_wait3A_34 : memref<128x128xf32, #tpu.memory_space<vmem_shared>>)
      tpu.yield
    }) : () -> ()
    %barrier3A = arith.constant 0 : index
    tpu.barrier barrier_id(%barrier3A)
    %scan3A = arith.constant 0 : i32
    %scan3A_13 = arith.constant 0 : i32
    %scan3A_14 = arith.constant 10 : i32
    %scan3A_15 = arith.addi %scan3A_13, %scan3A_14 : i32
    %scan3A_16 = arith.constant 1 : i32
    scf.for %scan3A_29 = %scan3A_13 to %scan3A_15 step %scan3A_16  : i32 {
      %mul3A_30 = arith.constant 8 : i32
      %mul3A_31 = arith.muli %scan3A_29, %mul3A_30 : i32
      "tpu.region"() ({
        %run_scoped3A = tpu.sem_alloc : memref<!tpu.dma_semaphore, #tpu.memory_space<semaphore_mem>>
        %dma_start3A = arith.constant 0 : i32
        %dma_start3A_40 = tpu.memref_slice %arg3[%add3A, %mul3A_31, %dma_start3A] : memref<32x80x128xi32, #tpu.memory_space<hbm>> -> memref<1x8x128xi32, #tpu.memory_space<hbm>>
        %dma_start3A_41 = tpu.memref_squeeze %dma_start3A_40 : memref<1x8x128xi32, #tpu.memory_space<hbm>> -> memref<8x128xi32, #tpu.memory_space<hbm>>
        %dma_start3A_42 = arith.constant 0 : i32
        %dma_start3A_43 = tpu.memref_slice %arg3[%add3A, %mul3A_31, %dma_start3A_42] : memref<32x80x128xi32, #tpu.memory_space<hbm>> -> memref<1x8x128xi32, #tpu.memory_space<hbm>>
        %dma_start3A_44 = tpu.memref_squeeze %dma_start3A_43 : memref<1x8x128xi32, #tpu.memory_space<hbm>> -> memref<8x128xi32, #tpu.memory_space<hbm>>
        tpu.enqueue_dma source(%dma_start3A_44 : memref<8x128xi32, #tpu.memory_space<hbm>>) target(%arg7 : memref<8x128xi32, #tpu.memory_space<vmem>>) target_semaphore(%run_scoped3A : memref<!tpu.dma_semaphore, #tpu.memory_space<semaphore_mem>>)
        %dma_wait3A = arith.constant 0 : i32
        %dma_wait3A_45 = tpu.memref_slice %arg3[%add3A, %mul3A_31, %dma_wait3A] : memref<32x80x128xi32, #tpu.memory_space<hbm>> -> memref<1x8x128xi32, #tpu.memory_space<hbm>>
        %dma_wait3A_46 = tpu.memref_squeeze %dma_wait3A_45 : memref<1x8x128xi32, #tpu.memory_space<hbm>> -> memref<8x128xi32, #tpu.memory_space<hbm>>
        %dma_wait3A_47 = arith.constant 0 : i32
        %dma_wait3A_48 = tpu.memref_slice %arg3[%add3A, %mul3A_31, %dma_wait3A_47] : memref<32x80x128xi32, #tpu.memory_space<hbm>> -> memref<1x8x128xi32, #tpu.memory_space<hbm>>
        %dma_wait3A_49 = tpu.memref_squeeze %dma_wait3A_48 : memref<1x8x128xi32, #tpu.memory_space<hbm>> -> memref<8x128xi32, #tpu.memory_space<hbm>>
        tpu.wait_dma2 semaphore(%run_scoped3A : memref<!tpu.dma_semaphore, #tpu.memory_space<semaphore_mem>>) src(%dma_wait3A_49 : memref<8x128xi32, #tpu.memory_space<hbm>>) dst(%arg7 : memref<8x128xi32, #tpu.memory_space<vmem>>)
        tpu.yield
      }) : () -> ()
      %mul3A_32 = arith.constant 8 : i32
      %mul3A_33 = arith.muli %scan3A_29, %mul3A_32 : i32
      "tpu.region"() ({
        %run_scoped3A = tpu.sem_alloc : memref<!tpu.dma_semaphore, #tpu.memory_space<semaphore_mem>>
        %dma_start3A = arith.constant 0 : i32
        %dma_start3A_40 = tpu.memref_slice %arg4[%add3A, %mul3A_33, %dma_start3A] : memref<32x80x128xi32, #tpu.memory_space<hbm>> -> memref<1x8x128xi32, #tpu.memory_space<hbm>>
        %dma_start3A_41 = tpu.memref_squeeze %dma_start3A_40 : memref<1x8x128xi32, #tpu.memory_space<hbm>> -> memref<8x128xi32, #tpu.memory_space<hbm>>
        %dma_start3A_42 = arith.constant 0 : i32
        %dma_start3A_43 = tpu.memref_slice %arg4[%add3A, %mul3A_33, %dma_start3A_42] : memref<32x80x128xi32, #tpu.memory_space<hbm>> -> memref<1x8x128xi32, #tpu.memory_space<hbm>>
        %dma_start3A_44 = tpu.memref_squeeze %dma_start3A_43 : memref<1x8x128xi32, #tpu.memory_space<hbm>> -> memref<8x128xi32, #tpu.memory_space<hbm>>
        tpu.enqueue_dma source(%dma_start3A_44 : memref<8x128xi32, #tpu.memory_space<hbm>>) target(%arg8 : memref<8x128xi32, #tpu.memory_space<vmem>>) target_semaphore(%run_scoped3A : memref<!tpu.dma_semaphore, #tpu.memory_space<semaphore_mem>>)
        %dma_wait3A = arith.constant 0 : i32
        %dma_wait3A_45 = tpu.memref_slice %arg4[%add3A, %mul3A_33, %dma_wait3A] : memref<32x80x128xi32, #tpu.memory_space<hbm>> -> memref<1x8x128xi32, #tpu.memory_space<hbm>>
        %dma_wait3A_46 = tpu.memref_squeeze %dma_wait3A_45 : memref<1x8x128xi32, #tpu.memory_space<hbm>> -> memref<8x128xi32, #tpu.memory_space<hbm>>
        %dma_wait3A_47 = arith.constant 0 : i32
        %dma_wait3A_48 = tpu.memref_slice %arg4[%add3A, %mul3A_33, %dma_wait3A_47] : memref<32x80x128xi32, #tpu.memory_space<hbm>> -> memref<1x8x128xi32, #tpu.memory_space<hbm>>
        %dma_wait3A_49 = tpu.memref_squeeze %dma_wait3A_48 : memref<1x8x128xi32, #tpu.memory_space<hbm>> -> memref<8x128xi32, #tpu.memory_space<hbm>>
        tpu.wait_dma2 semaphore(%run_scoped3A : memref<!tpu.dma_semaphore, #tpu.memory_space<semaphore_mem>>) src(%dma_wait3A_49 : memref<8x128xi32, #tpu.memory_space<hbm>>) dst(%arg8 : memref<8x128xi32, #tpu.memory_space<vmem>>)
        tpu.yield
      }) : () -> ()
      %scan3A_34 = arith.constant 0 : i32
      %scan3A_35 = arith.constant 0 : i32
      %scan3A_36 = arith.constant 8 : i32
      %scan3A_37 = arith.addi %scan3A_35, %scan3A_36 : i32
      %scan3A_38 = arith.constant 1 : i32
      scf.for %scan3A_40 = %scan3A_35 to %scan3A_37 step %scan3A_38  : i32 {
        %dma_start3A = arith.constant 0 : i32
        %dma_start3A_41 = tpu.memref_slice %arg7[%scan3A_40, %dma_start3A] : memref<8x128xi32, #tpu.memory_space<vmem>> -> memref<1x128xi32, #tpu.memory_space<vmem>>
        %dma_start3A_42 = tpu.memref_squeeze %dma_start3A_41 : memref<1x128xi32, #tpu.memory_space<vmem>> -> memref<128xi32, #tpu.memory_space<vmem>>
        %dma_start3A_43 = arith.constant 0 : i32
        %dma_start3A_44 = arith.constant 0 : i32
        %dma_start3A_45 = tpu.memref_slice %arg2[%dma_start3A_43, %dma_start3A_44] : memref<10240x128xf32, #tpu.memory_space<hbm>> -> memref<10240x128xf32, #tpu.memory_space<hbm>>
        tpu.enqueue_indirect_dma source(%dma_start3A_45 : memref<10240x128xf32, #tpu.memory_space<hbm>>) target(%arg9 : memref<128x128xf32, #tpu.memory_space<vmem>>) offsets(%dma_start3A_42 : memref<128xi32, #tpu.memory_space<vmem>>) semaphore(%arg11 : memref<!tpu.dma_semaphore, #tpu.memory_space<semaphore_mem>>)
        %dma_wait3A = arith.constant 0 : i32
        %dma_wait3A_46 = tpu.memref_slice %arg7[%scan3A_40, %dma_wait3A] : memref<8x128xi32, #tpu.memory_space<vmem>> -> memref<1x128xi32, #tpu.memory_space<vmem>>
        %dma_wait3A_47 = tpu.memref_squeeze %dma_wait3A_46 : memref<1x128xi32, #tpu.memory_space<vmem>> -> memref<128xi32, #tpu.memory_space<vmem>>
        %dma_wait3A_48 = arith.constant 0 : i32
        %dma_wait3A_49 = arith.constant 0 : i32
        %dma_wait3A_50 = tpu.memref_slice %arg2[%dma_wait3A_48, %dma_wait3A_49] : memref<10240x128xf32, #tpu.memory_space<hbm>> -> memref<10240x128xf32, #tpu.memory_space<hbm>>
        tpu.wait_indirect_dma semaphore(%arg11 : memref<!tpu.dma_semaphore, #tpu.memory_space<semaphore_mem>>) src(%dma_wait3A_50 : memref<10240x128xf32, #tpu.memory_space<hbm>>) dst(%arg9 : memref<128x128xf32, #tpu.memory_space<vmem>>)
        "tpu.region"() ({
          %run_scoped3A = tpu.sem_alloc : memref<!tpu.dma_semaphore, #tpu.memory_space<semaphore_mem>>
          %dma_start3A_51 = arith.constant 0 : i32
          %dma_start3A_52 = tpu.memref_slice %arg8[%scan3A_40, %dma_start3A_51] : memref<8x128xi32, #tpu.memory_space<vmem>> -> memref<1x128xi32, #tpu.memory_space<vmem>>
          %dma_start3A_53 = tpu.memref_squeeze %dma_start3A_52 : memref<1x128xi32, #tpu.memory_space<vmem>> -> memref<128xi32, #tpu.memory_space<vmem>>
          %dma_start3A_54 = arith.constant 0 : i32
          %dma_start3A_55 = arith.constant 0 : i32
          %dma_start3A_56 = tpu.memref_slice %arg10[%dma_start3A_54, %dma_start3A_55] : memref<10240x128xf32, #tpu.memory_space<vmem_shared>> -> memref<10240x128xf32, #tpu.memory_space<vmem_shared>>
          tpu.enqueue_indirect_dma source(%arg9 : memref<128x128xf32, #tpu.memory_space<vmem>>) target(%dma_start3A_56 : memref<10240x128xf32, #tpu.memory_space<vmem_shared>>) offsets(%dma_start3A_53 : memref<128xi32, #tpu.memory_space<vmem>>) semaphore(%run_scoped3A : memref<!tpu.dma_semaphore, #tpu.memory_space<semaphore_mem>>) {add = true}
          %dma_wait3A_57 = arith.constant 0 : i32
          %dma_wait3A_58 = tpu.memref_slice %arg8[%scan3A_40, %dma_wait3A_57] : memref<8x128xi32, #tpu.memory_space<vmem>> -> memref<1x128xi32, #tpu.memory_space<vmem>>
          %dma_wait3A_59 = tpu.memref_squeeze %dma_wait3A_58 : memref<1x128xi32, #tpu.memory_space<vmem>> -> memref<128xi32, #tpu.memory_space<vmem>>
          %dma_wait3A_60 = arith.constant 0 : i32
          %dma_wait3A_61 = arith.constant 0 : i32
          %dma_wait3A_62 = tpu.memref_slice %arg10[%dma_wait3A_60, %dma_wait3A_61] : memref<10240x128xf32, #tpu.memory_space<vmem_shared>> -> memref<10240x128xf32, #tpu.memory_space<vmem_shared>>
          tpu.wait_indirect_dma semaphore(%run_scoped3A : memref<!tpu.dma_semaphore, #tpu.memory_space<semaphore_mem>>) src(%arg9 : memref<128x128xf32, #tpu.memory_space<vmem>>) dst(%dma_wait3A_62 : memref<10240x128xf32, #tpu.memory_space<vmem_shared>>)
          tpu.yield
        }) : () -> ()
      }
      %scan3A_39 = arith.constant 8 : i32
    }
    %scan3A_17 = arith.constant 10 : i32
    %barrier3A_18 = arith.constant 0 : index
    tpu.barrier barrier_id(%barrier3A_18)
    %add3A_19 = arith.constant 0 : i32
    %add3A_20 = arith.addi %mul3A_2, %add3A_19 : i32
    "tpu.region"() ({
      %run_scoped3A = tpu.sem_alloc : memref<!tpu.dma_semaphore, #tpu.memory_space<semaphore_mem>>
      %dma_start3A = arith.constant 0 : i32
      %dma_start3A_29 = tpu.memref_slice %arg10[%add3A_20, %dma_start3A] : memref<10240x128xf32, #tpu.memory_space<vmem_shared>> -> memref<128x128xf32, #tpu.memory_space<vmem_shared>>
      %dma_start3A_30 = arith.constant 0 : i32
      %dma_start3A_31 = tpu.memref_slice %arg10[%add3A_20, %dma_start3A_30] : memref<10240x128xf32, #tpu.memory_space<vmem_shared>> -> memref<128x128xf32, #tpu.memory_space<vmem_shared>>
      tpu.enqueue_dma source(%dma_start3A_31 : memref<128x128xf32, #tpu.memory_space<vmem_shared>>) target(%arg9 : memref<128x128xf32, #tpu.memory_space<vmem>>) target_semaphore(%run_scoped3A : memref<!tpu.dma_semaphore, #tpu.memory_space<semaphore_mem>>)
      %dma_wait3A = arith.constant 0 : i32
      %dma_wait3A_32 = tpu.memref_slice %arg10[%add3A_20, %dma_wait3A] : memref<10240x128xf32, #tpu.memory_space<vmem_shared>> -> memref<128x128xf32, #tpu.memory_space<vmem_shared>>
      %dma_wait3A_33 = arith.constant 0 : i32
      %dma_wait3A_34 = tpu.memref_slice %arg10[%add3A_20, %dma_wait3A_33] : memref<10240x128xf32, #tpu.memory_space<vmem_shared>> -> memref<128x128xf32, #tpu.memory_space<vmem_shared>>
      tpu.wait_dma2 semaphore(%run_scoped3A : memref<!tpu.dma_semaphore, #tpu.memory_space<semaphore_mem>>) src(%dma_wait3A_34 : memref<128x128xf32, #tpu.memory_space<vmem_shared>>) dst(%arg9 : memref<128x128xf32, #tpu.memory_space<vmem>>)
      tpu.yield
    }) : () -> ()
    "tpu.region"() ({
      %run_scoped3A = tpu.sem_alloc : memref<!tpu.dma_semaphore, #tpu.memory_space<semaphore_mem>>
      %dma_start3A = arith.constant 0 : i32
      %dma_start3A_29 = tpu.memref_slice %arg6[%arg0, %add3A_20, %dma_start3A] : memref<2x10240x128xf32, #tpu.memory_space<hbm>> -> memref<1x128x128xf32, #tpu.memory_space<hbm>>
      %dma_start3A_30 = tpu.memref_squeeze %dma_start3A_29 : memref<1x128x128xf32, #tpu.memory_space<hbm>> -> memref<128x128xf32, #tpu.memory_space<hbm>>
      %dma_start3A_31 = arith.constant 0 : i32
      %dma_start3A_32 = tpu.memref_slice %arg6[%arg0, %add3A_20, %dma_start3A_31] : memref<2x10240x128xf32, #tpu.memory_space<hbm>> -> memref<1x128x128xf32, #tpu.memory_space<hbm>>
      %dma_start3A_33 = tpu.memref_squeeze %dma_start3A_32 : memref<1x128x128xf32, #tpu.memory_space<hbm>> -> memref<128x128xf32, #tpu.memory_space<hbm>>
      tpu.enqueue_dma source(%arg9 : memref<128x128xf32, #tpu.memory_space<vmem>>) target(%dma_start3A_33 : memref<128x128xf32, #tpu.memory_space<hbm>>) target_semaphore(%run_scoped3A : memref<!tpu.dma_semaphore, #tpu.memory_space<semaphore_mem>>)
      %dma_wait3A = arith.constant 0 : i32
      %dma_wait3A_34 = tpu.memref_slice %arg6[%arg0, %add3A_20, %dma_wait3A] : memref<2x10240x128xf32, #tpu.memory_space<hbm>> -> memref<1x128x128xf32, #tpu.memory_space<hbm>>
      %dma_wait3A_35 = tpu.memref_squeeze %dma_wait3A_34 : memref<1x128x128xf32, #tpu.memory_space<hbm>> -> memref<128x128xf32, #tpu.memory_space<hbm>>
      %dma_wait3A_36 = arith.constant 0 : i32
      %dma_wait3A_37 = tpu.memref_slice %arg6[%arg0, %add3A_20, %dma_wait3A_36] : memref<2x10240x128xf32, #tpu.memory_space<hbm>> -> memref<1x128x128xf32, #tpu.memory_space<hbm>>
      %dma_wait3A_38 = tpu.memref_squeeze %dma_wait3A_37 : memref<1x128x128xf32, #tpu.memory_space<hbm>> -> memref<128x128xf32, #tpu.memory_space<hbm>>
      tpu.wait_dma2 semaphore(%run_scoped3A : memref<!tpu.dma_semaphore, #tpu.memory_space<semaphore_mem>>) src(%arg9 : memref<128x128xf32, #tpu.memory_space<vmem>>) dst(%dma_wait3A_38 : memref<128x128xf32, #tpu.memory_space<hbm>>)
      tpu.yield
    }) : () -> ()
    %add3A_21 = arith.constant 128 : i32
    %add3A_22 = arith.addi %mul3A_2, %add3A_21 : i32
    "tpu.region"() ({
      %run_scoped3A = tpu.sem_alloc : memref<!tpu.dma_semaphore, #tpu.memory_space<semaphore_mem>>
      %dma_start3A = arith.constant 0 : i32
      %dma_start3A_29 = tpu.memref_slice %arg10[%add3A_22, %dma_start3A] : memref<10240x128xf32, #tpu.memory_space<vmem_shared>> -> memref<128x128xf32, #tpu.memory_space<vmem_shared>>
      %dma_start3A_30 = arith.constant 0 : i32
      %dma_start3A_31 = tpu.memref_slice %arg10[%add3A_22, %dma_start3A_30] : memref<10240x128xf32, #tpu.memory_space<vmem_shared>> -> memref<128x128xf32, #tpu.memory_space<vmem_shared>>
      tpu.enqueue_dma source(%dma_start3A_31 : memref<128x128xf32, #tpu.memory_space<vmem_shared>>) target(%arg9 : memref<128x128xf32, #tpu.memory_space<vmem>>) target_semaphore(%run_scoped3A : memref<!tpu.dma_semaphore, #tpu.memory_space<semaphore_mem>>)
      %dma_wait3A = arith.constant 0 : i32
      %dma_wait3A_32 = tpu.memref_slice %arg10[%add3A_22, %dma_wait3A] : memref<10240x128xf32, #tpu.memory_space<vmem_shared>> -> memref<128x128xf32, #tpu.memory_space<vmem_shared>>
      %dma_wait3A_33 = arith.constant 0 : i32
      %dma_wait3A_34 = tpu.memref_slice %arg10[%add3A_22, %dma_wait3A_33] : memref<10240x128xf32, #tpu.memory_space<vmem_shared>> -> memref<128x128xf32, #tpu.memory_space<vmem_shared>>
      tpu.wait_dma2 semaphore(%run_scoped3A : memref<!tpu.dma_semaphore, #tpu.memory_space<semaphore_mem>>) src(%dma_wait3A_34 : memref<128x128xf32, #tpu.memory_space<vmem_shared>>) dst(%arg9 : memref<128x128xf32, #tpu.memory_space<vmem>>)
      tpu.yield
    }) : () -> ()
    "tpu.region"() ({
      %run_scoped3A = tpu.sem_alloc : memref<!tpu.dma_semaphore, #tpu.memory_space<semaphore_mem>>
      %dma_start3A = arith.constant 0 : i32
      %dma_start3A_29 = tpu.memref_slice %arg6[%arg0, %add3A_22, %dma_start3A] : memref<2x10240x128xf32, #tpu.memory_space<hbm>> -> memref<1x128x128xf32, #tpu.memory_space<hbm>>
      %dma_start3A_30 = tpu.memref_squeeze %dma_start3A_29 : memref<1x128x128xf32, #tpu.memory_space<hbm>> -> memref<128x128xf32, #tpu.memory_space<hbm>>
      %dma_start3A_31 = arith.constant 0 : i32
      %dma_start3A_32 = tpu.memref_slice %arg6[%arg0, %add3A_22, %dma_start3A_31] : memref<2x10240x128xf32, #tpu.memory_space<hbm>> -> memref<1x128x128xf32, #tpu.memory_space<hbm>>
      %dma_start3A_33 = tpu.memref_squeeze %dma_start3A_32 : memref<1x128x128xf32, #tpu.memory_space<hbm>> -> memref<128x128xf32, #tpu.memory_space<hbm>>
      tpu.enqueue_dma source(%arg9 : memref<128x128xf32, #tpu.memory_space<vmem>>) target(%dma_start3A_33 : memref<128x128xf32, #tpu.memory_space<hbm>>) target_semaphore(%run_scoped3A : memref<!tpu.dma_semaphore, #tpu.memory_space<semaphore_mem>>)
      %dma_wait3A = arith.constant 0 : i32
      %dma_wait3A_34 = tpu.memref_slice %arg6[%arg0, %add3A_22, %dma_wait3A] : memref<2x10240x128xf32, #tpu.memory_space<hbm>> -> memref<1x128x128xf32, #tpu.memory_space<hbm>>
      %dma_wait3A_35 = tpu.memref_squeeze %dma_wait3A_34 : memref<1x128x128xf32, #tpu.memory_space<hbm>> -> memref<128x128xf32, #tpu.memory_space<hbm>>
      %dma_wait3A_36 = arith.constant 0 : i32
      %dma_wait3A_37 = tpu.memref_slice %arg6[%arg0, %add3A_22, %dma_wait3A_36] : memref<2x10240x128xf32, #tpu.memory_space<hbm>> -> memref<1x128x128xf32, #tpu.memory_space<hbm>>
      %dma_wait3A_38 = tpu.memref_squeeze %dma_wait3A_37 : memref<1x128x128xf32, #tpu.memory_space<hbm>> -> memref<128x128xf32, #tpu.memory_space<hbm>>
      tpu.wait_dma2 semaphore(%run_scoped3A : memref<!tpu.dma_semaphore, #tpu.memory_space<semaphore_mem>>) src(%arg9 : memref<128x128xf32, #tpu.memory_space<vmem>>) dst(%dma_wait3A_38 : memref<128x128xf32, #tpu.memory_space<hbm>>)
      tpu.yield
    }) : () -> ()
    %add3A_23 = arith.constant 256 : i32
    %add3A_24 = arith.addi %mul3A_2, %add3A_23 : i32
    "tpu.region"() ({
      %run_scoped3A = tpu.sem_alloc : memref<!tpu.dma_semaphore, #tpu.memory_space<semaphore_mem>>
      %dma_start3A = arith.constant 0 : i32
      %dma_start3A_29 = tpu.memref_slice %arg10[%add3A_24, %dma_start3A] : memref<10240x128xf32, #tpu.memory_space<vmem_shared>> -> memref<128x128xf32, #tpu.memory_space<vmem_shared>>
      %dma_start3A_30 = arith.constant 0 : i32
      %dma_start3A_31 = tpu.memref_slice %arg10[%add3A_24, %dma_start3A_30] : memref<10240x128xf32, #tpu.memory_space<vmem_shared>> -> memref<128x128xf32, #tpu.memory_space<vmem_shared>>
      tpu.enqueue_dma source(%dma_start3A_31 : memref<128x128xf32, #tpu.memory_space<vmem_shared>>) target(%arg9 : memref<128x128xf32, #tpu.memory_space<vmem>>) target_semaphore(%run_scoped3A : memref<!tpu.dma_semaphore, #tpu.memory_space<semaphore_mem>>)
      %dma_wait3A = arith.constant 0 : i32
      %dma_wait3A_32 = tpu.memref_slice %arg10[%add3A_24, %dma_wait3A] : memref<10240x128xf32, #tpu.memory_space<vmem_shared>> -> memref<128x128xf32, #tpu.memory_space<vmem_shared>>
      %dma_wait3A_33 = arith.constant 0 : i32
      %dma_wait3A_34 = tpu.memref_slice %arg10[%add3A_24, %dma_wait3A_33] : memref<10240x128xf32, #tpu.memory_space<vmem_shared>> -> memref<128x128xf32, #tpu.memory_space<vmem_shared>>
      tpu.wait_dma2 semaphore(%run_scoped3A : memref<!tpu.dma_semaphore, #tpu.memory_space<semaphore_mem>>) src(%dma_wait3A_34 : memref<128x128xf32, #tpu.memory_space<vmem_shared>>) dst(%arg9 : memref<128x128xf32, #tpu.memory_space<vmem>>)
      tpu.yield
    }) : () -> ()
    "tpu.region"() ({
      %run_scoped3A = tpu.sem_alloc : memref<!tpu.dma_semaphore, #tpu.memory_space<semaphore_mem>>
      %dma_start3A = arith.constant 0 : i32
      %dma_start3A_29 = tpu.memref_slice %arg6[%arg0, %add3A_24, %dma_start3A] : memref<2x10240x128xf32, #tpu.memory_space<hbm>> -> memref<1x128x128xf32, #tpu.memory_space<hbm>>
      %dma_start3A_30 = tpu.memref_squeeze %dma_start3A_29 : memref<1x128x128xf32, #tpu.memory_space<hbm>> -> memref<128x128xf32, #tpu.memory_space<hbm>>
      %dma_start3A_31 = arith.constant 0 : i32
      %dma_start3A_32 = tpu.memref_slice %arg6[%arg0, %add3A_24, %dma_start3A_31] : memref<2x10240x128xf32, #tpu.memory_space<hbm>> -> memref<1x128x128xf32, #tpu.memory_space<hbm>>
      %dma_start3A_33 = tpu.memref_squeeze %dma_start3A_32 : memref<1x128x128xf32, #tpu.memory_space<hbm>> -> memref<128x128xf32, #tpu.memory_space<hbm>>
      tpu.enqueue_dma source(%arg9 : memref<128x128xf32, #tpu.memory_space<vmem>>) target(%dma_start3A_33 : memref<128x128xf32, #tpu.memory_space<hbm>>) target_semaphore(%run_scoped3A : memref<!tpu.dma_semaphore, #tpu.memory_space<semaphore_mem>>)
      %dma_wait3A = arith.constant 0 : i32
      %dma_wait3A_34 = tpu.memref_slice %arg6[%arg0, %add3A_24, %dma_wait3A] : memref<2x10240x128xf32, #tpu.memory_space<hbm>> -> memref<1x128x128xf32, #tpu.memory_space<hbm>>
      %dma_wait3A_35 = tpu.memref_squeeze %dma_wait3A_34 : memref<1x128x128xf32, #tpu.memory_space<hbm>> -> memref<128x128xf32, #tpu.memory_space<hbm>>
      %dma_wait3A_36 = arith.constant 0 : i32
      %dma_wait3A_37 = tpu.memref_slice %arg6[%arg0, %add3A_24, %dma_wait3A_36] : memref<2x10240x128xf32, #tpu.memory_space<hbm>> -> memref<1x128x128xf32, #tpu.memory_space<hbm>>
      %dma_wait3A_38 = tpu.memref_squeeze %dma_wait3A_37 : memref<1x128x128xf32, #tpu.memory_space<hbm>> -> memref<128x128xf32, #tpu.memory_space<hbm>>
      tpu.wait_dma2 semaphore(%run_scoped3A : memref<!tpu.dma_semaphore, #tpu.memory_space<semaphore_mem>>) src(%arg9 : memref<128x128xf32, #tpu.memory_space<vmem>>) dst(%dma_wait3A_38 : memref<128x128xf32, #tpu.memory_space<hbm>>)
      tpu.yield
    }) : () -> ()
    %add3A_25 = arith.constant 384 : i32
    %add3A_26 = arith.addi %mul3A_2, %add3A_25 : i32
    "tpu.region"() ({
      %run_scoped3A = tpu.sem_alloc : memref<!tpu.dma_semaphore, #tpu.memory_space<semaphore_mem>>
      %dma_start3A = arith.constant 0 : i32
      %dma_start3A_29 = tpu.memref_slice %arg10[%add3A_26, %dma_start3A] : memref<10240x128xf32, #tpu.memory_space<vmem_shared>> -> memref<128x128xf32, #tpu.memory_space<vmem_shared>>
      %dma_start3A_30 = arith.constant 0 : i32
      %dma_start3A_31 = tpu.memref_slice %arg10[%add3A_26, %dma_start3A_30] : memref<10240x128xf32, #tpu.memory_space<vmem_shared>> -> memref<128x128xf32, #tpu.memory_space<vmem_shared>>
      tpu.enqueue_dma source(%dma_start3A_31 : memref<128x128xf32, #tpu.memory_space<vmem_shared>>) target(%arg9 : memref<128x128xf32, #tpu.memory_space<vmem>>) target_semaphore(%run_scoped3A : memref<!tpu.dma_semaphore, #tpu.memory_space<semaphore_mem>>)
      %dma_wait3A = arith.constant 0 : i32
      %dma_wait3A_32 = tpu.memref_slice %arg10[%add3A_26, %dma_wait3A] : memref<10240x128xf32, #tpu.memory_space<vmem_shared>> -> memref<128x128xf32, #tpu.memory_space<vmem_shared>>
      %dma_wait3A_33 = arith.constant 0 : i32
      %dma_wait3A_34 = tpu.memref_slice %arg10[%add3A_26, %dma_wait3A_33] : memref<10240x128xf32, #tpu.memory_space<vmem_shared>> -> memref<128x128xf32, #tpu.memory_space<vmem_shared>>
      tpu.wait_dma2 semaphore(%run_scoped3A : memref<!tpu.dma_semaphore, #tpu.memory_space<semaphore_mem>>) src(%dma_wait3A_34 : memref<128x128xf32, #tpu.memory_space<vmem_shared>>) dst(%arg9 : memref<128x128xf32, #tpu.memory_space<vmem>>)
      tpu.yield
    }) : () -> ()
    "tpu.region"() ({
      %run_scoped3A = tpu.sem_alloc : memref<!tpu.dma_semaphore, #tpu.memory_space<semaphore_mem>>
      %dma_start3A = arith.constant 0 : i32
      %dma_start3A_29 = tpu.memref_slice %arg6[%arg0, %add3A_26, %dma_start3A] : memref<2x10240x128xf32, #tpu.memory_space<hbm>> -> memref<1x128x128xf32, #tpu.memory_space<hbm>>
      %dma_start3A_30 = tpu.memref_squeeze %dma_start3A_29 : memref<1x128x128xf32, #tpu.memory_space<hbm>> -> memref<128x128xf32, #tpu.memory_space<hbm>>
      %dma_start3A_31 = arith.constant 0 : i32
      %dma_start3A_32 = tpu.memref_slice %arg6[%arg0, %add3A_26, %dma_start3A_31] : memref<2x10240x128xf32, #tpu.memory_space<hbm>> -> memref<1x128x128xf32, #tpu.memory_space<hbm>>
      %dma_start3A_33 = tpu.memref_squeeze %dma_start3A_32 : memref<1x128x128xf32, #tpu.memory_space<hbm>> -> memref<128x128xf32, #tpu.memory_space<hbm>>
      tpu.enqueue_dma source(%arg9 : memref<128x128xf32, #tpu.memory_space<vmem>>) target(%dma_start3A_33 : memref<128x128xf32, #tpu.memory_space<hbm>>) target_semaphore(%run_scoped3A : memref<!tpu.dma_semaphore, #tpu.memory_space<semaphore_mem>>)
      %dma_wait3A = arith.constant 0 : i32
      %dma_wait3A_34 = tpu.memref_slice %arg6[%arg0, %add3A_26, %dma_wait3A] : memref<2x10240x128xf32, #tpu.memory_space<hbm>> -> memref<1x128x128xf32, #tpu.memory_space<hbm>>
      %dma_wait3A_35 = tpu.memref_squeeze %dma_wait3A_34 : memref<1x128x128xf32, #tpu.memory_space<hbm>> -> memref<128x128xf32, #tpu.memory_space<hbm>>
      %dma_wait3A_36 = arith.constant 0 : i32
      %dma_wait3A_37 = tpu.memref_slice %arg6[%arg0, %add3A_26, %dma_wait3A_36] : memref<2x10240x128xf32, #tpu.memory_space<hbm>> -> memref<1x128x128xf32, #tpu.memory_space<hbm>>
      %dma_wait3A_38 = tpu.memref_squeeze %dma_wait3A_37 : memref<1x128x128xf32, #tpu.memory_space<hbm>> -> memref<128x128xf32, #tpu.memory_space<hbm>>
      tpu.wait_dma2 semaphore(%run_scoped3A : memref<!tpu.dma_semaphore, #tpu.memory_space<semaphore_mem>>) src(%arg9 : memref<128x128xf32, #tpu.memory_space<vmem>>) dst(%dma_wait3A_38 : memref<128x128xf32, #tpu.memory_space<hbm>>)
      tpu.yield
    }) : () -> ()
    %add3A_27 = arith.constant 512 : i32
    %add3A_28 = arith.addi %mul3A_2, %add3A_27 : i32
    "tpu.region"() ({
      %run_scoped3A = tpu.sem_alloc : memref<!tpu.dma_semaphore, #tpu.memory_space<semaphore_mem>>
      %dma_start3A = arith.constant 0 : i32
      %dma_start3A_29 = tpu.memref_slice %arg10[%add3A_28, %dma_start3A] : memref<10240x128xf32, #tpu.memory_space<vmem_shared>> -> memref<128x128xf32, #tpu.memory_space<vmem_shared>>
      %dma_start3A_30 = arith.constant 0 : i32
      %dma_start3A_31 = tpu.memref_slice %arg10[%add3A_28, %dma_start3A_30] : memref<10240x128xf32, #tpu.memory_space<vmem_shared>> -> memref<128x128xf32, #tpu.memory_space<vmem_shared>>
      tpu.enqueue_dma source(%dma_start3A_31 : memref<128x128xf32, #tpu.memory_space<vmem_shared>>) target(%arg9 : memref<128x128xf32, #tpu.memory_space<vmem>>) target_semaphore(%run_scoped3A : memref<!tpu.dma_semaphore, #tpu.memory_space<semaphore_mem>>)
      %dma_wait3A = arith.constant 0 : i32
      %dma_wait3A_32 = tpu.memref_slice %arg10[%add3A_28, %dma_wait3A] : memref<10240x128xf32, #tpu.memory_space<vmem_shared>> -> memref<128x128xf32, #tpu.memory_space<vmem_shared>>
      %dma_wait3A_33 = arith.constant 0 : i32
      %dma_wait3A_34 = tpu.memref_slice %arg10[%add3A_28, %dma_wait3A_33] : memref<10240x128xf32, #tpu.memory_space<vmem_shared>> -> memref<128x128xf32, #tpu.memory_space<vmem_shared>>
      tpu.wait_dma2 semaphore(%run_scoped3A : memref<!tpu.dma_semaphore, #tpu.memory_space<semaphore_mem>>) src(%dma_wait3A_34 : memref<128x128xf32, #tpu.memory_space<vmem_shared>>) dst(%arg9 : memref<128x128xf32, #tpu.memory_space<vmem>>)
      tpu.yield
    }) : () -> ()
    "tpu.region"() ({
      %run_scoped3A = tpu.sem_alloc : memref<!tpu.dma_semaphore, #tpu.memory_space<semaphore_mem>>
      %dma_start3A = arith.constant 0 : i32
      %dma_start3A_29 = tpu.memref_slice %arg6[%arg0, %add3A_28, %dma_start3A] : memref<2x10240x128xf32, #tpu.memory_space<hbm>> -> memref<1x128x128xf32, #tpu.memory_space<hbm>>
      %dma_start3A_30 = tpu.memref_squeeze %dma_start3A_29 : memref<1x128x128xf32, #tpu.memory_space<hbm>> -> memref<128x128xf32, #tpu.memory_space<hbm>>
      %dma_start3A_31 = arith.constant 0 : i32
      %dma_start3A_32 = tpu.memref_slice %arg6[%arg0, %add3A_28, %dma_start3A_31] : memref<2x10240x128xf32, #tpu.memory_space<hbm>> -> memref<1x128x128xf32, #tpu.memory_space<hbm>>
      %dma_start3A_33 = tpu.memref_squeeze %dma_start3A_32 : memref<1x128x128xf32, #tpu.memory_space<hbm>> -> memref<128x128xf32, #tpu.memory_space<hbm>>
      tpu.enqueue_dma source(%arg9 : memref<128x128xf32, #tpu.memory_space<vmem>>) target(%dma_start3A_33 : memref<128x128xf32, #tpu.memory_space<hbm>>) target_semaphore(%run_scoped3A : memref<!tpu.dma_semaphore, #tpu.memory_space<semaphore_mem>>)
      %dma_wait3A = arith.constant 0 : i32
      %dma_wait3A_34 = tpu.memref_slice %arg6[%arg0, %add3A_28, %dma_wait3A] : memref<2x10240x128xf32, #tpu.memory_space<hbm>> -> memref<1x128x128xf32, #tpu.memory_space<hbm>>
      %dma_wait3A_35 = tpu.memref_squeeze %dma_wait3A_34 : memref<1x128x128xf32, #tpu.memory_space<hbm>> -> memref<128x128xf32, #tpu.memory_space<hbm>>
      %dma_wait3A_36 = arith.constant 0 : i32
      %dma_wait3A_37 = tpu.memref_slice %arg6[%arg0, %add3A_28, %dma_wait3A_36] : memref<2x10240x128xf32, #tpu.memory_space<hbm>> -> memref<1x128x128xf32, #tpu.memory_space<hbm>>
      %dma_wait3A_38 = tpu.memref_squeeze %dma_wait3A_37 : memref<1x128x128xf32, #tpu.memory_space<hbm>> -> memref<128x128xf32, #tpu.memory_space<hbm>>
      tpu.wait_dma2 semaphore(%run_scoped3A : memref<!tpu.dma_semaphore, #tpu.memory_space<semaphore_mem>>) src(%arg9 : memref<128x128xf32, #tpu.memory_space<vmem>>) dst(%dma_wait3A_38 : memref<128x128xf32, #tpu.memory_space<hbm>>)
      tpu.yield
    }) : () -> ()
    return
  }
}

module attributes {stable_mosaic.version = 14 : i64} {
  func.func @body(%arg0: i32, %arg1: memref<1024x48xf32, #tpu.memory_space<vmem>>, %arg2: memref<2x1024x128xf32, #tpu.memory_space<vmem>>, %arg3: memref<2x1024x128xf32, #tpu.memory_space<vmem>>, %arg4: memref<1024x48xf32, #tpu.memory_space<vmem>>) attributes {dimension_semantics = [#tpu.dimension_semantics<arbitrary>], iteration_bounds = array<i64: 10>, scalar_prefetch = 0 : i64, scratch_operands = 0 : i64, tpu.core_type = #tpu.core_type<tc>, window_params = [{transform_indices = @transform_0, window_bounds = array<i64: 1024, 48>}, {transform_indices = @transform_1, window_bounds = array<i64: 2, 1024, 128>}, {transform_indices = @transform_2, window_bounds = array<i64: 2, 1024, 128>}, {transform_indices = @transform_3, window_bounds = array<i64: 1024, 48>}]} {
    %get3A = arith.constant 0 : index
    %get3A_0 = arith.constant 0 : index
    %get3A_1 = arith.constant 0 : index
    %get3A_2 = vector.load %arg3[%get3A, %get3A_0, %get3A_1] : memref<2x1024x128xf32, #tpu.memory_space<vmem>>, vector<1x1024x128xf32>
    %get3A_3 = vector.shape_cast %get3A_2 : vector<1x1024x128xf32> to vector<1024x128xf32>
    %get3A_4 = arith.constant 1 : index
    %get3A_5 = arith.constant 0 : index
    %get3A_6 = arith.constant 0 : index
    %get3A_7 = vector.load %arg3[%get3A_4, %get3A_5, %get3A_6] : memref<2x1024x128xf32, #tpu.memory_space<vmem>>, vector<1x1024x128xf32>
    %get3A_8 = vector.shape_cast %get3A_7 : vector<1x1024x128xf32> to vector<1024x128xf32>
    %add3A = arith.addf %get3A_3, %get3A_8 : vector<1024x128xf32>
    %max3A = arith.constant 1.000000e+00 : f32
    %max3A_9 = vector.broadcast %max3A : f32 to vector<1024x128xf32>
    %max3A_10 = arith.maximumf %add3A, %max3A_9 : vector<1024x128xf32>
    %div3A = arith.constant 1.000000e+00 : f32
    %div3A_11 = vector.broadcast %div3A : f32 to vector<1024x128xf32>
    %div3A_12 = arith.divf %div3A_11, %max3A_10 : vector<1024x128xf32>
    %get3A_13 = arith.constant 0 : index
    %get3A_14 = arith.constant 0 : index
    %get3A_15 = arith.constant 0 : index
    %get3A_16 = vector.load %arg2[%get3A_13, %get3A_14, %get3A_15] : memref<2x1024x128xf32, #tpu.memory_space<vmem>>, vector<1x1024x128xf32>
    %get3A_17 = vector.shape_cast %get3A_16 : vector<1x1024x128xf32> to vector<1024x128xf32>
    %get3A_18 = arith.constant 1 : index
    %get3A_19 = arith.constant 0 : index
    %get3A_20 = arith.constant 0 : index
    %get3A_21 = vector.load %arg2[%get3A_18, %get3A_19, %get3A_20] : memref<2x1024x128xf32, #tpu.memory_space<vmem>>, vector<1x1024x128xf32>
    %get3A_22 = vector.shape_cast %get3A_21 : vector<1x1024x128xf32> to vector<1024x128xf32>
    %add3A_23 = arith.addf %get3A_17, %get3A_22 : vector<1024x128xf32>
    %get3A_24 = arith.constant 0 : index
    %get3A_25 = arith.constant 0 : index
    %get3A_26 = vector.load %arg1[%get3A_24, %get3A_25] : memref<1024x48xf32, #tpu.memory_space<vmem>>, vector<1024x48xf32>
    %slice3A = vector.extract_strided_slice %add3A_23 {offsets = [0, 0], sizes = [1024, 48], strides = [1, 1]} : vector<1024x128xf32> to vector<1024x48xf32>
    %slice3A_27 = vector.extract_strided_slice %div3A_12 {offsets = [0, 0], sizes = [1024, 1], strides = [1, 1]} : vector<1024x128xf32> to vector<1024x1xf32>
    %mul3A = vector.broadcast %slice3A_27 : vector<1024x1xf32> to vector<1024x48xf32>
    %mul3A_28 = arith.mulf %slice3A, %mul3A : vector<1024x48xf32>
    %add3A_29 = arith.addf %get3A_26, %mul3A_28 : vector<1024x48xf32>
    %swap3A = arith.constant 0 : index
    %swap3A_30 = arith.constant 0 : index
    %swap3A_31 = vector.load %arg4[%swap3A, %swap3A_30] : memref<1024x48xf32, #tpu.memory_space<vmem>>, vector<1024x48xf32>
    tpu.vector_store %arg4[%swap3A, %swap3A_30], %add3A_29 {strides = array<i32>} : memref<1024x48xf32, #tpu.memory_space<vmem>>, vector<1024x48xf32>,
    return
  }
  func.func @transform_0(%arg0: i32) -> (i32, i32) {
    %c0_i32 = arith.constant 0 : i32
    %c0_i32_0 = arith.constant 0 : i32
    return %arg0, %c0_i32 : i32, i32
  }
  func.func @transform_1(%arg0: i32) -> (i32, i32, i32) {
    %c0_i32 = arith.constant 0 : i32
    %c0_i32_0 = arith.constant 0 : i32
    %c0_i32_1 = arith.constant 0 : i32
    return %c0_i32, %arg0, %c0_i32_0 : i32, i32, i32
  }
  func.func @transform_2(%arg0: i32) -> (i32, i32, i32) {
    %c0_i32 = arith.constant 0 : i32
    %c0_i32_0 = arith.constant 0 : i32
    %c0_i32_1 = arith.constant 0 : i32
    return %c0_i32, %arg0, %c0_i32_0 : i32, i32, i32
  }
  func.func @transform_3(%arg0: i32) -> (i32, i32) {
    %c0_i32 = arith.constant 0 : i32
    %c0_i32_0 = arith.constant 0 : i32
    return %arg0, %c0_i32 : i32, i32
  }
}

module attributes {stable_mosaic.version = 14 : i64} {
  func.func @body(%arg0: i32, %arg1: memref<256x128xf32, #tpu.memory_space<vmem>>, %arg2: memref<2x256x128xf32, #tpu.memory_space<vmem>>, %arg3: memref<2x256x128xf32, #tpu.memory_space<vmem>>, %arg4: memref<128x256xf32, #tpu.memory_space<vmem>>, %arg5: memref<128x256xf32, #tpu.memory_space<vmem>>, %arg6: memref<1x256xf32, #tpu.memory_space<vmem>>, %arg7: memref<256x48xf32, #tpu.memory_space<vmem>>, %arg8: memref<256x128xf32, #tpu.memory_space<vmem>>, %arg9: memref<1x48xf32, #tpu.memory_space<vmem>>, %arg10: memref<256x128xf32, #tpu.memory_space<vmem>>, %arg11: memref<256x48xf32, #tpu.memory_space<vmem>>) attributes {dimension_semantics = [#tpu.dimension_semantics<arbitrary>], iteration_bounds = array<i64: 40>, scalar_prefetch = 0 : i64, scratch_operands = 0 : i64, tpu.core_type = #tpu.core_type<tc>, window_params = [{transform_indices = @transform_0, window_bounds = array<i64: 256, 128>}, {transform_indices = @transform_1, window_bounds = array<i64: 2, 256, 128>}, {transform_indices = @transform_2, window_bounds = array<i64: 2, 256, 128>}, {pipeline_mode = #tpu.pipeline_mode<synchronous>, transform_indices = @transform_3, window_bounds = array<i64: 128, 256>}, {pipeline_mode = #tpu.pipeline_mode<synchronous>, transform_indices = @transform_4, window_bounds = array<i64: 128, 256>}, {pipeline_mode = #tpu.pipeline_mode<synchronous>, transform_indices = @transform_5, window_bounds = array<i64: 1, 256>}, {pipeline_mode = #tpu.pipeline_mode<synchronous>, transform_indices = @transform_6, window_bounds = array<i64: 256, 48>}, {pipeline_mode = #tpu.pipeline_mode<synchronous>, transform_indices = @transform_7, window_bounds = array<i64: 256, 128>}, {pipeline_mode = #tpu.pipeline_mode<synchronous>, transform_indices = @transform_8, window_bounds = array<i64: 1, 48>}, {transform_indices = @transform_9, window_bounds = array<i64: 256, 128>}, {transform_indices = @transform_10, window_bounds = array<i64: 256, 48>}]} {
    %get3A = arith.constant 0 : index
    %get3A_0 = arith.constant 0 : index
    %get3A_1 = arith.constant 0 : index
    %get3A_2 = vector.load %arg3[%get3A, %get3A_0, %get3A_1] : memref<2x256x128xf32, #tpu.memory_space<vmem>>, vector<1x256x128xf32>
    %get3A_3 = vector.shape_cast %get3A_2 : vector<1x256x128xf32> to vector<256x128xf32>
    %get3A_4 = arith.constant 1 : index
    %get3A_5 = arith.constant 0 : index
    %get3A_6 = arith.constant 0 : index
    %get3A_7 = vector.load %arg3[%get3A_4, %get3A_5, %get3A_6] : memref<2x256x128xf32, #tpu.memory_space<vmem>>, vector<1x256x128xf32>
    %get3A_8 = vector.shape_cast %get3A_7 : vector<1x256x128xf32> to vector<256x128xf32>
    %add3A = arith.addf %get3A_3, %get3A_8 : vector<256x128xf32>
    %max3A = arith.constant 1.000000e+00 : f32
    %max3A_9 = vector.broadcast %max3A : f32 to vector<256x128xf32>
    %max3A_10 = arith.maximumf %add3A, %max3A_9 : vector<256x128xf32>
    %div3A = arith.constant 1.000000e+00 : f32
    %div3A_11 = vector.broadcast %div3A : f32 to vector<256x128xf32>
    %div3A_12 = arith.divf %div3A_11, %max3A_10 : vector<256x128xf32>
    %get3A_13 = arith.constant 0 : index
    %get3A_14 = arith.constant 0 : index
    %get3A_15 = arith.constant 0 : index
    %get3A_16 = vector.load %arg2[%get3A_13, %get3A_14, %get3A_15] : memref<2x256x128xf32, #tpu.memory_space<vmem>>, vector<1x256x128xf32>
    %get3A_17 = vector.shape_cast %get3A_16 : vector<1x256x128xf32> to vector<256x128xf32>
    %get3A_18 = arith.constant 1 : index
    %get3A_19 = arith.constant 0 : index
    %get3A_20 = arith.constant 0 : index
    %get3A_21 = vector.load %arg2[%get3A_18, %get3A_19, %get3A_20] : memref<2x256x128xf32, #tpu.memory_space<vmem>>, vector<1x256x128xf32>
    %get3A_22 = vector.shape_cast %get3A_21 : vector<1x256x128xf32> to vector<256x128xf32>
    %add3A_23 = arith.addf %get3A_17, %get3A_22 : vector<256x128xf32>
    %slice3A = vector.extract_strided_slice %div3A_12 {offsets = [0, 0], sizes = [256, 1], strides = [1, 1]} : vector<256x128xf32> to vector<256x1xf32>
    %mul3A = vector.broadcast %slice3A : vector<256x1xf32> to vector<256x128xf32>
    %mul3A_24 = arith.mulf %add3A_23, %mul3A : vector<256x128xf32>
    %get3A_25 = arith.constant 0 : index
    %get3A_26 = arith.constant 0 : index
    %get3A_27 = vector.load %arg1[%get3A_25, %get3A_26] : memref<256x128xf32, #tpu.memory_space<vmem>>, vector<256x128xf32>
    %get3A_28 = arith.constant 0 : index
    %get3A_29 = arith.constant 0 : index
    %get3A_30 = vector.load %arg4[%get3A_28, %get3A_29] : memref<128x256xf32, #tpu.memory_space<vmem>>, vector<128x256xf32>
    %dot_general3A = arith.constant dense<0.000000e+00> : vector<256x256xf32>
    %dot_general3A_31 = tpu.matmul %get3A_27, %get3A_30, %dot_general3A {dimension_numbers = #tpu.dot_dimension_numbers<[1], [0], [0], [1], [0, 0, 1, 1], [], []>, transpose_lhs_hint = false} : vector<256x128xf32>, vector<128x256xf32>, vector<256x256xf32> -> vector<256x256xf32>
    %get3A_32 = arith.constant 0 : index
    %get3A_33 = arith.constant 0 : index
    %get3A_34 = vector.load %arg5[%get3A_32, %get3A_33] : memref<128x256xf32, #tpu.memory_space<vmem>>, vector<128x256xf32>
    %dot_general3A_35 = arith.constant dense<0.000000e+00> : vector<256x256xf32>
    %dot_general3A_36 = tpu.matmul %mul3A_24, %get3A_34, %dot_general3A_35 {dimension_numbers = #tpu.dot_dimension_numbers<[1], [0], [0], [1], [0, 0, 1, 1], [], []>, transpose_lhs_hint = false} : vector<256x128xf32>, vector<128x256xf32>, vector<256x256xf32> -> vector<256x256xf32>
    %add3A_37 = arith.addf %dot_general3A_31, %dot_general3A_36 : vector<256x256xf32>
    %get3A_38 = arith.constant 0 : index
    %get3A_39 = arith.constant 0 : index
    %get3A_40 = vector.load %arg6[%get3A_38, %get3A_39] : memref<1x256xf32, #tpu.memory_space<vmem>>, vector<1x256xf32>
    %add3A_41 = vector.broadcast %get3A_40 : vector<1x256xf32> to vector<256x256xf32>
    %add3A_42 = arith.addf %add3A_37, %add3A_41 : vector<256x256xf32>
    %max3A_43 = arith.constant 0.000000e+00 : f32
    %max3A_44 = vector.broadcast %max3A_43 : f32 to vector<256x256xf32>
    %max3A_45 = arith.maximumf %add3A_42, %max3A_44 : vector<256x256xf32>
    %get3A_46 = arith.constant 0 : index
    %get3A_47 = arith.constant 0 : index
    %get3A_48 = vector.load %arg8[%get3A_46, %get3A_47] : memref<256x128xf32, #tpu.memory_space<vmem>>, vector<256x128xf32>
    %dot_general3A_49 = arith.constant dense<0.000000e+00> : vector<256x128xf32>
    %dot_general3A_50 = tpu.matmul %max3A_45, %get3A_48, %dot_general3A_49 {dimension_numbers = #tpu.dot_dimension_numbers<[1], [0], [0], [1], [0, 0, 1, 1], [], []>, transpose_lhs_hint = false} : vector<256x256xf32>, vector<256x128xf32>, vector<256x128xf32> -> vector<256x128xf32>
    %swap3A = arith.constant 0 : index
    %swap3A_51 = arith.constant 0 : index
    %swap3A_52 = vector.load %arg10[%swap3A, %swap3A_51] : memref<256x128xf32, #tpu.memory_space<vmem>>, vector<256x128xf32>
    tpu.vector_store %arg10[%swap3A, %swap3A_51], %dot_general3A_50 {strides = array<i32>} : memref<256x128xf32, #tpu.memory_space<vmem>>, vector<256x128xf32>,
    %get3A_53 = arith.constant 0 : index
    %get3A_54 = arith.constant 0 : index
    %get3A_55 = vector.load %arg7[%get3A_53, %get3A_54] : memref<256x48xf32, #tpu.memory_space<vmem>>, vector<256x48xf32>
    %dot_general3A_56 = arith.constant dense<0.000000e+00> : vector<256x48xf32>
    %dot_general3A_57 = tpu.matmul %max3A_45, %get3A_55, %dot_general3A_56 {dimension_numbers = #tpu.dot_dimension_numbers<[1], [0], [0], [1], [0, 0, 1, 1], [], []>, transpose_lhs_hint = false} : vector<256x256xf32>, vector<256x48xf32>, vector<256x48xf32> -> vector<256x48xf32>
    %get3A_58 = arith.constant 0 : index
    %get3A_59 = arith.constant 0 : index
    %get3A_60 = vector.load %arg9[%get3A_58, %get3A_59] : memref<1x48xf32, #tpu.memory_space<vmem>>, vector<1x48xf32>
    %add3A_61 = vector.broadcast %get3A_60 : vector<1x48xf32> to vector<256x48xf32>
    %add3A_62 = arith.addf %dot_general3A_57, %add3A_61 : vector<256x48xf32>
    %swap3A_63 = arith.constant 0 : index
    %swap3A_64 = arith.constant 0 : index
    %swap3A_65 = vector.load %arg11[%swap3A_63, %swap3A_64] : memref<256x48xf32, #tpu.memory_space<vmem>>, vector<256x48xf32>
    tpu.vector_store %arg11[%swap3A_63, %swap3A_64], %add3A_62 {strides = array<i32>} : memref<256x48xf32, #tpu.memory_space<vmem>>, vector<256x48xf32>,
    return
  }
  func.func @transform_0(%arg0: i32) -> (i32, i32) {
    %c0_i32 = arith.constant 0 : i32
    %c0_i32_0 = arith.constant 0 : i32
    return %arg0, %c0_i32 : i32, i32
  }
  func.func @transform_1(%arg0: i32) -> (i32, i32, i32) {
    %c0_i32 = arith.constant 0 : i32
    %c0_i32_0 = arith.constant 0 : i32
    %c0_i32_1 = arith.constant 0 : i32
    return %c0_i32, %arg0, %c0_i32_0 : i32, i32, i32
  }
  func.func @transform_2(%arg0: i32) -> (i32, i32, i32) {
    %c0_i32 = arith.constant 0 : i32
    %c0_i32_0 = arith.constant 0 : i32
    %c0_i32_1 = arith.constant 0 : i32
    return %c0_i32, %arg0, %c0_i32_0 : i32, i32, i32
  }
  func.func @transform_3(%arg0: i32) -> (i32, i32) {
    %c0_i32 = arith.constant 0 : i32
    %c0_i32_0 = arith.constant 0 : i32
    %c0_i32_1 = arith.constant 0 : i32
    return %c0_i32, %c0_i32_0 : i32, i32
  }
  func.func @transform_4(%arg0: i32) -> (i32, i32) {
    %c0_i32 = arith.constant 0 : i32
    %c0_i32_0 = arith.constant 0 : i32
    %c0_i32_1 = arith.constant 0 : i32
    return %c0_i32, %c0_i32_0 : i32, i32
  }
  func.func @transform_5(%arg0: i32) -> (i32, i32) {
    %c0_i32 = arith.constant 0 : i32
    %c0_i32_0 = arith.constant 0 : i32
    %c0_i32_1 = arith.constant 0 : i32
    return %c0_i32, %c0_i32_0 : i32, i32
  }
  func.func @transform_6(%arg0: i32) -> (i32, i32) {
    %c0_i32 = arith.constant 0 : i32
    %c0_i32_0 = arith.constant 0 : i32
    %c0_i32_1 = arith.constant 0 : i32
    return %c0_i32, %c0_i32_0 : i32, i32
  }
  func.func @transform_7(%arg0: i32) -> (i32, i32) {
    %c0_i32 = arith.constant 0 : i32
    %c0_i32_0 = arith.constant 0 : i32
    %c0_i32_1 = arith.constant 0 : i32
    return %c0_i32, %c0_i32_0 : i32, i32
  }
  func.func @transform_8(%arg0: i32) -> (i32, i32) {
    %c0_i32 = arith.constant 0 : i32
    %c0_i32_0 = arith.constant 0 : i32
    %c0_i32_1 = arith.constant 0 : i32
    return %c0_i32, %c0_i32_0 : i32, i32
  }
  func.func @transform_9(%arg0: i32) -> (i32, i32) {
    %c0_i32 = arith.constant 0 : i32
    %c0_i32_0 = arith.constant 0 : i32
    return %arg0, %c0_i32 : i32, i32
  }
  func.func @transform_10(%arg0: i32) -> (i32, i32) {
    %c0_i32 = arith.constant 0 : i32
    %c0_i32_0 = arith.constant 0 : i32
    return %arg0, %c0_i32 : i32, i32
  }
}

</mosaic_0001>

<sc_bundles>
// kernel: kernel.10.cloned.1.call-start
scs
__scs_entry_jumppad:
0x0: {  	(pc) =	sbr.rel $0x88, $3  }
0x1: {  	(tag) =	ssettag $0x0;
	lr =	simm.s32 $0x1  }
0x2: {  	[smem:$0x3F99] =	sst lr;
	_ =	strace $0xD0000000  }
0x3: {  	_ = 	snop  }
0x4: {  	_ = 	snop  }
0x5: {  	_ = 	snop  }
0x6: {  	_ = 	snop  }
0x7: {  	_ = 	snop  }
__scs_overlays_trampoline_lowered:
0x8: {  	[smem:$0x3FA8] =	sst s0  }
0x9: {  	[smem:$0x3FA9] =	sst s1  }
0xa: {  	[smem:$0x3FAA] =	sst s2  }
0xb: {  	[smem:$0x3FAB] =	sst s3  }
0xc: {  	[smem:$0x3FAC] =	sst s4  }
0xd: {  	[smem:$0x3FAD] =	sst s5  }
0xe: {  	[smem:$0x3FAE] =	sst s6  }
0xf: {  	[smem:$0x3FAF] =	sst s7  }
0x10: {  	[smem:$0x3FB0] =	sst s8  }
0x11: {  	[smem:$0x3FB1] =	sst s9;
	s0 =	simm.s32 @!p0 $0x0  }
0x12: {  	s1 =	sld [smem:$0x3F97];
	s0 =	simm.s32 @p0 $0x1  }
0x13: {  	[smem:$0x3FB2] =	sst s0;
	s0 =	simm.s32 @!p1 $0x0  }
0x14: {  	s2 =	sld [smem:$0x3F96];
	s0 =	simm.s32 @p1 $0x1  }
0x15: {  	[smem:$0x3FB3] =	sst s0;
	s0 =	simm.s32 @!p2 $0x0  }
0x16: {  	s3 =	sld [smem:$0x3FDB];
	s0 =	simm.s32 @p2 $0x1  }
0x17: {  	s4 =	simm.s32 $0x1BF5;
	[smem:$0x3FB5] =	sst s0  }
0x18: {  	s0 =	sld [smem:$0x3F98];
	_ =	swait.ge [sflag:s4], $0x0  }
0x19: {  	s7 =	sld [smem:$0x3F99]  }
0x1a: {  	s8 =	sadd.s32 $0xFFFFE003, lr  }
0x1b: {  	s9 =	sadd.s32 $0xFFFFFEF7, lr;
	s5 =	simm.s32 $0xFFFFFFFF;
	p2 =	slt.u32 s8, $0xFFFFF086  }
0x1c: {  	p1 =	slt.u32 s9, $0xF7A;
	s5 =	simm.s32 @!p2 $0x0  }
0x1d: {  	s5 =	simm.s32 @p1 $0x1;
	p0 =	seq.s32 s7, s2  }
0x1e: {  	s7 =	smul.u32 @!p0 $0xF7A, s2;
	p2 =	seq.s32 @!p0 s5, $0x0  }
0x1f: {  	s9 =	smul.u32 $0xF7A, s1;
	s8 =	simm.s32 @!p0 $0x1BF5;
	p2 =	por !p2, p0  }
0x20: {  	[sflag:s8] =	ssyncset.s32 @!p0 $0xFFFFF086;
	s6 =	sadd.s32 @!p0 s3, s7;
	s7 =	simm.s32 @!p0 $0x108  }
0x21: {  	s3 =	sadd.s32 s3, s9;
	s6 =	sadd.s32 @!p0 $0x88, s6;
	s7 =	simm.s32 @p2 $0x1082  }
0x22: {  	[simem:s7], [sflag:s8] =	dma.local @!p0 [hbm:s6], $0xF7A  }
0x23: {  	s9 =	sor.u32 $0xD0000000, s2;
	s6 =	simm.s32 $0x108;
	_ =	swait.ge @!p0 [sflag:s8], $0x0  }
0x24: {  	s3 =	sadd.s32 $0x88, s3;
	s6 =	simm.s32 @!p1 $0x1082;
	[sflag:s4] =	ssyncset.s32 $0xFFFFF086  }
0x25: {  	[simem:s6], [sflag:s4] =	dma.local [hbm:s3], $0xF7A  }
0x26: {  	[smem:$0x3F99] =	sst s1;
	(tag) =	ssettag s2;
	_ =	strace s9  }
0x27: {  	s1 =	sld [smem:$0x3FA9]  }
0x28: {  	s2 =	sld [smem:$0x3FAA]  }
0x29: {  	s4 =	sld [smem:$0x3FAC]  }
0x2a: {  	p0 =	seq.s32 s5, $0x0;
	s5 =	sld [smem:$0x3FAD]  }
0x2b: {  	s6 =	sld [smem:$0x3FAE]  }
0x2c: {  	s7 =	sld [smem:$0x3FAF]  }
0x2d: {  	s3 =	simm.s32 $0x108;
	s8 =	sld [smem:$0x3FB0]  }
0x2e: {  	s3 =	simm.s32 @!p0 $0x1082;
	s9 =	sld [smem:$0x3FB1]  }
0x2f: {  	lr =	sadd.s32 s0, s3;
	s0 =	sld [smem:$0x3FA8]  }
0x30: {  	s3 =	sld [smem:$0x3FAB]  }
0x31: {  	[smem:$0x3FB4] =	sst s10  }
0x32: {  	s10 =	sld [smem:$0x3FB2];
	_ =	sdelay $0x3  }
0x33: {  	p0 =	seq.s32 s10, $0x1;
	s10 =	sld [smem:$0x3FB4];
	_ =	sdelay $0x3  }
0x34: {  	[smem:$0x3FB4] =	sst s10  }
0x35: {  	s10 =	sld [smem:$0x3FB3];
	_ =	sdelay $0x3  }
0x36: {  	p1 =	seq.s32 s10, $0x1;
	s10 =	sld [smem:$0x3FB4];
	_ =	sdelay $0x3  }
0x37: {  	[smem:$0x3FB4] =	sst s10  }
0x38: {  	s10 =	sld [smem:$0x3FB5]  }
0x39: {  	_ = 	snop;
	(pc) =	sbr.ind lr, $3  }
0x3a: {  	_ = 	snop  }
0x3b: {  	_ = 	snop  }
0x3c: {  	p2 =	seq.s32 s10, $0x1;
	s10 =	sld [smem:$0x3FB4]  }
0x3d: {  	_ =	shalt  }
0x3e: {  	_ =	shalt  }
0x3f: {  	_ =	shalt  }
0x40: {  	_ =	shalt  }
0x41: {  	_ =	shalt  }
0x42: {  	_ =	shalt  }
0x43: {  	_ =	shalt  }
0x44: {  	_ =	shalt  }
0x45: {  	_ =	shalt  }
0x46: {  	_ =	shalt  }
0x47: {  	_ =	shalt  }
0x48: {  	_ =	shalt  }
0x49: {  	_ =	shalt  }
0x4a: {  	_ =	shalt  }
0x4b: {  	_ =	shalt  }
0x4c: {  	_ =	shalt  }
0x4d: {  	_ =	shalt  }
0x4e: {  	_ =	shalt  }
0x4f: {  	_ =	shalt  }
0x50: {  	_ =	shalt  }
0x51: {  	_ =	shalt  }
0x52: {  	_ =	shalt  }
0x53: {  	_ =	shalt  }
0x54: {  	_ =	shalt  }
0x55: {  	_ =	shalt  }
0x56: {  	_ =	shalt  }
0x57: {  	_ =	shalt  }
0x58: {  	_ =	shalt  }
0x59: {  	_ =	shalt  }
0x5a: {  	_ =	shalt  }
0x5b: {  	_ =	shalt  }
0x5c: {  	_ =	shalt  }
0x5d: {  	_ =	shalt  }
0x5e: {  	_ =	shalt  }
0x5f: {  	_ =	shalt  }
0x60: {  	_ =	shalt  }
0x61: {  	_ =	shalt  }
0x62: {  	_ =	shalt  }
0x63: {  	_ =	shalt  }
0x64: {  	_ =	shalt  }
0x65: {  	_ =	shalt  }
0x66: {  	_ =	shalt  }
0x67: {  	_ =	shalt  }
0x68: {  	_ =	shalt  }
0x69: {  	_ =	shalt  }
0x6a: {  	_ =	shalt  }
0x6b: {  	_ =	shalt  }
0x6c: {  	_ =	shalt  }
0x6d: {  	_ =	shalt  }
0x6e: {  	_ =	shalt  }
0x6f: {  	_ =	shalt  }
0x70: {  	_ =	shalt  }
0x71: {  	_ =	shalt  }
0x72: {  	_ =	shalt  }
0x73: {  	_ =	shalt  }
0x74: {  	_ =	shalt  }
0x75: {  	_ =	shalt  }
0x76: {  	_ =	shalt  }
0x77: {  	_ =	shalt  }
0x78: {  	_ =	shalt  }
0x79: {  	_ =	shalt  }
0x7a: {  	_ =	shalt  }
0x7b: {  	_ =	shalt  }
0x7c: {  	_ =	shalt  }
0x7d: {  	_ =	shalt  }
0x7e: {  	_ =	shalt  }
0x7f: {  	_ =	shalt  }
0x80: {  	_ =	shalt  }
0x81: {  	_ =	shalt  }
0x82: {  	_ =	shalt  }
0x83: {  	_ =	shalt  }
0x84: {  	_ =	shalt  }
0x85: {  	_ =	shalt  }
0x86: {  	_ =	shalt  }
0x87: {  	_ =	shalt  }
.Lfunc_end0:
.L_simem_size_0:
called_computation.1_lowered:
.L_overlay_start_0:
0x88: {  	s2 =	sld [smem:$0x3FD9]  }
0x89: {  	s3 =	sld [smem:$0x3FFE];
	_ =	sdelay $0x1  }
0x8a: {  	s1 =	srdreg.scid  }
0x8b: {  	s0 =	sand.u32 $0x1, s1  }
0x8c: {  	s17 =	sshll.u32 s0, $0xA;
	s2 =	sadd.s32 s3, s2  }
0x8d: {  	s2 =	sadd.s32 s2, s17  }
0x8e: {  	[smem:$0x3FC0] =	sst s2  }
0x8f: {  	_ = 	snop  }
0x90: {  	s2 =	sld [smem:$0x3FD0];
	(tm) =	ssettm $0x1  }
0x91: {  	s18 =	sld [smem:$0x3FFB];
	_ =	sdelay $0x3  }
0x92: {  	_ =	strace s18  }
0x93: {  	s3 =	sld [smem:$0x3FFC];
	_ =	sdelay $0x3  }
0x94: {  	_ =	strace s3  }
0x95: {  	s3 =	sld [smem:$0x3FFD];
	_ =	sdelay $0x3  }
0x96: {  	_ =	strace s3  }
0x97: {  	_ =	strace $0x8FFFFFFF  }
0x98: {  	s19 =	sld [smem:$0x3FDB];
	_ =	sdelay $0x1  }
0x99: {  	s4 =	simm.s32 $_scs_section_size  }
0x9a: {  	s5 =	simm.s32 $_size__tile_overlayer_lowered;
	s6 =	simm.s32 $_tile_overlayer_lowered  }
0x9b: {  	s22 =	simm.s32 $0x1BFF;
	s21 =	sshll.u32 s6, $0x1;
	s3 =	sadd.s32 s4, s19  }
0x9c: {  	s7 =	simm.s32 $0x0;
	s20 =	sshll.u32 s5, $0x1;
	s5 =	sadd.s32 s21, s3  }
0x9d: {  	[timem:s7], [sflag:s22] =	dma.local [hbm:s5], s20  }
0x9e: {  	_ =	swait.ge [sflag:s22], s20  }
0x9f: {  	s4 =	ssub.s32 $0x0, s20;
	[sflag:s22] =	ssyncset.done $0x0  }
0xa0: {  	[sflag:s22] =	ssyncadd.s32 s4;
	_ =	sdelay $0x1  }
0xa1: {  	s23 =	simm.s32 $0x1B8B  }
0xa2: {  	_ =	swait.ge [sflag:s23], $0x1  }
0xa3: {  	[sflag:s23] =	ssyncset.done $0x0  }
0xa4: {  	s25 =	simm.s32 $0x1B8E;
	s24 =	sld [smem:$0x3FFE];
	[sflag:s23] =	ssyncadd.s32 $0xFFFFFFFF  }
0xa5: {  	s26 =	simm.s32 $execute0_lowered;
	[smem:$0x3FD2] =	sst s25  }
0xa6: {  	s5 =	sshll.u32 s26, $0x1;
	_ =	strace $0x80000049;
	[dreg:$0x1] =	wrdreg $0xFFFFFFFF  }
0xa7: {  	s28 =	simm.s32 $_size_execute0_lowered;
	s3 =	sadd.s32 s3, s5;
	[dreg:$0x0] =	wrdreg $0x0  }
0xa8: {  	s5 =	sshll.u32 s28, $0x1;
	[dreg:$0x2] =	wrdreg s3  }
0xa9: {  	[dreg:$0x3] =	wrdreg s5  }
0xaa: {  	[dreg:$0x4] =	wrdreg $0xC0  }
0xab: {  	_ =	task [dreg:s7], $0x5FFFF  }
0xac: {  	[dreg:$0x1] =	wrdreg $0xFFFFFFFF  }
0xad: {  	[dreg:$0x0] =	wrdreg $0x60  }
0xae: {  	[dreg:$0x2] =	wrdreg s24  }
0xaf: {  	[dreg:$0x3] =	wrdreg s2  }
0xb0: {  	[dreg:$0x4] =	wrdreg $0x48000  }
0xb1: {  	[dreg:$0x5] =	wrdreg $0x9  }
0xb2: {  	_ =	task.clear_ibuf [dreg:s7], $0x6FFFF;
	_ =	strace $0x90000049  }
0xb3: {  	s29 =	simm.s32 $0x9;
	_ =	strace $0x8000004B  }
0xb4: {  	_ =	swait.ge [sflag:s29], $0x1  }
0xb5: {  	[sflag:s29] =	ssyncadd.s32 $0xFFFFFFFF  }
0xb6: {  	_ =	strace $0x9000004B  }
0xb7: {  	_ =	sfence  }
0xb8: {  	s30 =	sld [smem:$0x0];
	_ =	sdelay $0x2  }
0xb9: {  	s31 =	sshll.u32 s1, $0xD;
	s1 =	sshrl.u32 s1, $0x2  }
0xba: {  	s3 =	sand.u32 $0x4000, s31;
	s1 =	sadd.s32 s1, s30  }
0xbb: {  	s0 =	sor.u32 s3, s0;
	s1 =	sshll.u32 s1, $0x11  }
0xbc: {  	s0 =	sor.u32 s1, s0  }
0xbd: {  	s0 =	sadd.s32 $0x8F2B, s0  }
0xbe: {  	[sflag:s0] =	ssyncadd.remote.s32 $0x1  }
0xbf: {  	_ =	sfence.sel $0xFFFF  }
0xc0: {  	[dreg:$0x0] =	wrdreg $0xFFFFFFFF;
	(pc) =	sbr.abs _section_cstart, $3  }
0xc1: {  	[dreg:$0x1] =	wrdreg $0xFFFFFFFF  }
0xc2: {  	_ =	task.clear_ibuf [dreg:s7], $0x2FFFF;
	_ =	strace $0x9FFFFFFF  }
0xc3: {  	(tm) =	ssettm $0x7FFFFFFF  }
tec
execute0_lowered:
.L_overlay_start_1:
0x0: {  	(tag) =	ssettag $0x1  }
0x1: {  	s0 =	rddreg [dreg:$0x0];
	s1 =	srdreg.scid  }
0x2: {  	s9 =	stileid.u32;
	s5 =	rddreg [dreg:$0x1]  }
0x3: {  	s2 =	rddreg [dreg:$0x2];
	s3 =	simm.s32 $0x0;
	s28 =	simm.s32 $0x180  }
0x4: {  	s29 =	simm.s32 $0x580;
	s30 =	simm.s32 $0x200;
	s4 =	smul.u32 $0x5000, s9  }
0x5: {  	s31 =	simm.s32 $0x600;
	s1 =	sand.u32 $0x1, s1;
	s7 =	smul.u32 $0x50000, s9  }
0x6: {  	[smem:$0x7FF] =	sst s3;
	s8 =	sadd.s32 $0xC600, s0;
	s10 =	smul.u32 $0x14000, s9  }
0x7: {  	s6 =	smul.u32 $0x2800, s1;
	_ =	strace $0x8000004A;
	s18 =	ssub.s32 $0x2, s1  }
0x8: {  	[dreg:$0x4] =	wrdreg s8;
	s1 =	smul.u32 $0x140000, s1;
	s19 =	sshrl.u32 s18, $0x1  }
0x9: {  	s7 =	sshrl.u32 s7, $0x2;
	s13 =	sadd.s32 $0x4000, s10;
	s14 =	sadd.s32 $0x8000, s10  }
0xa: {  	s15 =	sadd.s32 $0xC000, s10;
	s16 =	sadd.s32 $0x10000, s10;
	s4 =	sadd.s32 s6, s4  }
0xb: {  	s12 =	ssub.s32 s18, s19;
	s7 =	sadd.s32 s7, s2;
	s8 =	sadd.s32 s13, s2  }
0xc: {  	s20 =	sadd.s32 s14, s2;
	s18 =	sadd.s32 s15, s2;
	s17 =	sadd.s32 s10, s1  }
0xd: {  	s13 =	sadd.s32 s1, s13;
	s10 =	sadd.s32 s16, s2;
	s21 =	sadd.s32 s1, s14  }
0xe: {  	s22 =	sadd.s32 s1, s15;
	s1 =	sadd.s32 s1, s16;
	s19 =	simm.s32 $0x800  }
0xf: {  	s14 =	simm.s32 $0x0;
	s6 =	sshrl.u32 s4, $0x3;
	s4 =	sadd.s32 $0x5D600, s0  }
0x10: {  	s17 =	sshrl.u32 s17, $0x3;
	s13 =	sshrl.u32 s13, $0x3;
	s15 =	smov.u32 s20  }
0x11: {  	s16 =	smov.u32 s18;
	s24 =	sshrl.u32 s22, $0x3;
	s1 =	sshrl.u32 s1, $0x3  }
0x12: {  	s26 =	smax.u32 s12, $0x1;
	s20 =	simm.s32 $0x2;
	[dreg:$0x7] =	wrdreg s10  }
0x13: {  	s22 =	simm.s32 $0x80;
	s12 =	simm.s32 $0x380;
	[dreg:$0xd] =	wrdreg s26  }
0x14: {  	s11 =	sadd.s32 s6, s0;
	s0 =	sadd.s32 $0x85600, s0;
	[dreg:$0x5] =	wrdreg s15  }
0x15: {  	s18 =	sadd.s32 s6, s5;
	[dreg:$0x6] =	wrdreg s16;
	s17 =	sadd.s32 s0, s17  }
0x16: {  	s26 =	simm.s32 $0x500;
	s13 =	sadd.s32 s0, s13;
	[dreg:$0x8] =	wrdreg s17  }
0x17: {  	s5 =	simm.s32 $0x300;
	s25 =	sadd.s32 s0, s24;
	[dreg:$0x9] =	wrdreg s13  }
0x18: {  	s24 =	simm.s32 $0x480;
	s13 =	sshrl.u32 s21, $0x3;
	[dreg:$0xb] =	wrdreg s25  }
0x19: {  	s17 =	sadd.s32 $0x2600, s11;
	s21 =	simm.s32 $0x400;
	s25 =	simm.s32 $0x100  }
0x1a: {  	s11 =	simm.s32 $0x700;
	s23 =	sadd.s32 s0, s13;
	s0 =	sadd.s32 s0, s1  }
0x1b: {  	s1 =	simm.s32 $0x280;
	s13 =	simm.s32 $0x780;
	[dreg:$0xa] =	wrdreg s23  }
0x1c: {  	[dreg:$0xc] =	wrdreg s0;
	s23 =	simm.s32 $0x1;
	s0 =	simm.s32 $0x680  }
.LBB2_1:
0x1d: {  	s6 =	rddreg [dreg:$0x4]  }
0x1e: {  	[tilespmem:s19], [sflag:$0x2] =	stream.linear.gather [hbm4b:s6+s3], $0x4000, $0x38;
	[tilespmem:$0x18800] =	vst v63  }
0x1f: {  	_ =	swait.ge [sflag:s20], $0x4000  }
0x20: {  	[sflag:s20] =	ssyncset.done $0x0  }
0x21: {  	[sflag:s20] =	ssyncadd.s32 $0xFFFFC000  }
0x22: {  	[spmem:s7] =	stream.linear.scatter [tilespmem:s19], [sflag:$0x2], $0x4000, $0x38;
	[tilespmem:$0x18800] =	vst v63  }
0x23: {  	_ =	swait.ge [sflag:s20], $0x4000  }
0x24: {  	[sflag:s20] =	ssyncset.done $0x0  }
0x25: {  	[sflag:s20] =	ssyncadd.s32 $0xFFFFC000  }
0x26: {  	[spmem:s8] =	stream.linear.scatter [tilespmem:s19], [sflag:$0x2], $0x4000, $0x38;
	[tilespmem:$0x18800] =	vst v63  }
0x27: {  	_ =	swait.ge [sflag:s20], $0x4000  }
0x28: {  	[sflag:s20] =	ssyncset.done $0x0  }
0x29: {  	[sflag:s20] =	ssyncadd.s32 $0xFFFFC000  }
0x2a: {  	[spmem:s15] =	stream.linear.scatter [tilespmem:s19], [sflag:$0x2], $0x4000, $0x38;
	[tilespmem:$0x18800] =	vst v63  }
0x2b: {  	_ =	swait.ge [sflag:s20], $0x4000  }
0x2c: {  	[sflag:s20] =	ssyncset.done $0x0  }
0x2d: {  	[sflag:s20] =	ssyncadd.s32 $0xFFFFC000  }
0x2e: {  	[spmem:s16] =	stream.linear.scatter [tilespmem:s19], [sflag:$0x2], $0x4000, $0x38;
	[tilespmem:$0x18800] =	vst v63  }
0x2f: {  	_ =	swait.ge [sflag:s20], $0x4000  }
0x30: {  	[sflag:s20] =	ssyncset.done $0x0  }
0x31: {  	s9 =	smov.u32 s7;
	s7 =	smov.u32 s10;
	[sflag:s20] =	ssyncadd.s32 $0xFFFFC000  }
0x32: {  	[spmem:s7] =	stream.linear.scatter [tilespmem:s19], [sflag:$0x2], $0x4000, $0x38;
	[tilespmem:$0x18800] =	vst v63  }
0x33: {  	_ =	swait.ge [sflag:s20], $0x4000  }
0x34: {  	[sflag:s20] =	ssyncset.done $0x0  }
0x35: {  	[sflag:s20] =	ssyncadd.s32 $0xFFFFC000  }
0x36: {  	s15 =	sadd.s32 $0x0, s18;
	[bflag:$0x0] =	sbarrier.arrive $0xFFFF  }
0x37: {  	[tilespmem:s3], [sflag:$0x2] =	stream.linear.gather [hbm4b:s15+s3], $0x400, $0x38;
	[tilespmem:$0x18800] =	vst v63  }
0x38: {  	_ =	swait.ge [sflag:s20], $0x400  }
0x39: {  	[sflag:s20] =	ssyncset.done $0x0  }
0x3a: {  	s16 =	sadd.s32 $0x0, s17;
	[sflag:s20] =	ssyncadd.s32 $0xFFFFFC00  }
0x3b: {  	[tilespmem:s21], [sflag:$0x2] =	stream.linear.gather [hbm4b:s16+s3], $0x400, $0x38;
	[tilespmem:$0x18800] =	vst v63  }
0x3c: {  	_ =	swait.ge [sflag:s20], $0x400  }
0x3d: {  	[sflag:s20] =	ssyncset.done $0x0  }
0x3e: {  	[sflag:s20] =	ssyncadd.s32 $0xFFFFFC00  }
0x3f: {  	[tilespmem:s19], [sflag:$0x1] =	stream.indirect.gather [hbm4b:s4+s22], $0x80, s3, s22, $0xb8;
	[tilespmem:$0x18800] =	vst v63  }
0x40: {  	_ =	swait.ge [sflag:s23], $0x4000  }
0x41: {  	[sflag:s23] =	ssyncset.done $0x0  }
0x42: {  	[sflag:s23] =	ssyncadd.s32 $0xFFFFC000  }
0x43: {  	[spmem:s2] =	stream.indirect.scatter.add.f32 [tilespmem:s19], [sflag:$0x2], $0x80, s21, s22, $0xb8;
	[tilespmem:$0x18800] =	vst v63  }
0x44: {  	_ =	swait.ge [sflag:s20], $0x4000  }
0x45: {  	[sflag:s20] =	ssyncset.done $0x0  }
0x46: {  	[sflag:s20] =	ssyncadd.s32 $0xFFFFC000  }
0x47: {  	[tilespmem:s19], [sflag:$0x1] =	stream.indirect.gather [hbm4b:s4+s22], $0x80, s22, s22, $0xb8;
	[tilespmem:$0x18800] =	vst v63  }
0x48: {  	_ =	swait.ge [sflag:s23], $0x4000  }
0x49: {  	[sflag:s23] =	ssyncset.done $0x0  }
0x4a: {  	[sflag:s23] =	ssyncadd.s32 $0xFFFFC000  }
0x4b: {  	[spmem:s2] =	stream.indirect.scatter.add.f32 [tilespmem:s19], [sflag:$0x2], $0x80, s24, s22, $0xb8;
	[tilespmem:$0x18800] =	vst v63  }
0x4c: {  	_ =	swait.ge [sflag:s20], $0x4000  }
0x4d: {  	[sflag:s20] =	ssyncset.done $0x0  }
0x4e: {  	[sflag:s20] =	ssyncadd.s32 $0xFFFFC000  }
0x4f: {  	[tilespmem:s19], [sflag:$0x1] =	stream.indirect.gather [hbm4b:s4+s22], $0x80, s25, s22, $0xb8;
	[tilespmem:$0x18800] =	vst v63  }
0x50: {  	_ =	swait.ge [sflag:s23], $0x4000  }
0x51: {  	[sflag:s23] =	ssyncset.done $0x0  }
0x52: {  	[sflag:s23] =	ssyncadd.s32 $0xFFFFC000  }
0x53: {  	[spmem:s2] =	stream.indirect.scatter.add.f32 [tilespmem:s19], [sflag:$0x2], $0x80, s26, s22, $0xb8;
	[tilespmem:$0x18800] =	vst v63  }
0x54: {  	_ =	swait.ge [sflag:s20], $0x4000  }
0x55: {  	[sflag:s20] =	ssyncset.done $0x0  }
0x56: {  	[sflag:s20] =	ssyncadd.s32 $0xFFFFC000  }
0x57: {  	[tilespmem:s19], [sflag:$0x1] =	stream.indirect.gather [hbm4b:s4+s22], $0x80, s28, s22, $0xb8;
	[tilespmem:$0x18800] =	vst v63  }
0x58: {  	_ =	swait.ge [sflag:s23], $0x4000  }
0x59: {  	[sflag:s23] =	ssyncset.done $0x0  }
0x5a: {  	[sflag:s23] =	ssyncadd.s32 $0xFFFFC000  }
0x5b: {  	[spmem:s2] =	stream.indirect.scatter.add.f32 [tilespmem:s19], [sflag:$0x2], $0x80, s29, s22, $0xb8;
	[tilespmem:$0x18800] =	vst v63  }
0x5c: {  	_ =	swait.ge [sflag:s20], $0x4000  }
0x5d: {  	[sflag:s20] =	ssyncset.done $0x0  }
0x5e: {  	[sflag:s20] =	ssyncadd.s32 $0xFFFFC000  }
0x5f: {  	[tilespmem:s19], [sflag:$0x1] =	stream.indirect.gather [hbm4b:s4+s22], $0x80, s30, s22, $0xb8;
	[tilespmem:$0x18800] =	vst v63  }
0x60: {  	_ =	swait.ge [sflag:s23], $0x4000  }
0x61: {  	[sflag:s23] =	ssyncset.done $0x0  }
0x62: {  	[sflag:s23] =	ssyncadd.s32 $0xFFFFC000  }
0x63: {  	[spmem:s2] =	stream.indirect.scatter.add.f32 [tilespmem:s19], [sflag:$0x2], $0x80, s31, s22, $0xb8;
	[tilespmem:$0x18800] =	vst v63  }
0x64: {  	_ =	swait.ge [sflag:s20], $0x4000  }
0x65: {  	[sflag:s20] =	ssyncset.done $0x0  }
0x66: {  	[sflag:s20] =	ssyncadd.s32 $0xFFFFC000  }
0x67: {  	[tilespmem:s19], [sflag:$0x1] =	stream.indirect.gather [hbm4b:s4+s22], $0x80, s1, s22, $0xb8;
	[tilespmem:$0x18800] =	vst v63  }
0x68: {  	_ =	swait.ge [sflag:s23], $0x4000  }
0x69: {  	[sflag:s23] =	ssyncset.done $0x0  }
0x6a: {  	[sflag:s23] =	ssyncadd.s32 $0xFFFFC000  }
0x6b: {  	[spmem:s2] =	stream.indirect.scatter.add.f32 [tilespmem:s19], [sflag:$0x2], $0x80, s0, s22, $0xb8;
	[tilespmem:$0x18800] =	vst v63  }
0x6c: {  	_ =	swait.ge [sflag:s20], $0x4000  }
0x6d: {  	[sflag:s20] =	ssyncset.done $0x0  }
0x6e: {  	[sflag:s20] =	ssyncadd.s32 $0xFFFFC000  }
0x6f: {  	[tilespmem:s19], [sflag:$0x1] =	stream.indirect.gather [hbm4b:s4+s22], $0x80, s5, s22, $0xb8;
	[tilespmem:$0x18800] =	vst v63  }
0x70: {  	_ =	swait.ge [sflag:s23], $0x4000  }
0x71: {  	[sflag:s23] =	ssyncset.done $0x0  }
0x72: {  	[sflag:s23] =	ssyncadd.s32 $0xFFFFC000  }
0x73: {  	[spmem:s2] =	stream.indirect.scatter.add.f32 [tilespmem:s19], [sflag:$0x2], $0x80, s11, s22, $0xb8;
	[tilespmem:$0x18800] =	vst v63  }
0x74: {  	_ =	swait.ge [sflag:s20], $0x4000  }
0x75: {  	[sflag:s20] =	ssyncset.done $0x0  }
0x76: {  	[sflag:s20] =	ssyncadd.s32 $0xFFFFC000  }
0x77: {  	[tilespmem:s19], [sflag:$0x1] =	stream.indirect.gather [hbm4b:s4+s22], $0x80, s12, s22, $0xb8;
	[tilespmem:$0x18800] =	vst v63  }
0x78: {  	_ =	swait.ge [sflag:s23], $0x4000  }
0x79: {  	[sflag:s23] =	ssyncset.done $0x0  }
0x7a: {  	[sflag:s23] =	ssyncadd.s32 $0xFFFFC000  }
0x7b: {  	[spmem:s2] =	stream.indirect.scatter.add.f32 [tilespmem:s19], [sflag:$0x2], $0x80, s13, s22, $0xb8;
	[tilespmem:$0x18800] =	vst v63  }
0x7c: {  	s10 =	smov.u32 s8;
	_ =	swait.ge [sflag:s20], $0x4000  }
0x7d: {  	s15 =	simm.s32 $0x80;
	s16 =	simm.s32 $0x100;
	[sflag:s20] =	ssyncset.done $0x0  }
.LBB2_2:
0x7e: {  	s7 =	sadd.s32 s15, s18  }
0x7f: {  	[sflag:s20] =	ssyncadd.s32 $0xFFFFC000;
	s8 =	smov.u32 s16;
	s6 =	sadd.s32 $0x80, s16  }
0x80: {  	[tilespmem:s3], [sflag:$0x2] =	stream.linear.gather [hbm4b:s7+s3], $0x400, $0x38;
	[tilespmem:$0x18800] =	vst v63  }
0x81: {  	p0 =	sne.s32 s16, $0x480;
	_ =	swait.ge [sflag:s20], $0x400  }
0x82: {  	[sflag:s20] =	ssyncset.done $0x0  }
0x83: {  	s7 =	sadd.s32 s15, s17;
	s15 =	smov.u32 s8;
	[sflag:s20] =	ssyncadd.s32 $0xFFFFFC00  }
0x84: {  	[tilespmem:s21], [sflag:$0x2] =	stream.linear.gather [hbm4b:s7+s3], $0x400, $0x38;
	[tilespmem:$0x18800] =	vst v63  }
0x85: {  	_ =	swait.ge [sflag:s20], $0x400  }
0x86: {  	[sflag:s20] =	ssyncset.done $0x0  }
0x87: {  	[sflag:s20] =	ssyncadd.s32 $0xFFFFFC00  }
0x88: {  	[tilespmem:s19], [sflag:$0x1] =	stream.indirect.gather [hbm4b:s4+s22], $0x80, s3, s22, $0xb8;
	[tilespmem:$0x18800] =	vst v63  }
0x89: {  	_ =	swait.ge [sflag:s23], $0x4000  }
0x8a: {  	[sflag:s23] =	ssyncset.done $0x0  }
0x8b: {  	[sflag:s23] =	ssyncadd.s32 $0xFFFFC000  }
0x8c: {  	[spmem:s2] =	stream.indirect.scatter.add.f32 [tilespmem:s19], [sflag:$0x2], $0x80, s21, s22, $0xb8;
	[tilespmem:$0x18800] =	vst v63  }
0x8d: {  	_ =	swait.ge [sflag:s20], $0x4000  }
0x8e: {  	[sflag:s20] =	ssyncset.done $0x0  }
0x8f: {  	[sflag:s20] =	ssyncadd.s32 $0xFFFFC000  }
0x90: {  	[tilespmem:s19], [sflag:$0x1] =	stream.indirect.gather [hbm4b:s4+s22], $0x80, s22, s22, $0xb8;
	[tilespmem:$0x18800] =	vst v63  }
0x91: {  	_ =	swait.ge [sflag:s23], $0x4000  }
0x92: {  	[sflag:s23] =	ssyncset.done $0x0  }
0x93: {  	[sflag:s23] =	ssyncadd.s32 $0xFFFFC000  }
0x94: {  	[spmem:s2] =	stream.indirect.scatter.add.f32 [tilespmem:s19], [sflag:$0x2], $0x80, s24, s22, $0xb8;
	[tilespmem:$0x18800] =	vst v63  }
0x95: {  	_ =	swait.ge [sflag:s20], $0x4000  }
0x96: {  	[sflag:s20] =	ssyncset.done $0x0  }
0x97: {  	[sflag:s20] =	ssyncadd.s32 $0xFFFFC000  }
0x98: {  	[tilespmem:s19], [sflag:$0x1] =	stream.indirect.gather [hbm4b:s4+s22], $0x80, s25, s22, $0xb8;
	[tilespmem:$0x18800] =	vst v63  }
0x99: {  	_ =	swait.ge [sflag:s23], $0x4000  }
0x9a: {  	[sflag:s23] =	ssyncset.done $0x0  }
0x9b: {  	[sflag:s23] =	ssyncadd.s32 $0xFFFFC000  }
0x9c: {  	[spmem:s2] =	stream.indirect.scatter.add.f32 [tilespmem:s19], [sflag:$0x2], $0x80, s26, s22, $0xb8;
	[tilespmem:$0x18800] =	vst v63  }
0x9d: {  	_ =	swait.ge [sflag:s20], $0x4000  }
0x9e: {  	[sflag:s20] =	ssyncset.done $0x0  }
0x9f: {  	[sflag:s20] =	ssyncadd.s32 $0xFFFFC000  }
0xa0: {  	[tilespmem:s19], [sflag:$0x1] =	stream.indirect.gather [hbm4b:s4+s22], $0x80, s28, s22, $0xb8;
	[tilespmem:$0x18800] =	vst v63  }
0xa1: {  	_ =	swait.ge [sflag:s23], $0x4000  }
0xa2: {  	[sflag:s23] =	ssyncset.done $0x0  }
0xa3: {  	[sflag:s23] =	ssyncadd.s32 $0xFFFFC000  }
0xa4: {  	[spmem:s2] =	stream.indirect.scatter.add.f32 [tilespmem:s19], [sflag:$0x2], $0x80, s29, s22, $0xb8;
	[tilespmem:$0x18800] =	vst v63  }
0xa5: {  	_ =	swait.ge [sflag:s20], $0x4000  }
0xa6: {  	[sflag:s20] =	ssyncset.done $0x0  }
0xa7: {  	[sflag:s20] =	ssyncadd.s32 $0xFFFFC000  }
0xa8: {  	[tilespmem:s19], [sflag:$0x1] =	stream.indirect.gather [hbm4b:s4+s22], $0x80, s30, s22, $0xb8;
	[tilespmem:$0x18800] =	vst v63  }
0xa9: {  	_ =	swait.ge [sflag:s23], $0x4000  }
0xaa: {  	[sflag:s23] =	ssyncset.done $0x0  }
0xab: {  	[sflag:s23] =	ssyncadd.s32 $0xFFFFC000  }
0xac: {  	[spmem:s2] =	stream.indirect.scatter.add.f32 [tilespmem:s19], [sflag:$0x2], $0x80, s31, s22, $0xb8;
	[tilespmem:$0x18800] =	vst v63  }
0xad: {  	_ =	swait.ge [sflag:s20], $0x4000  }
0xae: {  	[sflag:s20] =	ssyncset.done $0x0  }
0xaf: {  	[sflag:s20] =	ssyncadd.s32 $0xFFFFC000  }
0xb0: {  	[tilespmem:s19], [sflag:$0x1] =	stream.indirect.gather [hbm4b:s4+s22], $0x80, s1, s22, $0xb8;
	[tilespmem:$0x18800] =	vst v63  }
0xb1: {  	_ =	swait.ge [sflag:s23], $0x4000  }
0xb2: {  	[sflag:s23] =	ssyncset.done $0x0  }
0xb3: {  	[sflag:s23] =	ssyncadd.s32 $0xFFFFC000  }
0xb4: {  	[spmem:s2] =	stream.indirect.scatter.add.f32 [tilespmem:s19], [sflag:$0x2], $0x80, s0, s22, $0xb8;
	[tilespmem:$0x18800] =	vst v63  }
0xb5: {  	_ =	swait.ge [sflag:s20], $0x4000  }
0xb6: {  	[sflag:s20] =	ssyncset.done $0x0  }
0xb7: {  	[sflag:s20] =	ssyncadd.s32 $0xFFFFC000  }
0xb8: {  	[tilespmem:s19], [sflag:$0x1] =	stream.indirect.gather [hbm4b:s4+s22], $0x80, s5, s22, $0xb8;
	[tilespmem:$0x18800] =	vst v63  }
0xb9: {  	_ =	swait.ge [sflag:s23], $0x4000  }
0xba: {  	[sflag:s23] =	ssyncset.done $0x0  }
0xbb: {  	[sflag:s23] =	ssyncadd.s32 $0xFFFFC000  }
0xbc: {  	[spmem:s2] =	stream.indirect.scatter.add.f32 [tilespmem:s19], [sflag:$0x2], $0x80, s11, s22, $0xb8;
	[tilespmem:$0x18800] =	vst v63  }
0xbd: {  	_ =	swait.ge [sflag:s20], $0x4000  }
0xbe: {  	[sflag:s20] =	ssyncset.done $0x0  }
0xbf: {  	[sflag:s20] =	ssyncadd.s32 $0xFFFFC000  }
0xc0: {  	[tilespmem:s19], [sflag:$0x1] =	stream.indirect.gather [hbm4b:s4+s22], $0x80, s12, s22, $0xb8;
	[tilespmem:$0x18800] =	vst v63  }
0xc1: {  	_ =	swait.ge [sflag:s23], $0x4000  }
.Ltmp0:
0xc2: {  	[sflag:s23] =	ssyncset.done $0x0;
	(pc) =	sbr.rel @p0 .LBB2_2-.Ltmp0, $4  }
0xc3: {  	[sflag:s23] =	ssyncadd.s32 $0xFFFFC000  }
0xc4: {  	[spmem:s2] =	stream.indirect.scatter.add.f32 [tilespmem:s19], [sflag:$0x2], $0x80, s13, s22, $0xb8;
	[tilespmem:$0x18800] =	vst v63  }
0xc5: {  	_ =	swait.ge [sflag:s20], $0x4000  }
0xc6: {  	s16 =	smov.u32 s6;
	[sflag:s20] =	ssyncset.done $0x0  }
0xc7: {  	s6 =	sadd.s32 s15, s18;
	[sflag:s20] =	ssyncadd.s32 $0xFFFFC000  }
0xc8: {  	[tilespmem:s3], [sflag:$0x2] =	stream.linear.gather [hbm4b:s6+s3], $0x400, $0x38;
	[tilespmem:$0x18800] =	vst v63  }
0xc9: {  	_ =	swait.ge [sflag:s20], $0x400  }
0xca: {  	[sflag:s20] =	ssyncset.done $0x0  }
0xcb: {  	s8 =	sadd.s32 s15, s17;
	[sflag:s20] =	ssyncadd.s32 $0xFFFFFC00  }
0xcc: {  	[tilespmem:s21], [sflag:$0x2] =	stream.linear.gather [hbm4b:s8+s3], $0x400, $0x38;
	[tilespmem:$0x18800] =	vst v63  }
0xcd: {  	_ =	swait.ge [sflag:s20], $0x400  }
0xce: {  	[sflag:s20] =	ssyncset.done $0x0  }
0xcf: {  	[sflag:s20] =	ssyncadd.s32 $0xFFFFFC00  }
0xd0: {  	[tilespmem:s19], [sflag:$0x1] =	stream.indirect.gather [hbm4b:s4+s22], $0x80, s3, s22, $0xb8;
	[tilespmem:$0x18800] =	vst v63  }
0xd1: {  	_ =	swait.ge [sflag:s23], $0x4000  }
0xd2: {  	[sflag:s23] =	ssyncset.done $0x0  }
0xd3: {  	[sflag:s23] =	ssyncadd.s32 $0xFFFFC000  }
0xd4: {  	[spmem:s2] =	stream.indirect.scatter.add.f32 [tilespmem:s19], [sflag:$0x2], $0x80, s21, s22, $0xb8;
	[tilespmem:$0x18800] =	vst v63  }
0xd5: {  	_ =	swait.ge [sflag:s20], $0x4000  }
0xd6: {  	[sflag:s20] =	ssyncset.done $0x0  }
0xd7: {  	[sflag:s20] =	ssyncadd.s32 $0xFFFFC000  }
0xd8: {  	[tilespmem:s19], [sflag:$0x1] =	stream.indirect.gather [hbm4b:s4+s22], $0x80, s22, s22, $0xb8;
	[tilespmem:$0x18800] =	vst v63  }
0xd9: {  	_ =	swait.ge [sflag:s23], $0x4000  }
0xda: {  	[sflag:s23] =	ssyncset.done $0x0  }
0xdb: {  	[sflag:s23] =	ssyncadd.s32 $0xFFFFC000  }
0xdc: {  	[spmem:s2] =	stream.indirect.scatter.add.f32 [tilespmem:s19], [sflag:$0x2], $0x80, s24, s22, $0xb8;
	[tilespmem:$0x18800] =	vst v63  }
0xdd: {  	_ =	swait.ge [sflag:s20], $0x4000  }
0xde: {  	[sflag:s20] =	ssyncset.done $0x0  }
0xdf: {  	[sflag:s20] =	ssyncadd.s32 $0xFFFFC000  }
0xe0: {  	[tilespmem:s19], [sflag:$0x1] =	stream.indirect.gather [hbm4b:s4+s22], $0x80, s25, s22, $0xb8;
	[tilespmem:$0x18800] =	vst v63  }
0xe1: {  	_ =	swait.ge [sflag:s23], $0x4000  }
0xe2: {  	[sflag:s23] =	ssyncset.done $0x0  }
0xe3: {  	[sflag:s23] =	ssyncadd.s32 $0xFFFFC000  }
0xe4: {  	[spmem:s2] =	stream.indirect.scatter.add.f32 [tilespmem:s19], [sflag:$0x2], $0x80, s26, s22, $0xb8;
	[tilespmem:$0x18800] =	vst v63  }
0xe5: {  	_ =	swait.ge [sflag:s20], $0x4000  }
0xe6: {  	[sflag:s20] =	ssyncset.done $0x0  }
0xe7: {  	[sflag:s20] =	ssyncadd.s32 $0xFFFFC000  }
0xe8: {  	[tilespmem:s19], [sflag:$0x1] =	stream.indirect.gather [hbm4b:s4+s22], $0x80, s28, s22, $0xb8;
	[tilespmem:$0x18800] =	vst v63  }
0xe9: {  	_ =	swait.ge [sflag:s23], $0x4000  }
0xea: {  	[sflag:s23] =	ssyncset.done $0x0  }
0xeb: {  	[sflag:s23] =	ssyncadd.s32 $0xFFFFC000  }
0xec: {  	[spmem:s2] =	stream.indirect.scatter.add.f32 [tilespmem:s19], [sflag:$0x2], $0x80, s29, s22, $0xb8;
	[tilespmem:$0x18800] =	vst v63  }
0xed: {  	_ =	swait.ge [sflag:s20], $0x4000  }
0xee: {  	[sflag:s20] =	ssyncset.done $0x0  }
0xef: {  	[sflag:s20] =	ssyncadd.s32 $0xFFFFC000  }
0xf0: {  	[tilespmem:s19], [sflag:$0x1] =	stream.indirect.gather [hbm4b:s4+s22], $0x80, s30, s22, $0xb8;
	[tilespmem:$0x18800] =	vst v63  }
0xf1: {  	_ =	swait.ge [sflag:s23], $0x4000  }
0xf2: {  	[sflag:s23] =	ssyncset.done $0x0  }
0xf3: {  	[sflag:s23] =	ssyncadd.s32 $0xFFFFC000  }
0xf4: {  	[spmem:s2] =	stream.indirect.scatter.add.f32 [tilespmem:s19], [sflag:$0x2], $0x80, s31, s22, $0xb8;
	[tilespmem:$0x18800] =	vst v63  }
0xf5: {  	_ =	swait.ge [sflag:s20], $0x4000  }
0xf6: {  	[sflag:s20] =	ssyncset.done $0x0  }
0xf7: {  	[sflag:s20] =	ssyncadd.s32 $0xFFFFC000  }
0xf8: {  	[tilespmem:s19], [sflag:$0x1] =	stream.indirect.gather [hbm4b:s4+s22], $0x80, s1, s22, $0xb8;
	[tilespmem:$0x18800] =	vst v63  }
0xf9: {  	_ =	swait.ge [sflag:s23], $0x4000  }
0xfa: {  	[sflag:s23] =	ssyncset.done $0x0  }
0xfb: {  	[sflag:s23] =	ssyncadd.s32 $0xFFFFC000  }
0xfc: {  	[spmem:s2] =	stream.indirect.scatter.add.f32 [tilespmem:s19], [sflag:$0x2], $0x80, s0, s22, $0xb8;
	[tilespmem:$0x18800] =	vst v63  }
0xfd: {  	_ =	swait.ge [sflag:s20], $0x4000  }
0xfe: {  	[sflag:s20] =	ssyncset.done $0x0  }
0xff: {  	[sflag:s20] =	ssyncadd.s32 $0xFFFFC000  }
0x100: {  	[tilespmem:s19], [sflag:$0x1] =	stream.indirect.gather [hbm4b:s4+s22], $0x80, s5, s22, $0xb8;
	[tilespmem:$0x18800] =	vst v63  }
0x101: {  	_ =	swait.ge [sflag:s23], $0x4000  }
0x102: {  	[sflag:s23] =	ssyncset.done $0x0  }
0x103: {  	[sflag:s23] =	ssyncadd.s32 $0xFFFFC000  }
0x104: {  	[spmem:s2] =	stream.indirect.scatter.add.f32 [tilespmem:s19], [sflag:$0x2], $0x80, s11, s22, $0xb8;
	[tilespmem:$0x18800] =	vst v63  }
0x105: {  	_ =	swait.ge [sflag:s20], $0x4000  }
0x106: {  	[sflag:s20] =	ssyncset.done $0x0  }
0x107: {  	[sflag:s20] =	ssyncadd.s32 $0xFFFFC000  }
0x108: {  	[tilespmem:s19], [sflag:$0x1] =	stream.indirect.gather [hbm4b:s4+s22], $0x80, s12, s22, $0xb8;
	[tilespmem:$0x18800] =	vst v63  }
0x109: {  	_ =	swait.ge [sflag:s23], $0x4000  }
0x10a: {  	[sflag:s23] =	ssyncset.done $0x0  }
0x10b: {  	[sflag:s23] =	ssyncadd.s32 $0xFFFFC000  }
0x10c: {  	[spmem:s2] =	stream.indirect.scatter.add.f32 [tilespmem:s19], [sflag:$0x2], $0x80, s13, s22, $0xb8;
	[tilespmem:$0x18800] =	vst v63  }
0x10d: {  	_ =	swait.ge [sflag:s20], $0x4000  }
0x10e: {  	[sflag:s20] =	ssyncset.done $0x0  }
0x10f: {  	[sflag:s20] =	ssyncadd.s32 $0xFFFFC000  }
0x110: {  	[bflag:$0x0] =	sbarrier.arrive $0xFFFF  }
0x111: {  	[tilespmem:s19], [sflag:$0x2] =	stream.linear.gather [spmem:s9], $0x4000, $0x38;
	[tilespmem:$0x18800] =	vst v63  }
0x112: {  	_ =	swait.ge [sflag:s20], $0x4000  }
0x113: {  	[sflag:s20] =	ssyncset.done $0x0  }
0x114: {  	s15 =	rddreg [dreg:$0x8];
	[sflag:s20] =	ssyncadd.s32 $0xFFFFC000  }
0x115: {  	[hbm4b:s15+s3] =	stream.linear.scatter [tilespmem:s19], [sflag:$0x2], $0x4000, $0x38;
	[tilespmem:$0x18800] =	vst v63  }
0x116: {  	_ =	swait.ge [sflag:s20], $0x4000  }
0x117: {  	[sflag:s20] =	ssyncset.done $0x0  }
0x118: {  	[sflag:s20] =	ssyncadd.s32 $0xFFFFC000  }
0x119: {  	[tilespmem:s19], [sflag:$0x2] =	stream.linear.gather [spmem:s10], $0x4000, $0x38;
	[tilespmem:$0x18800] =	vst v63  }
0x11a: {  	_ =	swait.ge [sflag:s20], $0x4000  }
0x11b: {  	[sflag:s20] =	ssyncset.done $0x0  }
0x11c: {  	s16 =	rddreg [dreg:$0x9];
	[sflag:s20] =	ssyncadd.s32 $0xFFFFC000  }
0x11d: {  	[hbm4b:s16+s3] =	stream.linear.scatter [tilespmem:s19], [sflag:$0x2], $0x4000, $0x38;
	[tilespmem:$0x18800] =	vst v63  }
0x11e: {  	_ =	swait.ge [sflag:s20], $0x4000  }
0x11f: {  	[sflag:s20] =	ssyncset.done $0x0  }
0x120: {  	s15 =	rddreg [dreg:$0x5];
	[sflag:s20] =	ssyncadd.s32 $0xFFFFC000  }
0x121: {  	[tilespmem:s19], [sflag:$0x2] =	stream.linear.gather [spmem:s15], $0x4000, $0x38;
	[tilespmem:$0x18800] =	vst v63  }
0x122: {  	_ =	swait.ge [sflag:s20], $0x4000  }
0x123: {  	[sflag:s20] =	ssyncset.done $0x0  }
0x124: {  	s7 =	smov.u32 s9;
	s9 =	rddreg [dreg:$0xa];
	[sflag:s20] =	ssyncadd.s32 $0xFFFFC000  }
0x125: {  	[hbm4b:s9+s3] =	stream.linear.scatter [tilespmem:s19], [sflag:$0x2], $0x4000, $0x38;
	[tilespmem:$0x18800] =	vst v63  }
0x126: {  	_ =	swait.ge [sflag:s20], $0x4000  }
0x127: {  	[sflag:s20] =	ssyncset.done $0x0  }
0x128: {  	s16 =	rddreg [dreg:$0x6];
	[sflag:s20] =	ssyncadd.s32 $0xFFFFC000  }
0x129: {  	[tilespmem:s19], [sflag:$0x2] =	stream.linear.gather [spmem:s16], $0x4000, $0x38;
	[tilespmem:$0x18800] =	vst v63  }
0x12a: {  	_ =	swait.ge [sflag:s20], $0x4000  }
0x12b: {  	[sflag:s20] =	ssyncset.done $0x0  }
0x12c: {  	s8 =	smov.u32 s10;
	s10 =	rddreg [dreg:$0xb];
	[sflag:s20] =	ssyncadd.s32 $0xFFFFC000  }
0x12d: {  	[hbm4b:s10+s3] =	stream.linear.scatter [tilespmem:s19], [sflag:$0x2], $0x4000, $0x38;
	[tilespmem:$0x18800] =	vst v63  }
0x12e: {  	_ =	swait.ge [sflag:s20], $0x4000  }
0x12f: {  	[sflag:s20] =	ssyncset.done $0x0  }
0x130: {  	s10 =	rddreg [dreg:$0x7];
	[sflag:s20] =	ssyncadd.s32 $0xFFFFC000  }
0x131: {  	[tilespmem:s19], [sflag:$0x2] =	stream.linear.gather [spmem:s10], $0x4000, $0x38;
	[tilespmem:$0x18800] =	vst v63  }
0x132: {  	_ =	swait.ge [sflag:s20], $0x4000  }
0x133: {  	[sflag:s20] =	ssyncset.done $0x0  }
0x134: {  	s9 =	rddreg [dreg:$0xc];
	[sflag:s20] =	ssyncadd.s32 $0xFFFFC000  }
0x135: {  	[hbm4b:s9+s3] =	stream.linear.scatter [tilespmem:s19], [sflag:$0x2], $0x4000, $0x38;
	[tilespmem:$0x18800] =	vst v63  }
0x136: {  	_ =	swait.ge [sflag:s20], $0x4000  }
0x137: {  	s14 =	sadd.s32 $0x1, s14;
	s9 =	rddreg [dreg:$0xd]  }
0x138: {  	p0 =	sne.s32 s14, s9  }
.Ltmp1:
0x139: {  	_ = 	snop;
	(pc) =	sbr.rel @p0 .LBB2_1-.Ltmp1, $3  }
0x13a: {  	_ =	sdelay $0x1  }
0x13b: {  	[sflag:s20] =	ssyncset.done $0x0  }
0x13c: {  	[sflag:s20] =	ssyncadd.s32 $0xFFFFC000  }
0x13d: {  	_ =	sfence.sel $0x180000  }
0x13e: {  	[bflag:$0x0] =	sbarrier.arrive $0xFFFF  }
0x13f: {  	_ =	strace $0x9000004A  }
0x140: {  	s0 =	stileid.u32;
	[bflag:$0x2] =	sbarrier.arrive $0xFFFF  }
0x141: {  	p0 =	sne.s32 s0, $0x0;
	s0 =	rddreg [dreg:$0x3]  }
0x142: {  	s0 =	sadd.s32 @!p0 $0x100000, s0  }
0x143: {  	[sflag:s0] =	ssyncadd.tile.s32 @!p0 $0x1;
	_ =	shalt  }
.Lfunc_end2:
_tile_overlayer_lowered:
.L_overlay_start_2:
0x144: {  	(tag) =	ssettag $0x2  }
0x145: {  	s0 =	rddreg [dreg:$0x0];
	s2 =	stileid.u32  }
0x146: {  	s1 =	rddreg [dreg:$0x1];
	p0 =	sne.s32 s2, $0x0  }
0x147: {  	s3 =	rddreg [dreg:$0x2];
	[bflag:$0x3] =	sbarrier.arrive $0xFFFF;
	s2 =	simm.s32 @!p0 $0x1C02  }
0x148: {  	[timem:s3], [sflag:s2] =	dma.local @!p0 [hbm:s0], s1  }
0x149: {  	s0 =	simm.s32 @!p0 $0x2  }
0x14a: {  	_ =	swait.ge @!p0 [sflag:s0], s1  }
0x14b: {  	s1 =	ssub.s32 @!p0 $0x0, s1;
	[sflag:s0] =	ssyncset.done @!p0 $0x0  }
0x14c: {  	[sflag:s0] =	ssyncadd.s32 @!p0 s1  }
0x14d: {  	[bflag:$0x3] =	sbarrier.arrive $0xFFFF  }
0x14e: {  	_ =	shalt  }

// kernel: kernel.13.cloned.1.call-start
scs
__scs_entry_jumppad:
0x0: {  	(pc) =	sbr.rel $0x88, $3  }
0x1: {  	(tag) =	ssettag $0x0;
	lr =	simm.s32 $0x1  }
0x2: {  	[smem:$0x3F99] =	sst lr;
	_ =	strace $0xD0000000  }
0x3: {  	_ = 	snop  }
0x4: {  	_ = 	snop  }
0x5: {  	_ = 	snop  }
0x6: {  	_ = 	snop  }
0x7: {  	_ = 	snop  }
__scs_overlays_trampoline_lowered:
0x8: {  	[smem:$0x3FA8] =	sst s0  }
0x9: {  	[smem:$0x3FA9] =	sst s1  }
0xa: {  	[smem:$0x3FAA] =	sst s2  }
0xb: {  	[smem:$0x3FAB] =	sst s3  }
0xc: {  	[smem:$0x3FAC] =	sst s4  }
0xd: {  	[smem:$0x3FAD] =	sst s5  }
0xe: {  	[smem:$0x3FAE] =	sst s6  }
0xf: {  	[smem:$0x3FAF] =	sst s7  }
0x10: {  	[smem:$0x3FB0] =	sst s8  }
0x11: {  	[smem:$0x3FB1] =	sst s9;
	s0 =	simm.s32 @!p0 $0x0  }
0x12: {  	s1 =	sld [smem:$0x3F97];
	s0 =	simm.s32 @p0 $0x1  }
0x13: {  	[smem:$0x3FB2] =	sst s0;
	s0 =	simm.s32 @!p1 $0x0  }
0x14: {  	s2 =	sld [smem:$0x3F96];
	s0 =	simm.s32 @p1 $0x1  }
0x15: {  	[smem:$0x3FB3] =	sst s0;
	s0 =	simm.s32 @!p2 $0x0  }
0x16: {  	s3 =	sld [smem:$0x3FDB];
	s0 =	simm.s32 @p2 $0x1  }
0x17: {  	s4 =	simm.s32 $0x1BF5;
	[smem:$0x3FB5] =	sst s0  }
0x18: {  	s0 =	sld [smem:$0x3F98];
	_ =	swait.ge [sflag:s4], $0x0  }
0x19: {  	s7 =	sld [smem:$0x3F99]  }
0x1a: {  	s8 =	sadd.s32 $0xFFFFE003, lr  }
0x1b: {  	s9 =	sadd.s32 $0xFFFFFEF7, lr;
	s5 =	simm.s32 $0xFFFFFFFF;
	p2 =	slt.u32 s8, $0xFFFFF086  }
0x1c: {  	p1 =	slt.u32 s9, $0xF7A;
	s5 =	simm.s32 @!p2 $0x0  }
0x1d: {  	s5 =	simm.s32 @p1 $0x1;
	p0 =	seq.s32 s7, s2  }
0x1e: {  	s7 =	smul.u32 @!p0 $0xF7A, s2;
	p2 =	seq.s32 @!p0 s5, $0x0  }
0x1f: {  	s9 =	smul.u32 $0xF7A, s1;
	s8 =	simm.s32 @!p0 $0x1BF5;
	p2 =	por !p2, p0  }
0x20: {  	[sflag:s8] =	ssyncset.s32 @!p0 $0xFFFFF086;
	s6 =	sadd.s32 @!p0 s3, s7;
	s7 =	simm.s32 @!p0 $0x108  }
0x21: {  	s3 =	sadd.s32 s3, s9;
	s6 =	sadd.s32 @!p0 $0x88, s6;
	s7 =	simm.s32 @p2 $0x1082  }
0x22: {  	[simem:s7], [sflag:s8] =	dma.local @!p0 [hbm:s6], $0xF7A  }
0x23: {  	s9 =	sor.u32 $0xD0000000, s2;
	s6 =	simm.s32 $0x108;
	_ =	swait.ge @!p0 [sflag:s8], $0x0  }
0x24: {  	s3 =	sadd.s32 $0x88, s3;
	s6 =	simm.s32 @!p1 $0x1082;
	[sflag:s4] =	ssyncset.s32 $0xFFFFF086  }
0x25: {  	[simem:s6], [sflag:s4] =	dma.local [hbm:s3], $0xF7A  }
0x26: {  	[smem:$0x3F99] =	sst s1;
	(tag) =	ssettag s2;
	_ =	strace s9  }
0x27: {  	s1 =	sld [smem:$0x3FA9]  }
0x28: {  	s2 =	sld [smem:$0x3FAA]  }
0x29: {  	s4 =	sld [smem:$0x3FAC]  }
0x2a: {  	p0 =	seq.s32 s5, $0x0;
	s5 =	sld [smem:$0x3FAD]  }
0x2b: {  	s6 =	sld [smem:$0x3FAE]  }
0x2c: {  	s7 =	sld [smem:$0x3FAF]  }
0x2d: {  	s3 =	simm.s32 $0x108;
	s8 =	sld [smem:$0x3FB0]  }
0x2e: {  	s3 =	simm.s32 @!p0 $0x1082;
	s9 =	sld [smem:$0x3FB1]  }
0x2f: {  	lr =	sadd.s32 s0, s3;
	s0 =	sld [smem:$0x3FA8]  }
0x30: {  	s3 =	sld [smem:$0x3FAB]  }
0x31: {  	[smem:$0x3FB4] =	sst s10  }
0x32: {  	s10 =	sld [smem:$0x3FB2];
	_ =	sdelay $0x3  }
0x33: {  	p0 =	seq.s32 s10, $0x1;
	s10 =	sld [smem:$0x3FB4];
	_ =	sdelay $0x3  }
0x34: {  	[smem:$0x3FB4] =	sst s10  }
0x35: {  	s10 =	sld [smem:$0x3FB3];
	_ =	sdelay $0x3  }
0x36: {  	p1 =	seq.s32 s10, $0x1;
	s10 =	sld [smem:$0x3FB4];
	_ =	sdelay $0x3  }
0x37: {  	[smem:$0x3FB4] =	sst s10  }
0x38: {  	s10 =	sld [smem:$0x3FB5]  }
0x39: {  	_ = 	snop;
	(pc) =	sbr.ind lr, $3  }
0x3a: {  	_ = 	snop  }
0x3b: {  	_ = 	snop  }
0x3c: {  	p2 =	seq.s32 s10, $0x1;
	s10 =	sld [smem:$0x3FB4]  }
0x3d: {  	_ =	shalt  }
0x3e: {  	_ =	shalt  }
0x3f: {  	_ =	shalt  }
0x40: {  	_ =	shalt  }
0x41: {  	_ =	shalt  }
0x42: {  	_ =	shalt  }
0x43: {  	_ =	shalt  }
0x44: {  	_ =	shalt  }
0x45: {  	_ =	shalt  }
0x46: {  	_ =	shalt  }
0x47: {  	_ =	shalt  }
0x48: {  	_ =	shalt  }
0x49: {  	_ =	shalt  }
0x4a: {  	_ =	shalt  }
0x4b: {  	_ =	shalt  }
0x4c: {  	_ =	shalt  }
0x4d: {  	_ =	shalt  }
0x4e: {  	_ =	shalt  }
0x4f: {  	_ =	shalt  }
0x50: {  	_ =	shalt  }
0x51: {  	_ =	shalt  }
0x52: {  	_ =	shalt  }
0x53: {  	_ =	shalt  }
0x54: {  	_ =	shalt  }
0x55: {  	_ =	shalt  }
0x56: {  	_ =	shalt  }
0x57: {  	_ =	shalt  }
0x58: {  	_ =	shalt  }
0x59: {  	_ =	shalt  }
0x5a: {  	_ =	shalt  }
0x5b: {  	_ =	shalt  }
0x5c: {  	_ =	shalt  }
0x5d: {  	_ =	shalt  }
0x5e: {  	_ =	shalt  }
0x5f: {  	_ =	shalt  }
0x60: {  	_ =	shalt  }
0x61: {  	_ =	shalt  }
0x62: {  	_ =	shalt  }
0x63: {  	_ =	shalt  }
0x64: {  	_ =	shalt  }
0x65: {  	_ =	shalt  }
0x66: {  	_ =	shalt  }
0x67: {  	_ =	shalt  }
0x68: {  	_ =	shalt  }
0x69: {  	_ =	shalt  }
0x6a: {  	_ =	shalt  }
0x6b: {  	_ =	shalt  }
0x6c: {  	_ =	shalt  }
0x6d: {  	_ =	shalt  }
0x6e: {  	_ =	shalt  }
0x6f: {  	_ =	shalt  }
0x70: {  	_ =	shalt  }
0x71: {  	_ =	shalt  }
0x72: {  	_ =	shalt  }
0x73: {  	_ =	shalt  }
0x74: {  	_ =	shalt  }
0x75: {  	_ =	shalt  }
0x76: {  	_ =	shalt  }
0x77: {  	_ =	shalt  }
0x78: {  	_ =	shalt  }
0x79: {  	_ =	shalt  }
0x7a: {  	_ =	shalt  }
0x7b: {  	_ =	shalt  }
0x7c: {  	_ =	shalt  }
0x7d: {  	_ =	shalt  }
0x7e: {  	_ =	shalt  }
0x7f: {  	_ =	shalt  }
0x80: {  	_ =	shalt  }
0x81: {  	_ =	shalt  }
0x82: {  	_ =	shalt  }
0x83: {  	_ =	shalt  }
0x84: {  	_ =	shalt  }
0x85: {  	_ =	shalt  }
0x86: {  	_ =	shalt  }
0x87: {  	_ =	shalt  }
.Lfunc_end0:
.L_simem_size_0:
called_computation.2_lowered:
.L_overlay_start_0:
0x88: {  	s2 =	sld [smem:$0x3FD9]  }
0x89: {  	s3 =	sld [smem:$0x3FFE];
	_ =	sdelay $0x1  }
0x8a: {  	s1 =	srdreg.scid  }
0x8b: {  	s0 =	sand.u32 $0x1, s1  }
0x8c: {  	s17 =	sshll.u32 s0, $0xA;
	s2 =	sadd.s32 s3, s2  }
0x8d: {  	s2 =	sadd.s32 s2, s17  }
0x8e: {  	[smem:$0x3FC0] =	sst s2  }
0x8f: {  	_ = 	snop  }
0x90: {  	s2 =	sld [smem:$0x3FD0];
	(tm) =	ssettm $0x1  }
0x91: {  	s18 =	sld [smem:$0x3FFB];
	_ =	sdelay $0x3  }
0x92: {  	_ =	strace s18  }
0x93: {  	s3 =	sld [smem:$0x3FFC];
	_ =	sdelay $0x3  }
0x94: {  	_ =	strace s3  }
0x95: {  	s3 =	sld [smem:$0x3FFD];
	_ =	sdelay $0x3  }
0x96: {  	_ =	strace s3  }
0x97: {  	_ =	strace $0x8FFFFFFF  }
0x98: {  	s19 =	sld [smem:$0x3FDB];
	_ =	sdelay $0x1  }
0x99: {  	s4 =	simm.s32 $_scs_section_size  }
0x9a: {  	s5 =	simm.s32 $_size__tile_overlayer_lowered;
	s6 =	simm.s32 $_tile_overlayer_lowered  }
0x9b: {  	s22 =	simm.s32 $0x1BFF;
	s21 =	sshll.u32 s6, $0x1;
	s3 =	sadd.s32 s4, s19  }
0x9c: {  	s7 =	simm.s32 $0x0;
	s20 =	sshll.u32 s5, $0x1;
	s5 =	sadd.s32 s21, s3  }
0x9d: {  	[timem:s7], [sflag:s22] =	dma.local [hbm:s5], s20  }
0x9e: {  	_ =	swait.ge [sflag:s22], s20  }
0x9f: {  	s4 =	ssub.s32 $0x0, s20;
	[sflag:s22] =	ssyncset.done $0x0  }
0xa0: {  	[sflag:s22] =	ssyncadd.s32 s4;
	_ =	sdelay $0x1  }
0xa1: {  	s23 =	simm.s32 $0x1B8B  }
0xa2: {  	_ =	swait.ge [sflag:s23], $0x1  }
0xa3: {  	[sflag:s23] =	ssyncset.done $0x0  }
0xa4: {  	s25 =	simm.s32 $0x1B8E;
	s24 =	sld [smem:$0x3FFE];
	[sflag:s23] =	ssyncadd.s32 $0xFFFFFFFF  }
0xa5: {  	s26 =	simm.s32 $execute0_lowered;
	[smem:$0x3FD2] =	sst s25  }
0xa6: {  	s5 =	sshll.u32 s26, $0x1;
	_ =	strace $0x8000004C;
	[dreg:$0x1] =	wrdreg $0xFFFFFFFF  }
0xa7: {  	s28 =	simm.s32 $_size_execute0_lowered;
	s3 =	sadd.s32 s3, s5;
	[dreg:$0x0] =	wrdreg $0x0  }
0xa8: {  	s5 =	sshll.u32 s28, $0x1;
	[dreg:$0x2] =	wrdreg s3  }
0xa9: {  	[dreg:$0x3] =	wrdreg s5  }
0xaa: {  	[dreg:$0x4] =	wrdreg $0xC0  }
0xab: {  	_ =	task [dreg:s7], $0x5FFFF  }
0xac: {  	[dreg:$0x1] =	wrdreg $0xFFFFFFFF  }
0xad: {  	[dreg:$0x0] =	wrdreg $0x60  }
0xae: {  	[dreg:$0x2] =	wrdreg s24  }
0xaf: {  	[dreg:$0x3] =	wrdreg s2  }
0xb0: {  	[dreg:$0x4] =	wrdreg $0x48000  }
0xb1: {  	[dreg:$0x5] =	wrdreg $0x9  }
0xb2: {  	_ =	task.clear_ibuf [dreg:s7], $0x6FFFF;
	_ =	strace $0x9000004C  }
0xb3: {  	s29 =	simm.s32 $0x9;
	_ =	strace $0x8000004E  }
0xb4: {  	_ =	swait.ge [sflag:s29], $0x1  }
0xb5: {  	[sflag:s29] =	ssyncadd.s32 $0xFFFFFFFF  }
0xb6: {  	_ =	strace $0x9000004E  }
0xb7: {  	_ =	sfence  }
0xb8: {  	s30 =	sld [smem:$0x0];
	_ =	sdelay $0x2  }
0xb9: {  	s31 =	sshll.u32 s1, $0xD;
	s1 =	sshrl.u32 s1, $0x2  }
0xba: {  	s3 =	sand.u32 $0x4000, s31;
	s1 =	sadd.s32 s1, s30  }
0xbb: {  	s0 =	sor.u32 s3, s0;
	s1 =	sshll.u32 s1, $0x11  }
0xbc: {  	s0 =	sor.u32 s1, s0  }
0xbd: {  	s0 =	sadd.s32 $0x8F2B, s0  }
0xbe: {  	[sflag:s0] =	ssyncadd.remote.s32 $0x1  }
0xbf: {  	_ =	sfence.sel $0xFFFF  }
0xc0: {  	[dreg:$0x0] =	wrdreg $0xFFFFFFFF;
	(pc) =	sbr.abs _section_cstart, $3  }
0xc1: {  	[dreg:$0x1] =	wrdreg $0xFFFFFFFF  }
0xc2: {  	_ =	task.clear_ibuf [dreg:s7], $0x2FFFF;
	_ =	strace $0x9FFFFFFF  }
0xc3: {  	(tm) =	ssettm $0x7FFFFFFF  }
tec
execute0_lowered:
.L_overlay_start_1:
0x0: {  	(tag) =	ssettag $0x1  }
0x1: {  	s0 =	rddreg [dreg:$0x0];
	s1 =	srdreg.scid  }
0x2: {  	s9 =	stileid.u32;
	s5 =	rddreg [dreg:$0x1]  }
0x3: {  	s2 =	rddreg [dreg:$0x2];
	s3 =	simm.s32 $0x0;
	s28 =	simm.s32 $0x180  }
0x4: {  	s29 =	simm.s32 $0x580;
	s30 =	simm.s32 $0x200;
	s4 =	smul.u32 $0x5000, s9  }
0x5: {  	s31 =	simm.s32 $0x600;
	s1 =	sand.u32 $0x1, s1;
	s7 =	smul.u32 $0x50000, s9  }
0x6: {  	[smem:$0x7FF] =	sst s3;
	s8 =	sadd.s32 $0xC600, s0;
	s10 =	smul.u32 $0x14000, s9  }
0x7: {  	s6 =	smul.u32 $0x2800, s1;
	_ =	strace $0x8000004D;
	s18 =	ssub.s32 $0x2, s1  }
0x8: {  	[dreg:$0x4] =	wrdreg s8;
	s1 =	smul.u32 $0x140000, s1;
	s19 =	sshrl.u32 s18, $0x1  }
0x9: {  	s7 =	sshrl.u32 s7, $0x2;
	s13 =	sadd.s32 $0x4000, s10;
	s14 =	sadd.s32 $0x8000, s10  }
0xa: {  	s15 =	sadd.s32 $0xC000, s10;
	s16 =	sadd.s32 $0x10000, s10;
	s4 =	sadd.s32 s6, s4  }
0xb: {  	s12 =	ssub.s32 s18, s19;
	s7 =	sadd.s32 s7, s2;
	s8 =	sadd.s32 s13, s2  }
0xc: {  	s20 =	sadd.s32 s14, s2;
	s18 =	sadd.s32 s15, s2;
	s17 =	sadd.s32 s10, s1  }
0xd: {  	s13 =	sadd.s32 s1, s13;
	s10 =	sadd.s32 s16, s2;
	s21 =	sadd.s32 s1, s14  }
0xe: {  	s22 =	sadd.s32 s1, s15;
	s1 =	sadd.s32 s1, s16;
	s19 =	simm.s32 $0x800  }
0xf: {  	s14 =	simm.s32 $0x0;
	s6 =	sshrl.u32 s4, $0x3;
	s4 =	sadd.s32 $0x5D600, s0  }
0x10: {  	s17 =	sshrl.u32 s17, $0x3;
	s13 =	sshrl.u32 s13, $0x3;
	s15 =	smov.u32 s20  }
0x11: {  	s16 =	smov.u32 s18;
	s24 =	sshrl.u32 s22, $0x3;
	s1 =	sshrl.u32 s1, $0x3  }
0x12: {  	s26 =	smax.u32 s12, $0x1;
	s20 =	simm.s32 $0x2;
	[dreg:$0x7] =	wrdreg s10  }
0x13: {  	s22 =	simm.s32 $0x80;
	s12 =	simm.s32 $0x380;
	[dreg:$0xd] =	wrdreg s26  }
0x14: {  	s11 =	sadd.s32 s6, s0;
	s0 =	sadd.s32 $0x85600, s0;
	[dreg:$0x5] =	wrdreg s15  }
0x15: {  	s18 =	sadd.s32 s6, s5;
	[dreg:$0x6] =	wrdreg s16;
	s17 =	sadd.s32 s0, s17  }
0x16: {  	s26 =	simm.s32 $0x500;
	s13 =	sadd.s32 s0, s13;
	[dreg:$0x8] =	wrdreg s17  }
0x17: {  	s5 =	simm.s32 $0x300;
	s25 =	sadd.s32 s0, s24;
	[dreg:$0x9] =	wrdreg s13  }
0x18: {  	s24 =	simm.s32 $0x480;
	s13 =	sshrl.u32 s21, $0x3;
	[dreg:$0xb] =	wrdreg s25  }
0x19: {  	s17 =	sadd.s32 $0x2600, s11;
	s21 =	simm.s32 $0x400;
	s25 =	simm.s32 $0x100  }
0x1a: {  	s11 =	simm.s32 $0x700;
	s23 =	sadd.s32 s0, s13;
	s0 =	sadd.s32 s0, s1  }
0x1b: {  	s1 =	simm.s32 $0x280;
	s13 =	simm.s32 $0x780;
	[dreg:$0xa] =	wrdreg s23  }
0x1c: {  	[dreg:$0xc] =	wrdreg s0;
	s23 =	simm.s32 $0x1;
	s0 =	simm.s32 $0x680  }
.LBB2_1:
0x1d: {  	s6 =	rddreg [dreg:$0x4]  }
0x1e: {  	[tilespmem:s19], [sflag:$0x2] =	stream.linear.gather [hbm4b:s6+s3], $0x4000, $0x38;
	[tilespmem:$0x18800] =	vst v63  }
0x1f: {  	_ =	swait.ge [sflag:s20], $0x4000  }
0x20: {  	[sflag:s20] =	ssyncset.done $0x0  }
0x21: {  	[sflag:s20] =	ssyncadd.s32 $0xFFFFC000  }
0x22: {  	[spmem:s7] =	stream.linear.scatter [tilespmem:s19], [sflag:$0x2], $0x4000, $0x38;
	[tilespmem:$0x18800] =	vst v63  }
0x23: {  	_ =	swait.ge [sflag:s20], $0x4000  }
0x24: {  	[sflag:s20] =	ssyncset.done $0x0  }
0x25: {  	[sflag:s20] =	ssyncadd.s32 $0xFFFFC000  }
0x26: {  	[spmem:s8] =	stream.linear.scatter [tilespmem:s19], [sflag:$0x2], $0x4000, $0x38;
	[tilespmem:$0x18800] =	vst v63  }
0x27: {  	_ =	swait.ge [sflag:s20], $0x4000  }
0x28: {  	[sflag:s20] =	ssyncset.done $0x0  }
0x29: {  	[sflag:s20] =	ssyncadd.s32 $0xFFFFC000  }
0x2a: {  	[spmem:s15] =	stream.linear.scatter [tilespmem:s19], [sflag:$0x2], $0x4000, $0x38;
	[tilespmem:$0x18800] =	vst v63  }
0x2b: {  	_ =	swait.ge [sflag:s20], $0x4000  }
0x2c: {  	[sflag:s20] =	ssyncset.done $0x0  }
0x2d: {  	[sflag:s20] =	ssyncadd.s32 $0xFFFFC000  }
0x2e: {  	[spmem:s16] =	stream.linear.scatter [tilespmem:s19], [sflag:$0x2], $0x4000, $0x38;
	[tilespmem:$0x18800] =	vst v63  }
0x2f: {  	_ =	swait.ge [sflag:s20], $0x4000  }
0x30: {  	[sflag:s20] =	ssyncset.done $0x0  }
0x31: {  	s9 =	smov.u32 s7;
	s7 =	smov.u32 s10;
	[sflag:s20] =	ssyncadd.s32 $0xFFFFC000  }
0x32: {  	[spmem:s7] =	stream.linear.scatter [tilespmem:s19], [sflag:$0x2], $0x4000, $0x38;
	[tilespmem:$0x18800] =	vst v63  }
0x33: {  	_ =	swait.ge [sflag:s20], $0x4000  }
0x34: {  	[sflag:s20] =	ssyncset.done $0x0  }
0x35: {  	[sflag:s20] =	ssyncadd.s32 $0xFFFFC000  }
0x36: {  	s15 =	sadd.s32 $0x0, s18;
	[bflag:$0x0] =	sbarrier.arrive $0xFFFF  }
0x37: {  	[tilespmem:s3], [sflag:$0x2] =	stream.linear.gather [hbm4b:s15+s3], $0x400, $0x38;
	[tilespmem:$0x18800] =	vst v63  }
0x38: {  	_ =	swait.ge [sflag:s20], $0x400  }
0x39: {  	[sflag:s20] =	ssyncset.done $0x0  }
0x3a: {  	s16 =	sadd.s32 $0x0, s17;
	[sflag:s20] =	ssyncadd.s32 $0xFFFFFC00  }
0x3b: {  	[tilespmem:s21], [sflag:$0x2] =	stream.linear.gather [hbm4b:s16+s3], $0x400, $0x38;
	[tilespmem:$0x18800] =	vst v63  }
0x3c: {  	_ =	swait.ge [sflag:s20], $0x400  }
0x3d: {  	[sflag:s20] =	ssyncset.done $0x0  }
0x3e: {  	[sflag:s20] =	ssyncadd.s32 $0xFFFFFC00  }
0x3f: {  	[tilespmem:s19], [sflag:$0x1] =	stream.indirect.gather [hbm4b:s4+s22], $0x80, s3, s22, $0xb8;
	[tilespmem:$0x18800] =	vst v63  }
0x40: {  	_ =	swait.ge [sflag:s23], $0x4000  }
0x41: {  	[sflag:s23] =	ssyncset.done $0x0  }
0x42: {  	[sflag:s23] =	ssyncadd.s32 $0xFFFFC000  }
0x43: {  	[spmem:s2] =	stream.indirect.scatter.add.f32 [tilespmem:s19], [sflag:$0x2], $0x80, s21, s22, $0xb8;
	[tilespmem:$0x18800] =	vst v63  }
0x44: {  	_ =	swait.ge [sflag:s20], $0x4000  }
0x45: {  	[sflag:s20] =	ssyncset.done $0x0  }
0x46: {  	[sflag:s20] =	ssyncadd.s32 $0xFFFFC000  }
0x47: {  	[tilespmem:s19], [sflag:$0x1] =	stream.indirect.gather [hbm4b:s4+s22], $0x80, s22, s22, $0xb8;
	[tilespmem:$0x18800] =	vst v63  }
0x48: {  	_ =	swait.ge [sflag:s23], $0x4000  }
0x49: {  	[sflag:s23] =	ssyncset.done $0x0  }
0x4a: {  	[sflag:s23] =	ssyncadd.s32 $0xFFFFC000  }
0x4b: {  	[spmem:s2] =	stream.indirect.scatter.add.f32 [tilespmem:s19], [sflag:$0x2], $0x80, s24, s22, $0xb8;
	[tilespmem:$0x18800] =	vst v63  }
0x4c: {  	_ =	swait.ge [sflag:s20], $0x4000  }
0x4d: {  	[sflag:s20] =	ssyncset.done $0x0  }
0x4e: {  	[sflag:s20] =	ssyncadd.s32 $0xFFFFC000  }
0x4f: {  	[tilespmem:s19], [sflag:$0x1] =	stream.indirect.gather [hbm4b:s4+s22], $0x80, s25, s22, $0xb8;
	[tilespmem:$0x18800] =	vst v63  }
0x50: {  	_ =	swait.ge [sflag:s23], $0x4000  }
0x51: {  	[sflag:s23] =	ssyncset.done $0x0  }
0x52: {  	[sflag:s23] =	ssyncadd.s32 $0xFFFFC000  }
0x53: {  	[spmem:s2] =	stream.indirect.scatter.add.f32 [tilespmem:s19], [sflag:$0x2], $0x80, s26, s22, $0xb8;
	[tilespmem:$0x18800] =	vst v63  }
0x54: {  	_ =	swait.ge [sflag:s20], $0x4000  }
0x55: {  	[sflag:s20] =	ssyncset.done $0x0  }
0x56: {  	[sflag:s20] =	ssyncadd.s32 $0xFFFFC000  }
0x57: {  	[tilespmem:s19], [sflag:$0x1] =	stream.indirect.gather [hbm4b:s4+s22], $0x80, s28, s22, $0xb8;
	[tilespmem:$0x18800] =	vst v63  }
0x58: {  	_ =	swait.ge [sflag:s23], $0x4000  }
0x59: {  	[sflag:s23] =	ssyncset.done $0x0  }
0x5a: {  	[sflag:s23] =	ssyncadd.s32 $0xFFFFC000  }
0x5b: {  	[spmem:s2] =	stream.indirect.scatter.add.f32 [tilespmem:s19], [sflag:$0x2], $0x80, s29, s22, $0xb8;
	[tilespmem:$0x18800] =	vst v63  }
0x5c: {  	_ =	swait.ge [sflag:s20], $0x4000  }
0x5d: {  	[sflag:s20] =	ssyncset.done $0x0  }
0x5e: {  	[sflag:s20] =	ssyncadd.s32 $0xFFFFC000  }
0x5f: {  	[tilespmem:s19], [sflag:$0x1] =	stream.indirect.gather [hbm4b:s4+s22], $0x80, s30, s22, $0xb8;
	[tilespmem:$0x18800] =	vst v63  }
0x60: {  	_ =	swait.ge [sflag:s23], $0x4000  }
0x61: {  	[sflag:s23] =	ssyncset.done $0x0  }
0x62: {  	[sflag:s23] =	ssyncadd.s32 $0xFFFFC000  }
0x63: {  	[spmem:s2] =	stream.indirect.scatter.add.f32 [tilespmem:s19], [sflag:$0x2], $0x80, s31, s22, $0xb8;
	[tilespmem:$0x18800] =	vst v63  }
0x64: {  	_ =	swait.ge [sflag:s20], $0x4000  }
0x65: {  	[sflag:s20] =	ssyncset.done $0x0  }
0x66: {  	[sflag:s20] =	ssyncadd.s32 $0xFFFFC000  }
0x67: {  	[tilespmem:s19], [sflag:$0x1] =	stream.indirect.gather [hbm4b:s4+s22], $0x80, s1, s22, $0xb8;
	[tilespmem:$0x18800] =	vst v63  }
0x68: {  	_ =	swait.ge [sflag:s23], $0x4000  }
0x69: {  	[sflag:s23] =	ssyncset.done $0x0  }
0x6a: {  	[sflag:s23] =	ssyncadd.s32 $0xFFFFC000  }
0x6b: {  	[spmem:s2] =	stream.indirect.scatter.add.f32 [tilespmem:s19], [sflag:$0x2], $0x80, s0, s22, $0xb8;
	[tilespmem:$0x18800] =	vst v63  }
0x6c: {  	_ =	swait.ge [sflag:s20], $0x4000  }
0x6d: {  	[sflag:s20] =	ssyncset.done $0x0  }
0x6e: {  	[sflag:s20] =	ssyncadd.s32 $0xFFFFC000  }
0x6f: {  	[tilespmem:s19], [sflag:$0x1] =	stream.indirect.gather [hbm4b:s4+s22], $0x80, s5, s22, $0xb8;
	[tilespmem:$0x18800] =	vst v63  }
0x70: {  	_ =	swait.ge [sflag:s23], $0x4000  }
0x71: {  	[sflag:s23] =	ssyncset.done $0x0  }
0x72: {  	[sflag:s23] =	ssyncadd.s32 $0xFFFFC000  }
0x73: {  	[spmem:s2] =	stream.indirect.scatter.add.f32 [tilespmem:s19], [sflag:$0x2], $0x80, s11, s22, $0xb8;
	[tilespmem:$0x18800] =	vst v63  }
0x74: {  	_ =	swait.ge [sflag:s20], $0x4000  }
0x75: {  	[sflag:s20] =	ssyncset.done $0x0  }
0x76: {  	[sflag:s20] =	ssyncadd.s32 $0xFFFFC000  }
0x77: {  	[tilespmem:s19], [sflag:$0x1] =	stream.indirect.gather [hbm4b:s4+s22], $0x80, s12, s22, $0xb8;
	[tilespmem:$0x18800] =	vst v63  }
0x78: {  	_ =	swait.ge [sflag:s23], $0x4000  }
0x79: {  	[sflag:s23] =	ssyncset.done $0x0  }
0x7a: {  	[sflag:s23] =	ssyncadd.s32 $0xFFFFC000  }
0x7b: {  	[spmem:s2] =	stream.indirect.scatter.add.f32 [tilespmem:s19], [sflag:$0x2], $0x80, s13, s22, $0xb8;
	[tilespmem:$0x18800] =	vst v63  }
0x7c: {  	s10 =	smov.u32 s8;
	_ =	swait.ge [sflag:s20], $0x4000  }
0x7d: {  	s15 =	simm.s32 $0x80;
	s16 =	simm.s32 $0x100;
	[sflag:s20] =	ssyncset.done $0x0  }
.LBB2_2:
0x7e: {  	s7 =	sadd.s32 s15, s18  }
0x7f: {  	[sflag:s20] =	ssyncadd.s32 $0xFFFFC000;
	s8 =	smov.u32 s16;
	s6 =	sadd.s32 $0x80, s16  }
0x80: {  	[tilespmem:s3], [sflag:$0x2] =	stream.linear.gather [hbm4b:s7+s3], $0x400, $0x38;
	[tilespmem:$0x18800] =	vst v63  }
0x81: {  	p0 =	sne.s32 s16, $0x480;
	_ =	swait.ge [sflag:s20], $0x400  }
0x82: {  	[sflag:s20] =	ssyncset.done $0x0  }
0x83: {  	s7 =	sadd.s32 s15, s17;
	s15 =	smov.u32 s8;
	[sflag:s20] =	ssyncadd.s32 $0xFFFFFC00  }
0x84: {  	[tilespmem:s21], [sflag:$0x2] =	stream.linear.gather [hbm4b:s7+s3], $0x400, $0x38;
	[tilespmem:$0x18800] =	vst v63  }
0x85: {  	_ =	swait.ge [sflag:s20], $0x400  }
0x86: {  	[sflag:s20] =	ssyncset.done $0x0  }
0x87: {  	[sflag:s20] =	ssyncadd.s32 $0xFFFFFC00  }
0x88: {  	[tilespmem:s19], [sflag:$0x1] =	stream.indirect.gather [hbm4b:s4+s22], $0x80, s3, s22, $0xb8;
	[tilespmem:$0x18800] =	vst v63  }
0x89: {  	_ =	swait.ge [sflag:s23], $0x4000  }
0x8a: {  	[sflag:s23] =	ssyncset.done $0x0  }
0x8b: {  	[sflag:s23] =	ssyncadd.s32 $0xFFFFC000  }
0x8c: {  	[spmem:s2] =	stream.indirect.scatter.add.f32 [tilespmem:s19], [sflag:$0x2], $0x80, s21, s22, $0xb8;
	[tilespmem:$0x18800] =	vst v63  }
0x8d: {  	_ =	swait.ge [sflag:s20], $0x4000  }
0x8e: {  	[sflag:s20] =	ssyncset.done $0x0  }
0x8f: {  	[sflag:s20] =	ssyncadd.s32 $0xFFFFC000  }
0x90: {  	[tilespmem:s19], [sflag:$0x1] =	stream.indirect.gather [hbm4b:s4+s22], $0x80, s22, s22, $0xb8;
	[tilespmem:$0x18800] =	vst v63  }
0x91: {  	_ =	swait.ge [sflag:s23], $0x4000  }
0x92: {  	[sflag:s23] =	ssyncset.done $0x0  }
0x93: {  	[sflag:s23] =	ssyncadd.s32 $0xFFFFC000  }
0x94: {  	[spmem:s2] =	stream.indirect.scatter.add.f32 [tilespmem:s19], [sflag:$0x2], $0x80, s24, s22, $0xb8;
	[tilespmem:$0x18800] =	vst v63  }
0x95: {  	_ =	swait.ge [sflag:s20], $0x4000  }
0x96: {  	[sflag:s20] =	ssyncset.done $0x0  }
0x97: {  	[sflag:s20] =	ssyncadd.s32 $0xFFFFC000  }
0x98: {  	[tilespmem:s19], [sflag:$0x1] =	stream.indirect.gather [hbm4b:s4+s22], $0x80, s25, s22, $0xb8;
	[tilespmem:$0x18800] =	vst v63  }
0x99: {  	_ =	swait.ge [sflag:s23], $0x4000  }
0x9a: {  	[sflag:s23] =	ssyncset.done $0x0  }
0x9b: {  	[sflag:s23] =	ssyncadd.s32 $0xFFFFC000  }
0x9c: {  	[spmem:s2] =	stream.indirect.scatter.add.f32 [tilespmem:s19], [sflag:$0x2], $0x80, s26, s22, $0xb8;
	[tilespmem:$0x18800] =	vst v63  }
0x9d: {  	_ =	swait.ge [sflag:s20], $0x4000  }
0x9e: {  	[sflag:s20] =	ssyncset.done $0x0  }
0x9f: {  	[sflag:s20] =	ssyncadd.s32 $0xFFFFC000  }
0xa0: {  	[tilespmem:s19], [sflag:$0x1] =	stream.indirect.gather [hbm4b:s4+s22], $0x80, s28, s22, $0xb8;
	[tilespmem:$0x18800] =	vst v63  }
0xa1: {  	_ =	swait.ge [sflag:s23], $0x4000  }
0xa2: {  	[sflag:s23] =	ssyncset.done $0x0  }
0xa3: {  	[sflag:s23] =	ssyncadd.s32 $0xFFFFC000  }
0xa4: {  	[spmem:s2] =	stream.indirect.scatter.add.f32 [tilespmem:s19], [sflag:$0x2], $0x80, s29, s22, $0xb8;
	[tilespmem:$0x18800] =	vst v63  }
0xa5: {  	_ =	swait.ge [sflag:s20], $0x4000  }
0xa6: {  	[sflag:s20] =	ssyncset.done $0x0  }
0xa7: {  	[sflag:s20] =	ssyncadd.s32 $0xFFFFC000  }
0xa8: {  	[tilespmem:s19], [sflag:$0x1] =	stream.indirect.gather [hbm4b:s4+s22], $0x80, s30, s22, $0xb8;
	[tilespmem:$0x18800] =	vst v63  }
0xa9: {  	_ =	swait.ge [sflag:s23], $0x4000  }
0xaa: {  	[sflag:s23] =	ssyncset.done $0x0  }
0xab: {  	[sflag:s23] =	ssyncadd.s32 $0xFFFFC000  }
0xac: {  	[spmem:s2] =	stream.indirect.scatter.add.f32 [tilespmem:s19], [sflag:$0x2], $0x80, s31, s22, $0xb8;
	[tilespmem:$0x18800] =	vst v63  }
0xad: {  	_ =	swait.ge [sflag:s20], $0x4000  }
0xae: {  	[sflag:s20] =	ssyncset.done $0x0  }
0xaf: {  	[sflag:s20] =	ssyncadd.s32 $0xFFFFC000  }
0xb0: {  	[tilespmem:s19], [sflag:$0x1] =	stream.indirect.gather [hbm4b:s4+s22], $0x80, s1, s22, $0xb8;
	[tilespmem:$0x18800] =	vst v63  }
0xb1: {  	_ =	swait.ge [sflag:s23], $0x4000  }
0xb2: {  	[sflag:s23] =	ssyncset.done $0x0  }
0xb3: {  	[sflag:s23] =	ssyncadd.s32 $0xFFFFC000  }
0xb4: {  	[spmem:s2] =	stream.indirect.scatter.add.f32 [tilespmem:s19], [sflag:$0x2], $0x80, s0, s22, $0xb8;
	[tilespmem:$0x18800] =	vst v63  }
0xb5: {  	_ =	swait.ge [sflag:s20], $0x4000  }
0xb6: {  	[sflag:s20] =	ssyncset.done $0x0  }
0xb7: {  	[sflag:s20] =	ssyncadd.s32 $0xFFFFC000  }
0xb8: {  	[tilespmem:s19], [sflag:$0x1] =	stream.indirect.gather [hbm4b:s4+s22], $0x80, s5, s22, $0xb8;
	[tilespmem:$0x18800] =	vst v63  }
0xb9: {  	_ =	swait.ge [sflag:s23], $0x4000  }
0xba: {  	[sflag:s23] =	ssyncset.done $0x0  }
0xbb: {  	[sflag:s23] =	ssyncadd.s32 $0xFFFFC000  }
0xbc: {  	[spmem:s2] =	stream.indirect.scatter.add.f32 [tilespmem:s19], [sflag:$0x2], $0x80, s11, s22, $0xb8;
	[tilespmem:$0x18800] =	vst v63  }
0xbd: {  	_ =	swait.ge [sflag:s20], $0x4000  }
0xbe: {  	[sflag:s20] =	ssyncset.done $0x0  }
0xbf: {  	[sflag:s20] =	ssyncadd.s32 $0xFFFFC000  }
0xc0: {  	[tilespmem:s19], [sflag:$0x1] =	stream.indirect.gather [hbm4b:s4+s22], $0x80, s12, s22, $0xb8;
	[tilespmem:$0x18800] =	vst v63  }
0xc1: {  	_ =	swait.ge [sflag:s23], $0x4000  }
.Ltmp0:
0xc2: {  	[sflag:s23] =	ssyncset.done $0x0;
	(pc) =	sbr.rel @p0 .LBB2_2-.Ltmp0, $4  }
0xc3: {  	[sflag:s23] =	ssyncadd.s32 $0xFFFFC000  }
0xc4: {  	[spmem:s2] =	stream.indirect.scatter.add.f32 [tilespmem:s19], [sflag:$0x2], $0x80, s13, s22, $0xb8;
	[tilespmem:$0x18800] =	vst v63  }
0xc5: {  	_ =	swait.ge [sflag:s20], $0x4000  }
0xc6: {  	s16 =	smov.u32 s6;
	[sflag:s20] =	ssyncset.done $0x0  }
0xc7: {  	s6 =	sadd.s32 s15, s18;
	[sflag:s20] =	ssyncadd.s32 $0xFFFFC000  }
0xc8: {  	[tilespmem:s3], [sflag:$0x2] =	stream.linear.gather [hbm4b:s6+s3], $0x400, $0x38;
	[tilespmem:$0x18800] =	vst v63  }
0xc9: {  	_ =	swait.ge [sflag:s20], $0x400  }
0xca: {  	[sflag:s20] =	ssyncset.done $0x0  }
0xcb: {  	s8 =	sadd.s32 s15, s17;
	[sflag:s20] =	ssyncadd.s32 $0xFFFFFC00  }
0xcc: {  	[tilespmem:s21], [sflag:$0x2] =	stream.linear.gather [hbm4b:s8+s3], $0x400, $0x38;
	[tilespmem:$0x18800] =	vst v63  }
0xcd: {  	_ =	swait.ge [sflag:s20], $0x400  }
0xce: {  	[sflag:s20] =	ssyncset.done $0x0  }
0xcf: {  	[sflag:s20] =	ssyncadd.s32 $0xFFFFFC00  }
0xd0: {  	[tilespmem:s19], [sflag:$0x1] =	stream.indirect.gather [hbm4b:s4+s22], $0x80, s3, s22, $0xb8;
	[tilespmem:$0x18800] =	vst v63  }
0xd1: {  	_ =	swait.ge [sflag:s23], $0x4000  }
0xd2: {  	[sflag:s23] =	ssyncset.done $0x0  }
0xd3: {  	[sflag:s23] =	ssyncadd.s32 $0xFFFFC000  }
0xd4: {  	[spmem:s2] =	stream.indirect.scatter.add.f32 [tilespmem:s19], [sflag:$0x2], $0x80, s21, s22, $0xb8;
	[tilespmem:$0x18800] =	vst v63  }
0xd5: {  	_ =	swait.ge [sflag:s20], $0x4000  }
0xd6: {  	[sflag:s20] =	ssyncset.done $0x0  }
0xd7: {  	[sflag:s20] =	ssyncadd.s32 $0xFFFFC000  }
0xd8: {  	[tilespmem:s19], [sflag:$0x1] =	stream.indirect.gather [hbm4b:s4+s22], $0x80, s22, s22, $0xb8;
	[tilespmem:$0x18800] =	vst v63  }
0xd9: {  	_ =	swait.ge [sflag:s23], $0x4000  }
0xda: {  	[sflag:s23] =	ssyncset.done $0x0  }
0xdb: {  	[sflag:s23] =	ssyncadd.s32 $0xFFFFC000  }
0xdc: {  	[spmem:s2] =	stream.indirect.scatter.add.f32 [tilespmem:s19], [sflag:$0x2], $0x80, s24, s22, $0xb8;
	[tilespmem:$0x18800] =	vst v63  }
0xdd: {  	_ =	swait.ge [sflag:s20], $0x4000  }
0xde: {  	[sflag:s20] =	ssyncset.done $0x0  }
0xdf: {  	[sflag:s20] =	ssyncadd.s32 $0xFFFFC000  }
0xe0: {  	[tilespmem:s19], [sflag:$0x1] =	stream.indirect.gather [hbm4b:s4+s22], $0x80, s25, s22, $0xb8;
	[tilespmem:$0x18800] =	vst v63  }
0xe1: {  	_ =	swait.ge [sflag:s23], $0x4000  }
0xe2: {  	[sflag:s23] =	ssyncset.done $0x0  }
0xe3: {  	[sflag:s23] =	ssyncadd.s32 $0xFFFFC000  }
0xe4: {  	[spmem:s2] =	stream.indirect.scatter.add.f32 [tilespmem:s19], [sflag:$0x2], $0x80, s26, s22, $0xb8;
	[tilespmem:$0x18800] =	vst v63  }
0xe5: {  	_ =	swait.ge [sflag:s20], $0x4000  }
0xe6: {  	[sflag:s20] =	ssyncset.done $0x0  }
0xe7: {  	[sflag:s20] =	ssyncadd.s32 $0xFFFFC000  }
0xe8: {  	[tilespmem:s19], [sflag:$0x1] =	stream.indirect.gather [hbm4b:s4+s22], $0x80, s28, s22, $0xb8;
	[tilespmem:$0x18800] =	vst v63  }
0xe9: {  	_ =	swait.ge [sflag:s23], $0x4000  }
0xea: {  	[sflag:s23] =	ssyncset.done $0x0  }
0xeb: {  	[sflag:s23] =	ssyncadd.s32 $0xFFFFC000  }
0xec: {  	[spmem:s2] =	stream.indirect.scatter.add.f32 [tilespmem:s19], [sflag:$0x2], $0x80, s29, s22, $0xb8;
	[tilespmem:$0x18800] =	vst v63  }
0xed: {  	_ =	swait.ge [sflag:s20], $0x4000  }
0xee: {  	[sflag:s20] =	ssyncset.done $0x0  }
0xef: {  	[sflag:s20] =	ssyncadd.s32 $0xFFFFC000  }
0xf0: {  	[tilespmem:s19], [sflag:$0x1] =	stream.indirect.gather [hbm4b:s4+s22], $0x80, s30, s22, $0xb8;
	[tilespmem:$0x18800] =	vst v63  }
0xf1: {  	_ =	swait.ge [sflag:s23], $0x4000  }
0xf2: {  	[sflag:s23] =	ssyncset.done $0x0  }
0xf3: {  	[sflag:s23] =	ssyncadd.s32 $0xFFFFC000  }
0xf4: {  	[spmem:s2] =	stream.indirect.scatter.add.f32 [tilespmem:s19], [sflag:$0x2], $0x80, s31, s22, $0xb8;
	[tilespmem:$0x18800] =	vst v63  }
0xf5: {  	_ =	swait.ge [sflag:s20], $0x4000  }
0xf6: {  	[sflag:s20] =	ssyncset.done $0x0  }
0xf7: {  	[sflag:s20] =	ssyncadd.s32 $0xFFFFC000  }
0xf8: {  	[tilespmem:s19], [sflag:$0x1] =	stream.indirect.gather [hbm4b:s4+s22], $0x80, s1, s22, $0xb8;
	[tilespmem:$0x18800] =	vst v63  }
0xf9: {  	_ =	swait.ge [sflag:s23], $0x4000  }
0xfa: {  	[sflag:s23] =	ssyncset.done $0x0  }
0xfb: {  	[sflag:s23] =	ssyncadd.s32 $0xFFFFC000  }
0xfc: {  	[spmem:s2] =	stream.indirect.scatter.add.f32 [tilespmem:s19], [sflag:$0x2], $0x80, s0, s22, $0xb8;
	[tilespmem:$0x18800] =	vst v63  }
0xfd: {  	_ =	swait.ge [sflag:s20], $0x4000  }
0xfe: {  	[sflag:s20] =	ssyncset.done $0x0  }
0xff: {  	[sflag:s20] =	ssyncadd.s32 $0xFFFFC000  }
0x100: {  	[tilespmem:s19], [sflag:$0x1] =	stream.indirect.gather [hbm4b:s4+s22], $0x80, s5, s22, $0xb8;
	[tilespmem:$0x18800] =	vst v63  }
0x101: {  	_ =	swait.ge [sflag:s23], $0x4000  }
0x102: {  	[sflag:s23] =	ssyncset.done $0x0  }
0x103: {  	[sflag:s23] =	ssyncadd.s32 $0xFFFFC000  }
0x104: {  	[spmem:s2] =	stream.indirect.scatter.add.f32 [tilespmem:s19], [sflag:$0x2], $0x80, s11, s22, $0xb8;
	[tilespmem:$0x18800] =	vst v63  }
0x105: {  	_ =	swait.ge [sflag:s20], $0x4000  }
0x106: {  	[sflag:s20] =	ssyncset.done $0x0  }
0x107: {  	[sflag:s20] =	ssyncadd.s32 $0xFFFFC000  }
0x108: {  	[tilespmem:s19], [sflag:$0x1] =	stream.indirect.gather [hbm4b:s4+s22], $0x80, s12, s22, $0xb8;
	[tilespmem:$0x18800] =	vst v63  }
0x109: {  	_ =	swait.ge [sflag:s23], $0x4000  }
0x10a: {  	[sflag:s23] =	ssyncset.done $0x0  }
0x10b: {  	[sflag:s23] =	ssyncadd.s32 $0xFFFFC000  }
0x10c: {  	[spmem:s2] =	stream.indirect.scatter.add.f32 [tilespmem:s19], [sflag:$0x2], $0x80, s13, s22, $0xb8;
	[tilespmem:$0x18800] =	vst v63  }
0x10d: {  	_ =	swait.ge [sflag:s20], $0x4000  }
0x10e: {  	[sflag:s20] =	ssyncset.done $0x0  }
0x10f: {  	[sflag:s20] =	ssyncadd.s32 $0xFFFFC000  }
0x110: {  	[bflag:$0x0] =	sbarrier.arrive $0xFFFF  }
0x111: {  	[tilespmem:s19], [sflag:$0x2] =	stream.linear.gather [spmem:s9], $0x4000, $0x38;
	[tilespmem:$0x18800] =	vst v63  }
0x112: {  	_ =	swait.ge [sflag:s20], $0x4000  }
0x113: {  	[sflag:s20] =	ssyncset.done $0x0  }
0x114: {  	s15 =	rddreg [dreg:$0x8];
	[sflag:s20] =	ssyncadd.s32 $0xFFFFC000  }
0x115: {  	[hbm4b:s15+s3] =	stream.linear.scatter [tilespmem:s19], [sflag:$0x2], $0x4000, $0x38;
	[tilespmem:$0x18800] =	vst v63  }
0x116: {  	_ =	swait.ge [sflag:s20], $0x4000  }
0x117: {  	[sflag:s20] =	ssyncset.done $0x0  }
0x118: {  	[sflag:s20] =	ssyncadd.s32 $0xFFFFC000  }
0x119: {  	[tilespmem:s19], [sflag:$0x2] =	stream.linear.gather [spmem:s10], $0x4000, $0x38;
	[tilespmem:$0x18800] =	vst v63  }
0x11a: {  	_ =	swait.ge [sflag:s20], $0x4000  }
0x11b: {  	[sflag:s20] =	ssyncset.done $0x0  }
0x11c: {  	s16 =	rddreg [dreg:$0x9];
	[sflag:s20] =	ssyncadd.s32 $0xFFFFC000  }
0x11d: {  	[hbm4b:s16+s3] =	stream.linear.scatter [tilespmem:s19], [sflag:$0x2], $0x4000, $0x38;
	[tilespmem:$0x18800] =	vst v63  }
0x11e: {  	_ =	swait.ge [sflag:s20], $0x4000  }
0x11f: {  	[sflag:s20] =	ssyncset.done $0x0  }
0x120: {  	s15 =	rddreg [dreg:$0x5];
	[sflag:s20] =	ssyncadd.s32 $0xFFFFC000  }
0x121: {  	[tilespmem:s19], [sflag:$0x2] =	stream.linear.gather [spmem:s15], $0x4000, $0x38;
	[tilespmem:$0x18800] =	vst v63  }
0x122: {  	_ =	swait.ge [sflag:s20], $0x4000  }
0x123: {  	[sflag:s20] =	ssyncset.done $0x0  }
0x124: {  	s7 =	smov.u32 s9;
	s9 =	rddreg [dreg:$0xa];
	[sflag:s20] =	ssyncadd.s32 $0xFFFFC000  }
0x125: {  	[hbm4b:s9+s3] =	stream.linear.scatter [tilespmem:s19], [sflag:$0x2], $0x4000, $0x38;
	[tilespmem:$0x18800] =	vst v63  }
0x126: {  	_ =	swait.ge [sflag:s20], $0x4000  }
0x127: {  	[sflag:s20] =	ssyncset.done $0x0  }
0x128: {  	s16 =	rddreg [dreg:$0x6];
	[sflag:s20] =	ssyncadd.s32 $0xFFFFC000  }
0x129: {  	[tilespmem:s19], [sflag:$0x2] =	stream.linear.gather [spmem:s16], $0x4000, $0x38;
	[tilespmem:$0x18800] =	vst v63  }
0x12a: {  	_ =	swait.ge [sflag:s20], $0x4000  }
0x12b: {  	[sflag:s20] =	ssyncset.done $0x0  }
0x12c: {  	s8 =	smov.u32 s10;
	s10 =	rddreg [dreg:$0xb];
	[sflag:s20] =	ssyncadd.s32 $0xFFFFC000  }
0x12d: {  	[hbm4b:s10+s3] =	stream.linear.scatter [tilespmem:s19], [sflag:$0x2], $0x4000, $0x38;
	[tilespmem:$0x18800] =	vst v63  }
0x12e: {  	_ =	swait.ge [sflag:s20], $0x4000  }
0x12f: {  	[sflag:s20] =	ssyncset.done $0x0  }
0x130: {  	s10 =	rddreg [dreg:$0x7];
	[sflag:s20] =	ssyncadd.s32 $0xFFFFC000  }
0x131: {  	[tilespmem:s19], [sflag:$0x2] =	stream.linear.gather [spmem:s10], $0x4000, $0x38;
	[tilespmem:$0x18800] =	vst v63  }
0x132: {  	_ =	swait.ge [sflag:s20], $0x4000  }
0x133: {  	[sflag:s20] =	ssyncset.done $0x0  }
0x134: {  	s9 =	rddreg [dreg:$0xc];
	[sflag:s20] =	ssyncadd.s32 $0xFFFFC000  }
0x135: {  	[hbm4b:s9+s3] =	stream.linear.scatter [tilespmem:s19], [sflag:$0x2], $0x4000, $0x38;
	[tilespmem:$0x18800] =	vst v63  }
0x136: {  	_ =	swait.ge [sflag:s20], $0x4000  }
0x137: {  	s14 =	sadd.s32 $0x1, s14;
	s9 =	rddreg [dreg:$0xd]  }
0x138: {  	p0 =	sne.s32 s14, s9  }
.Ltmp1:
0x139: {  	_ = 	snop;
	(pc) =	sbr.rel @p0 .LBB2_1-.Ltmp1, $3  }
0x13a: {  	_ =	sdelay $0x1  }
0x13b: {  	[sflag:s20] =	ssyncset.done $0x0  }
0x13c: {  	[sflag:s20] =	ssyncadd.s32 $0xFFFFC000  }
0x13d: {  	_ =	sfence.sel $0x180000  }
0x13e: {  	[bflag:$0x0] =	sbarrier.arrive $0xFFFF  }
0x13f: {  	_ =	strace $0x9000004D  }
0x140: {  	s0 =	stileid.u32;
	[bflag:$0x2] =	sbarrier.arrive $0xFFFF  }
0x141: {  	p0 =	sne.s32 s0, $0x0;
	s0 =	rddreg [dreg:$0x3]  }
0x142: {  	s0 =	sadd.s32 @!p0 $0x100000, s0  }
0x143: {  	[sflag:s0] =	ssyncadd.tile.s32 @!p0 $0x1;
	_ =	shalt  }
.Lfunc_end2:
_tile_overlayer_lowered:
.L_overlay_start_2:
0x144: {  	(tag) =	ssettag $0x2  }
0x145: {  	s0 =	rddreg [dreg:$0x0];
	s2 =	stileid.u32  }
0x146: {  	s1 =	rddreg [dreg:$0x1];
	p0 =	sne.s32 s2, $0x0  }
0x147: {  	s3 =	rddreg [dreg:$0x2];
	[bflag:$0x3] =	sbarrier.arrive $0xFFFF;
	s2 =	simm.s32 @!p0 $0x1C02  }
0x148: {  	[timem:s3], [sflag:s2] =	dma.local @!p0 [hbm:s0], s1  }
0x149: {  	s0 =	simm.s32 @!p0 $0x2  }
0x14a: {  	_ =	swait.ge @!p0 [sflag:s0], s1  }
0x14b: {  	s1 =	ssub.s32 @!p0 $0x0, s1;
	[sflag:s0] =	ssyncset.done @!p0 $0x0  }
0x14c: {  	[sflag:s0] =	ssyncadd.s32 @!p0 s1  }
0x14d: {  	[bflag:$0x3] =	sbarrier.arrive $0xFFFF  }
0x14e: {  	_ =	shalt  }

// kernel: kernel.7.cloned.1.call-start
scs
__scs_entry_jumppad:
0x0: {  	(pc) =	sbr.rel $0x88, $3  }
0x1: {  	(tag) =	ssettag $0x0;
	lr =	simm.s32 $0x1  }
0x2: {  	[smem:$0x3F99] =	sst lr;
	_ =	strace $0xD0000000  }
0x3: {  	_ = 	snop  }
0x4: {  	_ = 	snop  }
0x5: {  	_ = 	snop  }
0x6: {  	_ = 	snop  }
0x7: {  	_ = 	snop  }
__scs_overlays_trampoline_lowered:
0x8: {  	[smem:$0x3FA8] =	sst s0  }
0x9: {  	[smem:$0x3FA9] =	sst s1  }
0xa: {  	[smem:$0x3FAA] =	sst s2  }
0xb: {  	[smem:$0x3FAB] =	sst s3  }
0xc: {  	[smem:$0x3FAC] =	sst s4  }
0xd: {  	[smem:$0x3FAD] =	sst s5  }
0xe: {  	[smem:$0x3FAE] =	sst s6  }
0xf: {  	[smem:$0x3FAF] =	sst s7  }
0x10: {  	[smem:$0x3FB0] =	sst s8  }
0x11: {  	[smem:$0x3FB1] =	sst s9;
	s0 =	simm.s32 @!p0 $0x0  }
0x12: {  	s1 =	sld [smem:$0x3F97];
	s0 =	simm.s32 @p0 $0x1  }
0x13: {  	[smem:$0x3FB2] =	sst s0;
	s0 =	simm.s32 @!p1 $0x0  }
0x14: {  	s2 =	sld [smem:$0x3F96];
	s0 =	simm.s32 @p1 $0x1  }
0x15: {  	[smem:$0x3FB3] =	sst s0;
	s0 =	simm.s32 @!p2 $0x0  }
0x16: {  	s3 =	sld [smem:$0x3FDB];
	s0 =	simm.s32 @p2 $0x1  }
0x17: {  	s4 =	simm.s32 $0x1BF5;
	[smem:$0x3FB5] =	sst s0  }
0x18: {  	s0 =	sld [smem:$0x3F98];
	_ =	swait.ge [sflag:s4], $0x0  }
0x19: {  	s7 =	sld [smem:$0x3F99]  }
0x1a: {  	s8 =	sadd.s32 $0xFFFFE003, lr  }
0x1b: {  	s9 =	sadd.s32 $0xFFFFFEF7, lr;
	s5 =	simm.s32 $0xFFFFFFFF;
	p2 =	slt.u32 s8, $0xFFFFF086  }
0x1c: {  	p1 =	slt.u32 s9, $0xF7A;
	s5 =	simm.s32 @!p2 $0x0  }
0x1d: {  	s5 =	simm.s32 @p1 $0x1;
	p0 =	seq.s32 s7, s2  }
0x1e: {  	s7 =	smul.u32 @!p0 $0xF7A, s2;
	p2 =	seq.s32 @!p0 s5, $0x0  }
0x1f: {  	s9 =	smul.u32 $0xF7A, s1;
	s8 =	simm.s32 @!p0 $0x1BF5;
	p2 =	por !p2, p0  }
0x20: {  	[sflag:s8] =	ssyncset.s32 @!p0 $0xFFFFF086;
	s6 =	sadd.s32 @!p0 s3, s7;
	s7 =	simm.s32 @!p0 $0x108  }
0x21: {  	s3 =	sadd.s32 s3, s9;
	s6 =	sadd.s32 @!p0 $0x88, s6;
	s7 =	simm.s32 @p2 $0x1082  }
0x22: {  	[simem:s7], [sflag:s8] =	dma.local @!p0 [hbm:s6], $0xF7A  }
0x23: {  	s9 =	sor.u32 $0xD0000000, s2;
	s6 =	simm.s32 $0x108;
	_ =	swait.ge @!p0 [sflag:s8], $0x0  }
0x24: {  	s3 =	sadd.s32 $0x88, s3;
	s6 =	simm.s32 @!p1 $0x1082;
	[sflag:s4] =	ssyncset.s32 $0xFFFFF086  }
0x25: {  	[simem:s6], [sflag:s4] =	dma.local [hbm:s3], $0xF7A  }
0x26: {  	[smem:$0x3F99] =	sst s1;
	(tag) =	ssettag s2;
	_ =	strace s9  }
0x27: {  	s1 =	sld [smem:$0x3FA9]  }
0x28: {  	s2 =	sld [smem:$0x3FAA]  }
0x29: {  	s4 =	sld [smem:$0x3FAC]  }
0x2a: {  	p0 =	seq.s32 s5, $0x0;
	s5 =	sld [smem:$0x3FAD]  }
0x2b: {  	s6 =	sld [smem:$0x3FAE]  }
0x2c: {  	s7 =	sld [smem:$0x3FAF]  }
0x2d: {  	s3 =	simm.s32 $0x108;
	s8 =	sld [smem:$0x3FB0]  }
0x2e: {  	s3 =	simm.s32 @!p0 $0x1082;
	s9 =	sld [smem:$0x3FB1]  }
0x2f: {  	lr =	sadd.s32 s0, s3;
	s0 =	sld [smem:$0x3FA8]  }
0x30: {  	s3 =	sld [smem:$0x3FAB]  }
0x31: {  	[smem:$0x3FB4] =	sst s10  }
0x32: {  	s10 =	sld [smem:$0x3FB2];
	_ =	sdelay $0x3  }
0x33: {  	p0 =	seq.s32 s10, $0x1;
	s10 =	sld [smem:$0x3FB4];
	_ =	sdelay $0x3  }
0x34: {  	[smem:$0x3FB4] =	sst s10  }
0x35: {  	s10 =	sld [smem:$0x3FB3];
	_ =	sdelay $0x3  }
0x36: {  	p1 =	seq.s32 s10, $0x1;
	s10 =	sld [smem:$0x3FB4];
	_ =	sdelay $0x3  }
0x37: {  	[smem:$0x3FB4] =	sst s10  }
0x38: {  	s10 =	sld [smem:$0x3FB5]  }
0x39: {  	_ = 	snop;
	(pc) =	sbr.ind lr, $3  }
0x3a: {  	_ = 	snop  }
0x3b: {  	_ = 	snop  }
0x3c: {  	p2 =	seq.s32 s10, $0x1;
	s10 =	sld [smem:$0x3FB4]  }
0x3d: {  	_ =	shalt  }
0x3e: {  	_ =	shalt  }
0x3f: {  	_ =	shalt  }
0x40: {  	_ =	shalt  }
0x41: {  	_ =	shalt  }
0x42: {  	_ =	shalt  }
0x43: {  	_ =	shalt  }
0x44: {  	_ =	shalt  }
0x45: {  	_ =	shalt  }
0x46: {  	_ =	shalt  }
0x47: {  	_ =	shalt  }
0x48: {  	_ =	shalt  }
0x49: {  	_ =	shalt  }
0x4a: {  	_ =	shalt  }
0x4b: {  	_ =	shalt  }
0x4c: {  	_ =	shalt  }
0x4d: {  	_ =	shalt  }
0x4e: {  	_ =	shalt  }
0x4f: {  	_ =	shalt  }
0x50: {  	_ =	shalt  }
0x51: {  	_ =	shalt  }
0x52: {  	_ =	shalt  }
0x53: {  	_ =	shalt  }
0x54: {  	_ =	shalt  }
0x55: {  	_ =	shalt  }
0x56: {  	_ =	shalt  }
0x57: {  	_ =	shalt  }
0x58: {  	_ =	shalt  }
0x59: {  	_ =	shalt  }
0x5a: {  	_ =	shalt  }
0x5b: {  	_ =	shalt  }
0x5c: {  	_ =	shalt  }
0x5d: {  	_ =	shalt  }
0x5e: {  	_ =	shalt  }
0x5f: {  	_ =	shalt  }
0x60: {  	_ =	shalt  }
0x61: {  	_ =	shalt  }
0x62: {  	_ =	shalt  }
0x63: {  	_ =	shalt  }
0x64: {  	_ =	shalt  }
0x65: {  	_ =	shalt  }
0x66: {  	_ =	shalt  }
0x67: {  	_ =	shalt  }
0x68: {  	_ =	shalt  }
0x69: {  	_ =	shalt  }
0x6a: {  	_ =	shalt  }
0x6b: {  	_ =	shalt  }
0x6c: {  	_ =	shalt  }
0x6d: {  	_ =	shalt  }
0x6e: {  	_ =	shalt  }
0x6f: {  	_ =	shalt  }
0x70: {  	_ =	shalt  }
0x71: {  	_ =	shalt  }
0x72: {  	_ =	shalt  }
0x73: {  	_ =	shalt  }
0x74: {  	_ =	shalt  }
0x75: {  	_ =	shalt  }
0x76: {  	_ =	shalt  }
0x77: {  	_ =	shalt  }
0x78: {  	_ =	shalt  }
0x79: {  	_ =	shalt  }
0x7a: {  	_ =	shalt  }
0x7b: {  	_ =	shalt  }
0x7c: {  	_ =	shalt  }
0x7d: {  	_ =	shalt  }
0x7e: {  	_ =	shalt  }
0x7f: {  	_ =	shalt  }
0x80: {  	_ =	shalt  }
0x81: {  	_ =	shalt  }
0x82: {  	_ =	shalt  }
0x83: {  	_ =	shalt  }
0x84: {  	_ =	shalt  }
0x85: {  	_ =	shalt  }
0x86: {  	_ =	shalt  }
0x87: {  	_ =	shalt  }
.Lfunc_end0:
.L_simem_size_0:
called_computation_lowered:
.L_overlay_start_0:
0x88: {  	s2 =	sld [smem:$0x3FD9]  }
0x89: {  	s3 =	sld [smem:$0x3FFE];
	_ =	sdelay $0x1  }
0x8a: {  	s1 =	srdreg.scid  }
0x8b: {  	s0 =	sand.u32 $0x1, s1  }
0x8c: {  	s16 =	sshll.u32 s0, $0xA;
	s2 =	sadd.s32 s3, s2  }
0x8d: {  	s2 =	sadd.s32 s2, s16  }
0x8e: {  	[smem:$0x3FC0] =	sst s2  }
0x8f: {  	_ = 	snop  }
0x90: {  	(tm) =	ssettm $0x1  }
0x91: {  	s17 =	sld [smem:$0x3FFB];
	_ =	sdelay $0x3  }
0x92: {  	_ =	strace s17  }
0x93: {  	s2 =	sld [smem:$0x3FFC];
	_ =	sdelay $0x3  }
0x94: {  	_ =	strace s2  }
0x95: {  	s2 =	sld [smem:$0x3FFD];
	_ =	sdelay $0x3  }
0x96: {  	_ =	strace s2  }
0x97: {  	_ =	strace $0x8FFFFFFF  }
0x98: {  	s18 =	sld [smem:$0x3FDB];
	_ =	sdelay $0x1  }
0x99: {  	s19 =	simm.s32 $_scs_section_size  }
0x9a: {  	s4 =	simm.s32 $_size__tile_overlayer_lowered;
	s5 =	simm.s32 $_tile_overlayer_lowered  }
0x9b: {  	s22 =	simm.s32 $0x1BFF;
	s21 =	sshll.u32 s5, $0x1;
	s2 =	sadd.s32 s19, s18  }
0x9c: {  	s6 =	simm.s32 $0x0;
	s20 =	sshll.u32 s4, $0x1;
	s4 =	sadd.s32 s21, s2  }
0x9d: {  	[timem:s6], [sflag:s22] =	dma.local [hbm:s4], s20  }
0x9e: {  	_ =	swait.ge [sflag:s22], s20  }
0x9f: {  	s3 =	ssub.s32 $0x0, s20;
	[sflag:s22] =	ssyncset.done $0x0  }
0xa0: {  	[sflag:s22] =	ssyncadd.s32 s3;
	_ =	sdelay $0x1  }
0xa1: {  	s23 =	simm.s32 $0x1B8B  }
0xa2: {  	_ =	swait.ge [sflag:s23], $0x1  }
0xa3: {  	[sflag:s23] =	ssyncset.done $0x0  }
0xa4: {  	s25 =	simm.s32 $0x1B8E;
	s24 =	sld [smem:$0x3FFE];
	[sflag:s23] =	ssyncadd.s32 $0xFFFFFFFF  }
0xa5: {  	s26 =	simm.s32 $execute0_lowered;
	[smem:$0x3FD2] =	sst s25  }
0xa6: {  	s4 =	sshll.u32 s26, $0x1;
	_ =	strace $0x80000046;
	[dreg:$0x1] =	wrdreg $0xFFFFFFFF  }
0xa7: {  	s28 =	simm.s32 $_size_execute0_lowered;
	s2 =	sadd.s32 s2, s4;
	[dreg:$0x0] =	wrdreg $0x0  }
0xa8: {  	s4 =	sshll.u32 s28, $0x1;
	[dreg:$0x2] =	wrdreg s2  }
0xa9: {  	[dreg:$0x3] =	wrdreg s4  }
0xaa: {  	[dreg:$0x4] =	wrdreg $0xC0  }
0xab: {  	_ =	task [dreg:s6], $0x5FFFF  }
0xac: {  	[dreg:$0x1] =	wrdreg $0xFFFFFFFF  }
0xad: {  	[dreg:$0x0] =	wrdreg $0x60  }
0xae: {  	[dreg:$0x2] =	wrdreg s24  }
0xaf: {  	[dreg:$0x3] =	wrdreg $0x44000  }
0xb0: {  	[dreg:$0x4] =	wrdreg $0x9  }
0xb1: {  	_ =	task.clear_ibuf [dreg:s6], $0x5FFFF;
	_ =	strace $0x90000046  }
0xb2: {  	s29 =	simm.s32 $0x9;
	_ =	strace $0x80000048  }
0xb3: {  	_ =	swait.ge [sflag:s29], $0x1  }
0xb4: {  	[sflag:s29] =	ssyncadd.s32 $0xFFFFFFFF  }
0xb5: {  	_ =	strace $0x90000048  }
0xb6: {  	_ =	sfence  }
0xb7: {  	s30 =	sld [smem:$0x0];
	_ =	sdelay $0x2  }
0xb8: {  	s31 =	sshll.u32 s1, $0xD;
	s1 =	sshrl.u32 s1, $0x2  }
0xb9: {  	s3 =	sand.u32 $0x4000, s31;
	s1 =	sadd.s32 s1, s30  }
0xba: {  	s0 =	sor.u32 s3, s0;
	s1 =	sshll.u32 s1, $0x11  }
0xbb: {  	s0 =	sor.u32 s1, s0  }
0xbc: {  	s0 =	sadd.s32 $0x8F2B, s0  }
0xbd: {  	[sflag:s0] =	ssyncadd.remote.s32 $0x1  }
0xbe: {  	_ =	sfence.sel $0xFFFF  }
0xbf: {  	[dreg:$0x0] =	wrdreg $0xFFFFFFFF;
	(pc) =	sbr.abs _section_cstart, $3  }
0xc0: {  	[dreg:$0x1] =	wrdreg $0xFFFFFFFF  }
0xc1: {  	_ =	task.clear_ibuf [dreg:s6], $0x2FFFF;
	_ =	strace $0x9FFFFFFF  }
0xc2: {  	(tm) =	ssettm $0x7FFFFFFF  }
0xc3: {  	_ =	shalt  }
tec
execute0_lowered:
.L_overlay_start_1:
0x0: {  	(tag) =	ssettag $0x1  }
0x1: {  	s1 =	srdreg.scid;
	s6 =	rddreg [dreg:$0x0]  }
0x2: {  	s0 =	stileid.u32;
	s2 =	rddreg [dreg:$0x1];
	s3 =	simm.s32 $0x0  }
0x3: {  	s20 =	simm.s32 $0x80;
	s21 =	simm.s32 $0x100;
	s22 =	simm.s32 $0x180  }
0x4: {  	s23 =	simm.s32 $0x200;
	s24 =	simm.s32 $0x280;
	s4 =	smul.u32 $0x5000, s0  }
0x5: {  	s25 =	simm.s32 $0x300;
	s26 =	simm.s32 $0x380;
	s8 =	smul.u32 $0x50000, s0  }
0x6: {  	s28 =	simm.s32 $0x0;
	s7 =	sand.u32 $0x1, s1;
	s11 =	smul.u32 $0x14000, s0  }
0x7: {  	[smem:$0x7FF] =	sst s3;
	s15 =	sadd.s32 $0xD600, s6;
	s5 =	smul.u32 $0x2800, s7  }
0x8: {  	_ =	strace $0x80000047;
	s9 =	ssub.s32 $0x2, s7;
	s14 =	smul.u32 $0x140000, s7  }
0x9: {  	s10 =	sshrl.u32 s9, $0x1;
	s8 =	sshrl.u32 s8, $0x2;
	s29 =	sadd.s32 $0x4000, s11  }
0xa: {  	s13 =	sadd.s32 $0x8000, s11;
	s18 =	sadd.s32 $0xC000, s11;
	s19 =	sadd.s32 $0x10000, s11  }
0xb: {  	s4 =	sadd.s32 s5, s4;
	s5 =	sadd.s32 $0xCE00, s6;
	s16 =	ssub.s32 s9, s10  }
0xc: {  	s7 =	sadd.s32 s29, s2;
	s9 =	sadd.s32 s18, s2;
	s12 =	sadd.s32 s11, s14  }
0xd: {  	s10 =	sadd.s32 s14, s29;
	s18 =	sadd.s32 s14, s18;
	s4 =	sshrl.u32 s4, $0x3  }
0xe: {  	s30 =	sshrl.u32 s12, $0x3;
	s31 =	sshrl.u32 s10, $0x3;
	s10 =	sadd.s32 s19, s2  }
0xf: {  	s18 =	sshrl.u32 s18, $0x3;
	s16 =	smax.u32 s16, $0x1;
	s17 =	sadd.s32 s4, s6  }
0x10: {  	s4 =	sadd.s32 $0xC600, s6;
	s6 =	sadd.s32 s8, s2;
	s8 =	sadd.s32 s13, s2  }
0x11: {  	s11 =	sadd.s32 s15, s30;
	s13 =	sadd.s32 s14, s13;
	s14 =	sadd.s32 s14, s19  }
0x12: {  	s12 =	sadd.s32 s15, s31;
	s13 =	sshrl.u32 s13, $0x3;
	s19 =	sshrl.u32 s14, $0x3  }
0x13: {  	s14 =	sadd.s32 s15, s18;
	s17 =	sadd.s32 $0x2600, s17;
	s18 =	simm.s32 $0x400  }
0x14: {  	s13 =	sadd.s32 s15, s13;
	s15 =	sadd.s32 s15, s19;
	s19 =	simm.s32 $0x1  }
.LBB2_1:
0x15: {  	[tilespmem:s18], [sflag:$0x1] =	stream.linear.gather [hbm4b:s4+s3], $0x4000, $0x38;
	[tilespmem:$0x18400] =	vst v63  }
0x16: {  	_ =	swait.ge [sflag:s19], $0x4000  }
0x17: {  	[sflag:s19] =	ssyncset.done $0x0  }
0x18: {  	[sflag:s19] =	ssyncadd.s32 $0xFFFFC000  }
0x19: {  	[spmem:s6] =	stream.linear.scatter [tilespmem:s18], [sflag:$0x1], $0x4000, $0x38;
	[tilespmem:$0x18400] =	vst v63  }
0x1a: {  	_ =	swait.ge [sflag:s19], $0x4000  }
0x1b: {  	[sflag:s19] =	ssyncset.done $0x0  }
0x1c: {  	[sflag:s19] =	ssyncadd.s32 $0xFFFFC000  }
0x1d: {  	[spmem:s7] =	stream.linear.scatter [tilespmem:s18], [sflag:$0x1], $0x4000, $0x38;
	[tilespmem:$0x18400] =	vst v63  }
0x1e: {  	_ =	swait.ge [sflag:s19], $0x4000  }
0x1f: {  	[sflag:s19] =	ssyncset.done $0x0  }
0x20: {  	[sflag:s19] =	ssyncadd.s32 $0xFFFFC000  }
0x21: {  	[spmem:s8] =	stream.linear.scatter [tilespmem:s18], [sflag:$0x1], $0x4000, $0x38;
	[tilespmem:$0x18400] =	vst v63  }
0x22: {  	_ =	swait.ge [sflag:s19], $0x4000  }
0x23: {  	[sflag:s19] =	ssyncset.done $0x0  }
0x24: {  	[sflag:s19] =	ssyncadd.s32 $0xFFFFC000  }
0x25: {  	[spmem:s9] =	stream.linear.scatter [tilespmem:s18], [sflag:$0x1], $0x4000, $0x38;
	[tilespmem:$0x18400] =	vst v63  }
0x26: {  	_ =	swait.ge [sflag:s19], $0x4000  }
0x27: {  	[sflag:s19] =	ssyncset.done $0x0  }
0x28: {  	[sflag:s19] =	ssyncadd.s32 $0xFFFFC000  }
0x29: {  	[spmem:s10] =	stream.linear.scatter [tilespmem:s18], [sflag:$0x1], $0x4000, $0x38;
	[tilespmem:$0x18400] =	vst v63  }
0x2a: {  	_ =	swait.ge [sflag:s19], $0x4000  }
0x2b: {  	[sflag:s19] =	ssyncset.done $0x0  }
0x2c: {  	[sflag:s19] =	ssyncadd.s32 $0xFFFFC000  }
0x2d: {  	[tilespmem:s18], [sflag:$0x1] =	stream.linear.gather [hbm4b:s5+s3], $0x4000, $0x38;
	[tilespmem:$0x18400] =	vst v63  }
0x2e: {  	_ =	swait.ge [sflag:s19], $0x4000  }
0x2f: {  	[sflag:s19] =	ssyncset.done $0x0  }
0x30: {  	[sflag:s19] =	ssyncadd.s32 $0xFFFFC000  }
0x31: {  	s29 =	sadd.s32 $0x0, s17;
	[bflag:$0x0] =	sbarrier.arrive $0xFFFF  }
0x32: {  	[tilespmem:s3], [sflag:$0x1] =	stream.linear.gather [hbm4b:s29+s3], $0x400, $0x38;
	[tilespmem:$0x18400] =	vst v63  }
0x33: {  	_ =	swait.ge [sflag:s19], $0x400  }
0x34: {  	[sflag:s19] =	ssyncset.done $0x0  }
0x35: {  	[sflag:s19] =	ssyncadd.s32 $0xFFFFFC00  }
0x36: {  	[spmem:s2] =	stream.indirect.scatter.add.f32 [tilespmem:s18], [sflag:$0x1], $0x80, s3, s20, $0xb8;
	[tilespmem:$0x18400] =	vst v63  }
0x37: {  	_ =	swait.ge [sflag:s19], $0x4000  }
0x38: {  	[sflag:s19] =	ssyncset.done $0x0  }
0x39: {  	[sflag:s19] =	ssyncadd.s32 $0xFFFFC000  }
0x3a: {  	[spmem:s2] =	stream.indirect.scatter.add.f32 [tilespmem:s18], [sflag:$0x1], $0x80, s20, s20, $0xb8;
	[tilespmem:$0x18400] =	vst v63  }
0x3b: {  	_ =	swait.ge [sflag:s19], $0x4000  }
0x3c: {  	[sflag:s19] =	ssyncset.done $0x0  }
0x3d: {  	[sflag:s19] =	ssyncadd.s32 $0xFFFFC000  }
0x3e: {  	[spmem:s2] =	stream.indirect.scatter.add.f32 [tilespmem:s18], [sflag:$0x1], $0x80, s21, s20, $0xb8;
	[tilespmem:$0x18400] =	vst v63  }
0x3f: {  	_ =	swait.ge [sflag:s19], $0x4000  }
0x40: {  	[sflag:s19] =	ssyncset.done $0x0  }
0x41: {  	[sflag:s19] =	ssyncadd.s32 $0xFFFFC000  }
0x42: {  	[spmem:s2] =	stream.indirect.scatter.add.f32 [tilespmem:s18], [sflag:$0x1], $0x80, s22, s20, $0xb8;
	[tilespmem:$0x18400] =	vst v63  }
0x43: {  	_ =	swait.ge [sflag:s19], $0x4000  }
0x44: {  	[sflag:s19] =	ssyncset.done $0x0  }
0x45: {  	[sflag:s19] =	ssyncadd.s32 $0xFFFFC000  }
0x46: {  	[spmem:s2] =	stream.indirect.scatter.add.f32 [tilespmem:s18], [sflag:$0x1], $0x80, s23, s20, $0xb8;
	[tilespmem:$0x18400] =	vst v63  }
0x47: {  	_ =	swait.ge [sflag:s19], $0x4000  }
0x48: {  	[sflag:s19] =	ssyncset.done $0x0  }
0x49: {  	[sflag:s19] =	ssyncadd.s32 $0xFFFFC000  }
0x4a: {  	[spmem:s2] =	stream.indirect.scatter.add.f32 [tilespmem:s18], [sflag:$0x1], $0x80, s24, s20, $0xb8;
	[tilespmem:$0x18400] =	vst v63  }
0x4b: {  	_ =	swait.ge [sflag:s19], $0x4000  }
0x4c: {  	[sflag:s19] =	ssyncset.done $0x0  }
0x4d: {  	[sflag:s19] =	ssyncadd.s32 $0xFFFFC000  }
0x4e: {  	[spmem:s2] =	stream.indirect.scatter.add.f32 [tilespmem:s18], [sflag:$0x1], $0x80, s25, s20, $0xb8;
	[tilespmem:$0x18400] =	vst v63  }
0x4f: {  	_ =	swait.ge [sflag:s19], $0x4000  }
0x50: {  	[sflag:s19] =	ssyncset.done $0x0  }
0x51: {  	[sflag:s19] =	ssyncadd.s32 $0xFFFFC000  }
0x52: {  	[spmem:s2] =	stream.indirect.scatter.add.f32 [tilespmem:s18], [sflag:$0x1], $0x80, s26, s20, $0xb8;
	[tilespmem:$0x18400] =	vst v63  }
0x53: {  	_ =	swait.ge [sflag:s19], $0x4000  }
0x54: {  	s31 =	simm.s32 $0x100;
	s29 =	simm.s32 $0x80;
	[sflag:s19] =	ssyncset.done $0x0  }
.LBB2_2:
0x55: {  	s1 =	sadd.s32 s29, s17  }
0x56: {  	[sflag:s19] =	ssyncadd.s32 $0xFFFFC000;
	s29 =	smov.u32 s31;
	s30 =	sadd.s32 $0x80, s31  }
0x57: {  	[tilespmem:s3], [sflag:$0x1] =	stream.linear.gather [hbm4b:s1+s3], $0x400, $0x38;
	[tilespmem:$0x18400] =	vst v63  }
0x58: {  	p0 =	sne.s32 s31, $0x480;
	_ =	swait.ge [sflag:s19], $0x400  }
0x59: {  	[sflag:s19] =	ssyncset.done $0x0  }
0x5a: {  	[sflag:s19] =	ssyncadd.s32 $0xFFFFFC00  }
0x5b: {  	[spmem:s2] =	stream.indirect.scatter.add.f32 [tilespmem:s18], [sflag:$0x1], $0x80, s3, s20, $0xb8;
	[tilespmem:$0x18400] =	vst v63  }
0x5c: {  	_ =	swait.ge [sflag:s19], $0x4000  }
0x5d: {  	[sflag:s19] =	ssyncset.done $0x0  }
0x5e: {  	[sflag:s19] =	ssyncadd.s32 $0xFFFFC000  }
0x5f: {  	[spmem:s2] =	stream.indirect.scatter.add.f32 [tilespmem:s18], [sflag:$0x1], $0x80, s20, s20, $0xb8;
	[tilespmem:$0x18400] =	vst v63  }
0x60: {  	_ =	swait.ge [sflag:s19], $0x4000  }
0x61: {  	[sflag:s19] =	ssyncset.done $0x0  }
0x62: {  	[sflag:s19] =	ssyncadd.s32 $0xFFFFC000  }
0x63: {  	[spmem:s2] =	stream.indirect.scatter.add.f32 [tilespmem:s18], [sflag:$0x1], $0x80, s21, s20, $0xb8;
	[tilespmem:$0x18400] =	vst v63  }
0x64: {  	_ =	swait.ge [sflag:s19], $0x4000  }
0x65: {  	[sflag:s19] =	ssyncset.done $0x0  }
0x66: {  	[sflag:s19] =	ssyncadd.s32 $0xFFFFC000  }
0x67: {  	[spmem:s2] =	stream.indirect.scatter.add.f32 [tilespmem:s18], [sflag:$0x1], $0x80, s22, s20, $0xb8;
	[tilespmem:$0x18400] =	vst v63  }
0x68: {  	_ =	swait.ge [sflag:s19], $0x4000  }
0x69: {  	[sflag:s19] =	ssyncset.done $0x0  }
0x6a: {  	[sflag:s19] =	ssyncadd.s32 $0xFFFFC000  }
0x6b: {  	[spmem:s2] =	stream.indirect.scatter.add.f32 [tilespmem:s18], [sflag:$0x1], $0x80, s23, s20, $0xb8;
	[tilespmem:$0x18400] =	vst v63  }
0x6c: {  	_ =	swait.ge [sflag:s19], $0x4000  }
0x6d: {  	[sflag:s19] =	ssyncset.done $0x0  }
0x6e: {  	[sflag:s19] =	ssyncadd.s32 $0xFFFFC000  }
0x6f: {  	[spmem:s2] =	stream.indirect.scatter.add.f32 [tilespmem:s18], [sflag:$0x1], $0x80, s24, s20, $0xb8;
	[tilespmem:$0x18400] =	vst v63  }
0x70: {  	_ =	swait.ge [sflag:s19], $0x4000  }
0x71: {  	[sflag:s19] =	ssyncset.done $0x0  }
0x72: {  	[sflag:s19] =	ssyncadd.s32 $0xFFFFC000  }
0x73: {  	[spmem:s2] =	stream.indirect.scatter.add.f32 [tilespmem:s18], [sflag:$0x1], $0x80, s25, s20, $0xb8;
	[tilespmem:$0x18400] =	vst v63  }
0x74: {  	_ =	swait.ge [sflag:s19], $0x4000  }
.Ltmp0:
0x75: {  	[sflag:s19] =	ssyncset.done $0x0;
	(pc) =	sbr.rel @p0 .LBB2_2-.Ltmp0, $4  }
0x76: {  	[sflag:s19] =	ssyncadd.s32 $0xFFFFC000  }
0x77: {  	[spmem:s2] =	stream.indirect.scatter.add.f32 [tilespmem:s18], [sflag:$0x1], $0x80, s26, s20, $0xb8;
	[tilespmem:$0x18400] =	vst v63  }
0x78: {  	_ =	swait.ge [sflag:s19], $0x4000  }
0x79: {  	s31 =	smov.u32 s30;
	[sflag:s19] =	ssyncset.done $0x0  }
0x7a: {  	s1 =	sadd.s32 s29, s17;
	[sflag:s19] =	ssyncadd.s32 $0xFFFFC000  }
0x7b: {  	[tilespmem:s3], [sflag:$0x1] =	stream.linear.gather [hbm4b:s1+s3], $0x400, $0x38;
	[tilespmem:$0x18400] =	vst v63  }
0x7c: {  	_ =	swait.ge [sflag:s19], $0x400  }
0x7d: {  	[sflag:s19] =	ssyncset.done $0x0  }
0x7e: {  	[sflag:s19] =	ssyncadd.s32 $0xFFFFFC00  }
0x7f: {  	[spmem:s2] =	stream.indirect.scatter.add.f32 [tilespmem:s18], [sflag:$0x1], $0x80, s3, s20, $0xb8;
	[tilespmem:$0x18400] =	vst v63  }
0x80: {  	_ =	swait.ge [sflag:s19], $0x4000  }
0x81: {  	[sflag:s19] =	ssyncset.done $0x0  }
0x82: {  	[sflag:s19] =	ssyncadd.s32 $0xFFFFC000  }
0x83: {  	[spmem:s2] =	stream.indirect.scatter.add.f32 [tilespmem:s18], [sflag:$0x1], $0x80, s20, s20, $0xb8;
	[tilespmem:$0x18400] =	vst v63  }
0x84: {  	_ =	swait.ge [sflag:s19], $0x4000  }
0x85: {  	[sflag:s19] =	ssyncset.done $0x0  }
0x86: {  	[sflag:s19] =	ssyncadd.s32 $0xFFFFC000  }
0x87: {  	[spmem:s2] =	stream.indirect.scatter.add.f32 [tilespmem:s18], [sflag:$0x1], $0x80, s21, s20, $0xb8;
	[tilespmem:$0x18400] =	vst v63  }
0x88: {  	_ =	swait.ge [sflag:s19], $0x4000  }
0x89: {  	[sflag:s19] =	ssyncset.done $0x0  }
0x8a: {  	[sflag:s19] =	ssyncadd.s32 $0xFFFFC000  }
0x8b: {  	[spmem:s2] =	stream.indirect.scatter.add.f32 [tilespmem:s18], [sflag:$0x1], $0x80, s22, s20, $0xb8;
	[tilespmem:$0x18400] =	vst v63  }
0x8c: {  	_ =	swait.ge [sflag:s19], $0x4000  }
0x8d: {  	[sflag:s19] =	ssyncset.done $0x0  }
0x8e: {  	[sflag:s19] =	ssyncadd.s32 $0xFFFFC000  }
0x8f: {  	[spmem:s2] =	stream.indirect.scatter.add.f32 [tilespmem:s18], [sflag:$0x1], $0x80, s23, s20, $0xb8;
	[tilespmem:$0x18400] =	vst v63  }
0x90: {  	_ =	swait.ge [sflag:s19], $0x4000  }
0x91: {  	[sflag:s19] =	ssyncset.done $0x0  }
0x92: {  	[sflag:s19] =	ssyncadd.s32 $0xFFFFC000  }
0x93: {  	[spmem:s2] =	stream.indirect.scatter.add.f32 [tilespmem:s18], [sflag:$0x1], $0x80, s24, s20, $0xb8;
	[tilespmem:$0x18400] =	vst v63  }
0x94: {  	_ =	swait.ge [sflag:s19], $0x4000  }
0x95: {  	[sflag:s19] =	ssyncset.done $0x0  }
0x96: {  	[sflag:s19] =	ssyncadd.s32 $0xFFFFC000  }
0x97: {  	[spmem:s2] =	stream.indirect.scatter.add.f32 [tilespmem:s18], [sflag:$0x1], $0x80, s25, s20, $0xb8;
	[tilespmem:$0x18400] =	vst v63  }
0x98: {  	_ =	swait.ge [sflag:s19], $0x4000  }
0x99: {  	[sflag:s19] =	ssyncset.done $0x0  }
0x9a: {  	[sflag:s19] =	ssyncadd.s32 $0xFFFFC000  }
0x9b: {  	[spmem:s2] =	stream.indirect.scatter.add.f32 [tilespmem:s18], [sflag:$0x1], $0x80, s26, s20, $0xb8;
	[tilespmem:$0x18400] =	vst v63  }
0x9c: {  	_ =	swait.ge [sflag:s19], $0x4000  }
0x9d: {  	[sflag:s19] =	ssyncset.done $0x0  }
0x9e: {  	[sflag:s19] =	ssyncadd.s32 $0xFFFFC000  }
0x9f: {  	[bflag:$0x0] =	sbarrier.arrive $0xFFFF  }
0xa0: {  	[tilespmem:s18], [sflag:$0x1] =	stream.linear.gather [spmem:s6], $0x4000, $0x38;
	[tilespmem:$0x18400] =	vst v63  }
0xa1: {  	_ =	swait.ge [sflag:s19], $0x4000  }
0xa2: {  	[sflag:s19] =	ssyncset.done $0x0  }
0xa3: {  	[sflag:s19] =	ssyncadd.s32 $0xFFFFC000  }
0xa4: {  	[hbm4b:s11+s3] =	stream.linear.scatter [tilespmem:s18], [sflag:$0x1], $0x4000, $0x38;
	[tilespmem:$0x18400] =	vst v63  }
0xa5: {  	_ =	swait.ge [sflag:s19], $0x4000  }
0xa6: {  	[sflag:s19] =	ssyncset.done $0x0  }
0xa7: {  	[sflag:s19] =	ssyncadd.s32 $0xFFFFC000  }
0xa8: {  	[tilespmem:s18], [sflag:$0x1] =	stream.linear.gather [spmem:s7], $0x4000, $0x38;
	[tilespmem:$0x18400] =	vst v63  }
0xa9: {  	_ =	swait.ge [sflag:s19], $0x4000  }
0xaa: {  	[sflag:s19] =	ssyncset.done $0x0  }
0xab: {  	[sflag:s19] =	ssyncadd.s32 $0xFFFFC000  }
0xac: {  	[hbm4b:s12+s3] =	stream.linear.scatter [tilespmem:s18], [sflag:$0x1], $0x4000, $0x38;
	[tilespmem:$0x18400] =	vst v63  }
0xad: {  	_ =	swait.ge [sflag:s19], $0x4000  }
0xae: {  	[sflag:s19] =	ssyncset.done $0x0  }
0xaf: {  	[sflag:s19] =	ssyncadd.s32 $0xFFFFC000  }
0xb0: {  	[tilespmem:s18], [sflag:$0x1] =	stream.linear.gather [spmem:s8], $0x4000, $0x38;
	[tilespmem:$0x18400] =	vst v63  }
0xb1: {  	_ =	swait.ge [sflag:s19], $0x4000  }
0xb2: {  	[sflag:s19] =	ssyncset.done $0x0  }
0xb3: {  	[sflag:s19] =	ssyncadd.s32 $0xFFFFC000  }
0xb4: {  	[hbm4b:s13+s3] =	stream.linear.scatter [tilespmem:s18], [sflag:$0x1], $0x4000, $0x38;
	[tilespmem:$0x18400] =	vst v63  }
0xb5: {  	_ =	swait.ge [sflag:s19], $0x4000  }
0xb6: {  	[sflag:s19] =	ssyncset.done $0x0  }
0xb7: {  	[sflag:s19] =	ssyncadd.s32 $0xFFFFC000  }
0xb8: {  	[tilespmem:s18], [sflag:$0x1] =	stream.linear.gather [spmem:s9], $0x4000, $0x38;
	[tilespmem:$0x18400] =	vst v63  }
0xb9: {  	_ =	swait.ge [sflag:s19], $0x4000  }
0xba: {  	[sflag:s19] =	ssyncset.done $0x0  }
0xbb: {  	[sflag:s19] =	ssyncadd.s32 $0xFFFFC000  }
0xbc: {  	[hbm4b:s14+s3] =	stream.linear.scatter [tilespmem:s18], [sflag:$0x1], $0x4000, $0x38;
	[tilespmem:$0x18400] =	vst v63  }
0xbd: {  	_ =	swait.ge [sflag:s19], $0x4000  }
0xbe: {  	[sflag:s19] =	ssyncset.done $0x0  }
0xbf: {  	[sflag:s19] =	ssyncadd.s32 $0xFFFFC000  }
0xc0: {  	[tilespmem:s18], [sflag:$0x1] =	stream.linear.gather [spmem:s10], $0x4000, $0x38;
	[tilespmem:$0x18400] =	vst v63  }
0xc1: {  	s28 =	sadd.s32 $0x1, s28;
	_ =	swait.ge [sflag:s19], $0x4000  }
0xc2: {  	p0 =	sne.s32 s28, s16;
	[sflag:s19] =	ssyncset.done $0x0  }
.Ltmp1:
0xc3: {  	[sflag:s19] =	ssyncadd.s32 $0xFFFFC000;
	(pc) =	sbr.rel @p0 .LBB2_1-.Ltmp1, $4  }
0xc4: {  	[hbm4b:s15+s3] =	stream.linear.scatter [tilespmem:s18], [sflag:$0x1], $0x4000, $0x38;
	[tilespmem:$0x18400] =	vst v63  }
0xc5: {  	_ =	swait.ge [sflag:s19], $0x4000  }
0xc6: {  	[sflag:s19] =	ssyncset.done $0x0  }
0xc7: {  	[sflag:s19] =	ssyncadd.s32 $0xFFFFC000  }
0xc8: {  	_ =	sfence.sel $0x180000  }
0xc9: {  	[bflag:$0x0] =	sbarrier.arrive $0xFFFF  }
0xca: {  	_ =	strace $0x90000047  }
0xcb: {  	[bflag:$0x2] =	sbarrier.arrive $0xFFFF  }
0xcc: {  	p0 =	sne.s32 s0, $0x0;
	s0 =	rddreg [dreg:$0x2]  }
0xcd: {  	s0 =	sadd.s32 @!p0 $0x100000, s0  }
0xce: {  	[sflag:s0] =	ssyncadd.tile.s32 @!p0 $0x1;
	_ =	shalt  }
.Lfunc_end2:
_tile_overlayer_lowered:
.L_overlay_start_2:
0xcf: {  	(tag) =	ssettag $0x2  }
0xd0: {  	s0 =	rddreg [dreg:$0x0];
	s2 =	stileid.u32  }
0xd1: {  	s1 =	rddreg [dreg:$0x1];
	p0 =	sne.s32 s2, $0x0  }
0xd2: {  	s3 =	rddreg [dreg:$0x2];
	[bflag:$0x3] =	sbarrier.arrive $0xFFFF;
	s2 =	simm.s32 @!p0 $0x1C01  }
0xd3: {  	[timem:s3], [sflag:s2] =	dma.local @!p0 [hbm:s0], s1  }
0xd4: {  	s0 =	simm.s32 @!p0 $0x1  }
0xd5: {  	_ =	swait.ge @!p0 [sflag:s0], s1  }
0xd6: {  	s1 =	ssub.s32 @!p0 $0x0, s1;
	[sflag:s0] =	ssyncset.done @!p0 $0x0  }
0xd7: {  	[sflag:s0] =	ssyncadd.s32 @!p0 s1  }
0xd8: {  	[bflag:$0x3] =	sbarrier.arrive $0xFFFF  }
0xd9: {  	_ =	shalt  }

</sc_bundles>
